<compile_context>
chip_gen: v7x
topology: tpu7x:2x2x1
jax: 0.10.2.dev20260603
libtpu: 0.0.44.dev20260713+nightly
codegen_flags: <defaults>
</compile_context>

<pallas_src>
import functools

import jax
import jax.numpy as jnp
from jax import lax
from jax.experimental import pallas as pl
from jax.experimental.pallas import tpu as pltpu
from jax.experimental.pallas import tpu_sc as plsc

_B = 4096
_E = 128
_S = _B // _E
_NEG = 20
_NC, _NS = 2, 16
_NW = _NC * _NS
_PER = _B // _NW
_TCG = 32


def _sc_gather_body(ww_hbm, wc_hbm, x_hbm, y_hbm, neg_hbm,
                    outxp_hbm, outyg_hbm, outn_hbm,
                    idxx_v, idxy_v, idxn_v, didx_v, gx_v, gy_v, gn_v,
                    sem_x, sem_y, sem_n, sem_o):
    wid = lax.axis_index("s") * _NC + lax.axis_index("c")
    base = wid * _PER
    ld_x = pltpu.async_copy(x_hbm.at[pl.ds(base, _PER)], idxx_v, sem_x)
    ld_y = pltpu.async_copy(y_hbm.at[pl.ds(base, _PER)], idxy_v, sem_y)
    ld_x.wait()
    cp_x = pltpu.async_copy(ww_hbm.at[idxx_v], gx_v, sem_x)
    ld_y.wait()
    cp_y = pltpu.async_copy(wc_hbm.at[idxy_v], gy_v, sem_y)

    lane = lax.broadcasted_iota(jnp.int32, (16,), 0) * 128
    for t in range(_PER // 16):
        didx_v[pl.ds(t * 16, 16)] = lane + (2048 * (t % 2) + 4 * wid + t // 2)

    @pl.when(wid == 0)
    def _neg_path():
        pltpu.sync_copy(neg_hbm, idxn_v)
        pltpu.async_copy(wc_hbm.at[idxn_v], gn_v, sem_n).wait()
        pltpu.sync_copy(gn_v, outn_hbm)

    cp_x.wait()
    wb_xp = pltpu.async_copy(gx_v, outxp_hbm.at[didx_v], sem_o)
    cp_y.wait()
    wb_yg = pltpu.async_copy(gy_v, outyg_hbm.at[didx_v], sem_o)
    wb_xp.wait()
    wb_yg.wait()


@functools.cache
def _sc_gather():
    mesh = plsc.VectorSubcoreMesh(core_axis_name="c", subcore_axis_name="s",
                                  num_cores=_NC, num_subcores=_NS)
    return pl.kernel(
        _sc_gather_body,
        out_type=(
            jax.ShapeDtypeStruct((_B, _E), jnp.float32),
            jax.ShapeDtypeStruct((_B, _E), jnp.float32),
            jax.ShapeDtypeStruct((_NEG, _E), jnp.float32),
        ),
        mesh=mesh,
        scratch_types=[
            pltpu.VMEM((_PER,), jnp.int32),
            pltpu.VMEM((_PER,), jnp.int32),
            pltpu.VMEM((_NEG,), jnp.int32),
            pltpu.VMEM((_PER,), jnp.int32),
            pltpu.VMEM((_PER, _E), jnp.float32),
            pltpu.VMEM((_PER, _E), jnp.float32),
            pltpu.VMEM((_NEG, _E), jnp.float32),
            pltpu.SemaphoreType.DMA,
            pltpu.SemaphoreType.DMA,
            pltpu.SemaphoreType.DMA,
            pltpu.SemaphoreType.DMA,
        ],
    )


def _nls(z):
    return jnp.maximum(-z, 0.0) + jnp.log(1.0 + jnp.exp(-jnp.abs(z)))


def _tc_body(xp_ref, yg_ref, ng_ref, out_ref):
    ng = ng_ref[...].astype(jnp.bfloat16)
    xpv = xp_ref[...]
    xp4 = xpv.reshape(_S, _S // 2, 8, _E)
    pi = lax.broadcasted_iota(jnp.int32, (2 * _E, _E), 0)
    ci = lax.broadcasted_iota(jnp.int32, (2 * _E, _E), 1)
    v = pi % 8
    s = pi // 8
    mask0 = (v < 4) & (ci == 32 * v + s)
    mask1 = (v >= 4) & (ci == 32 * (v - 4) + s)
    acc = jnp.float32(0.0)
    for gg in range(_S // 2):
        fb = xp4[:, gg, :, :].reshape(2 * _E, _E).astype(jnp.bfloat16)
        yg0 = yg_ref[pl.ds((2 * gg) * _E, _E), :].astype(jnp.bfloat16)
        yg1 = yg_ref[pl.ds((2 * gg + 1) * _E, _E), :].astype(jnp.bfloat16)
        m0 = jnp.dot(fb, yg0, preferred_element_type=jnp.float32)
        m1 = jnp.dot(fb, yg1, preferred_element_type=jnp.float32)
        d0 = jnp.sum(jnp.where(mask0, m0, 0.0), axis=0, keepdims=True)
        d1 = jnp.sum(jnp.where(mask1, m1, 0.0), axis=0, keepdims=True)
        nb0 = jnp.dot(
            ng, xpv[(2 * gg) * _E:(2 * gg + 1) * _E, :].astype(jnp.bfloat16),
            preferred_element_type=jnp.float32)
        nb1 = jnp.dot(
            ng, xpv[(2 * gg + 1) * _E:(2 * gg + 2) * _E, :].astype(
                jnp.bfloat16),
            preferred_element_type=jnp.float32)
        acc += ((jnp.sum(_nls(d0)) + jnp.sum(_nls(d1))) * (1.0 / _B)
                + jnp.sum(_nls(-nb0)) + jnp.sum(_nls(-nb1)))
    out_ref[0, 0] = acc


def _tc_reduce(outxp, outyg, outn):
    return pl.pallas_call(
        _tc_body,
        in_specs=[
            pl.BlockSpec((_B, _E), lambda: (0, 0)),
            pl.BlockSpec((_B, _E), lambda: (0, 0)),
            pl.BlockSpec((_NEG, _E), lambda: (0, 0)),
        ],
        out_specs=pl.BlockSpec((1, 1), lambda: (0, 0),
                               memory_space=pltpu.SMEM),
        out_shape=jax.ShapeDtypeStruct((1, 1), jnp.float32),
    )(outxp, outyg, outn)


def kernel(x, y, neg_samples, W_word, W_ctx):
    x = x.astype(jnp.int32)
    y = y.astype(jnp.int32)
    neg = neg_samples.astype(jnp.int32)
    outxp, outyg, outn = _sc_gather()(W_word, W_ctx, x, y, neg)
    res = _tc_reduce(outxp, outyg, outn)
    return res[0, 0]

# --- scband reference (transcript-rebuilt; emitter-appended) ---
"""Pipeline reference for scband-embeddings-47785806135471 (READ-ONLY COPY).

The authoritative reference and input builder live on the scoring server;
editing this copy changes nothing except your own understanding.
"""

import jax, jax.numpy as jnp
import numpy as np

VOCAB = 100000
EMB = 128
BATCH = 4096
NEG = 20

def setup_inputs(seed: int = 0) -> dict:
    key = jax.random.key(seed)
    k1, k2, k3, k4, k5 = jax.random.split(key, 5)
    x = jax.random.randint(k1, (BATCH,), 0, VOCAB, dtype=jnp.int64) if jax.config.jax_enable_x64 else jax.random.randint(k1, (BATCH,), 0, VOCAB, dtype=jnp.int32)
    y = jax.random.randint(k2, (BATCH,), 0, VOCAB, dtype=x.dtype)
    neg_samples = jax.random.randint(k3, (NEG,), 0, VOCAB, dtype=x.dtype)
    W_word = jax.random.normal(k4, (VOCAB, EMB), dtype=jnp.float32)
    W_ctx = jax.random.normal(k5, (VOCAB, EMB), dtype=jnp.float32)
    return {"x": x, "y": y, "neg_samples": neg_samples, "W_word": W_word, "W_ctx": W_ctx}

def reference(x, y, neg_samples, W_word, W_ctx):
    # word_to_embedding(x)
    x_emb = jnp.take(W_word, x, axis=0)            # (B, E)
    # embedding_to_context(y)
    y_emb = jnp.take(W_ctx, y, axis=0)             # (B, E)
    B, E = x_emb.shape
    # faithful to torch: y_embeddings.view(emb_size, batch_size) is a RESHAPE, not transpose
    logits = x_emb @ y_emb.reshape(E, B)           # (B, B)
    positive_output = -jax.nn.log_sigmoid(jnp.diag(logits))  # (B,)
    # negative sampling embeddings, negated
    neg_emb = -jnp.take(W_ctx, neg_samples, axis=0)           # (NEG, E)
    negative_output = -jax.nn.log_sigmoid(neg_emb @ x_emb.reshape(E, B))  # (NEG, B)
    return positive_output.mean() + negative_output.sum()

if __name__ == "__main__":
    import jax
    _d = setup_inputs()
    print(jax.jit(kernel)(*tuple(_d.values())))

</pallas_src>

<mosaic_0001>
#map = affine_map<(d0, d1) -> (0, 0)>
#map1 = affine_map<(d0, d1) -> (0)>
module attributes {stable_mosaic.version = 14 : i64} {
  func.func @_sc_gather_body(%arg0: i32, %arg1: i32, %arg2: memref<100000x128xf32, #tpu.memory_space<hbm>>, %arg3: memref<100000x128xf32, #tpu.memory_space<hbm>>, %arg4: memref<4096xi32, #tpu.memory_space<hbm>>, %arg5: memref<4096xi32, #tpu.memory_space<hbm>>, %arg6: memref<20xi32, #tpu.memory_space<hbm>>, %arg7: memref<4096x128xf32, #tpu.memory_space<hbm>>, %arg8: memref<4096x128xf32, #tpu.memory_space<hbm>>, %arg9: memref<20x128xf32, #tpu.memory_space<hbm>>, %arg10: memref<128xi32, #tpu.memory_space<vmem>>, %arg11: memref<128xi32, #tpu.memory_space<vmem>>, %arg12: memref<20xi32, #tpu.memory_space<vmem>>, %arg13: memref<128xi32, #tpu.memory_space<vmem>>, %arg14: memref<128x128xf32, #tpu.memory_space<vmem>>, %arg15: memref<128x128xf32, #tpu.memory_space<vmem>>, %arg16: memref<20x128xf32, #tpu.memory_space<vmem>>, %arg17: memref<!tpu.dma_semaphore, #tpu.memory_space<semaphore_mem>>, %arg18: memref<!tpu.dma_semaphore, #tpu.memory_space<semaphore_mem>>, %arg19: memref<!tpu.dma_semaphore, #tpu.memory_space<semaphore_mem>>, %arg20: memref<!tpu.dma_semaphore, #tpu.memory_space<semaphore_mem>>) attributes {dimension_semantics = [#tpu.dimension_semantics<core_parallel>, #tpu.dimension_semantics<subcore_parallel>], iteration_bounds = array<i64: 2, 16>, scalar_prefetch = 0 : i64, scratch_operands = 11 : i64, tpu.core_type = #tpu.core_type<sc_vector_subcore>, window_params = [{transform_indices = #map}, {transform_indices = #map}, {transform_indices = #map1}, {transform_indices = #map1}, {transform_indices = #map1}, {transform_indices = #map}, {transform_indices = #map}, {transform_indices = #map}]} {
    %mul3A = arith.constant 2 : i32
    %mul3A_0 = arith.muli %arg1, %mul3A : i32
    %add3A = arith.addi %mul3A_0, %arg0 : i32
    %mul3A_1 = arith.constant 128 : i32
    %mul3A_2 = arith.muli %add3A, %mul3A_1 : i32
    %dma_start3A = tpu.memref_slice %arg4[%mul3A_2] : memref<4096xi32, #tpu.memory_space<hbm>> -> memref<128xi32, #tpu.memory_space<hbm>>
    %dma_start3A_3 = tpu.memref_slice %arg4[%mul3A_2] : memref<4096xi32, #tpu.memory_space<hbm>> -> memref<128xi32, #tpu.memory_space<hbm>>
    tpu.enqueue_dma source(%dma_start3A_3 : memref<128xi32, #tpu.memory_space<hbm>>) target(%arg10 : memref<128xi32, #tpu.memory_space<vmem>>) target_semaphore(%arg17 : memref<!tpu.dma_semaphore, #tpu.memory_space<semaphore_mem>>)
    %dma_start3A_4 = tpu.memref_slice %arg5[%mul3A_2] : memref<4096xi32, #tpu.memory_space<hbm>> -> memref<128xi32, #tpu.memory_space<hbm>>
    %dma_start3A_5 = tpu.memref_slice %arg5[%mul3A_2] : memref<4096xi32, #tpu.memory_space<hbm>> -> memref<128xi32, #tpu.memory_space<hbm>>
    tpu.enqueue_dma source(%dma_start3A_5 : memref<128xi32, #tpu.memory_space<hbm>>) target(%arg11 : memref<128xi32, #tpu.memory_space<vmem>>) target_semaphore(%arg18 : memref<!tpu.dma_semaphore, #tpu.memory_space<semaphore_mem>>)
    %dma_wait3A = tpu.memref_slice %arg4[%mul3A_2] : memref<4096xi32, #tpu.memory_space<hbm>> -> memref<128xi32, #tpu.memory_space<hbm>>
    %dma_wait3A_6 = tpu.memref_slice %arg4[%mul3A_2] : memref<4096xi32, #tpu.memory_space<hbm>> -> memref<128xi32, #tpu.memory_space<hbm>>
    tpu.wait_dma2 semaphore(%arg17 : memref<!tpu.dma_semaphore, #tpu.memory_space<semaphore_mem>>) src(%dma_wait3A_6 : memref<128xi32, #tpu.memory_space<hbm>>) dst(%arg10 : memref<128xi32, #tpu.memory_space<vmem>>)
    %dma_start3A_7 = arith.constant 0 : i32
    %dma_start3A_8 = arith.constant 0 : i32
    %dma_start3A_9 = tpu.memref_slice %arg2[%dma_start3A_7, %dma_start3A_8] : memref<100000x128xf32, #tpu.memory_space<hbm>> -> memref<100000x128xf32, #tpu.memory_space<hbm>>
    tpu.enqueue_indirect_dma source(%dma_start3A_9 : memref<100000x128xf32, #tpu.memory_space<hbm>>) target(%arg14 : memref<128x128xf32, #tpu.memory_space<vmem>>) offsets(%arg10 : memref<128xi32, #tpu.memory_space<vmem>>) semaphore(%arg17 : memref<!tpu.dma_semaphore, #tpu.memory_space<semaphore_mem>>)
    %dma_wait3A_10 = tpu.memref_slice %arg5[%mul3A_2] : memref<4096xi32, #tpu.memory_space<hbm>> -> memref<128xi32, #tpu.memory_space<hbm>>
    %dma_wait3A_11 = tpu.memref_slice %arg5[%mul3A_2] : memref<4096xi32, #tpu.memory_space<hbm>> -> memref<128xi32, #tpu.memory_space<hbm>>
    tpu.wait_dma2 semaphore(%arg18 : memref<!tpu.dma_semaphore, #tpu.memory_space<semaphore_mem>>) src(%dma_wait3A_11 : memref<128xi32, #tpu.memory_space<hbm>>) dst(%arg11 : memref<128xi32, #tpu.memory_space<vmem>>)
    %dma_start3A_12 = arith.constant 0 : i32
    %dma_start3A_13 = arith.constant 0 : i32
    %dma_start3A_14 = tpu.memref_slice %arg3[%dma_start3A_12, %dma_start3A_13] : memref<100000x128xf32, #tpu.memory_space<hbm>> -> memref<100000x128xf32, #tpu.memory_space<hbm>>
    tpu.enqueue_indirect_dma source(%dma_start3A_14 : memref<100000x128xf32, #tpu.memory_space<hbm>>) target(%arg15 : memref<128x128xf32, #tpu.memory_space<vmem>>) offsets(%arg11 : memref<128xi32, #tpu.memory_space<vmem>>) semaphore(%arg18 : memref<!tpu.dma_semaphore, #tpu.memory_space<semaphore_mem>>)
    %iota3A = tpu.iota {dimensions = array<i32: 0>} : vector<16xi32>
    %mul3A_15 = arith.constant 128 : i32
    %mul3A_16 = vector.broadcast %mul3A_15 : i32 to vector<16xi32>
    %mul3A_17 = arith.muli %iota3A, %mul3A_16 : vector<16xi32>
    %mul3A_18 = arith.constant 4 : i32
    %mul3A_19 = arith.muli %mul3A_18, %add3A : i32
    %add3A_20 = arith.constant 0 : i32
    %add3A_21 = arith.addi %add3A_20, %mul3A_19 : i32
    %add3A_22 = arith.constant 0 : i32
    %add3A_23 = arith.addi %add3A_21, %add3A_22 : i32
    %add3A_24 = vector.broadcast %add3A_23 : i32 to vector<16xi32>
    %add3A_25 = arith.addi %mul3A_17, %add3A_24 : vector<16xi32>
    %swap3A = arith.constant 0 : index
    %swap3A_26 = tpu.vector_load %arg13[%swap3A] {strides = array<i32>} : memref<128xi32, #tpu.memory_space<vmem>>, vector<16xi32>,
    %swap3A_27 = vector.shape_cast %swap3A_26 : vector<16xi32> to vector<16xi32>
    %swap3A_28 = vector.shape_cast %add3A_25 : vector<16xi32> to vector<16xi32>
    tpu.vector_store %arg13[%swap3A], %swap3A_28 {strides = array<i32>} : memref<128xi32, #tpu.memory_space<vmem>>, vector<16xi32>,
    %mul3A_29 = arith.constant 4 : i32
    %mul3A_30 = arith.muli %mul3A_29, %add3A : i32
    %add3A_31 = arith.constant 2048 : i32
    %add3A_32 = arith.addi %add3A_31, %mul3A_30 : i32
    %add3A_33 = arith.constant 0 : i32
    %add3A_34 = arith.addi %add3A_32, %add3A_33 : i32
    %add3A_35 = vector.broadcast %add3A_34 : i32 to vector<16xi32>
    %add3A_36 = arith.addi %mul3A_17, %add3A_35 : vector<16xi32>
    %swap3A_37 = arith.constant 16 : index
    %swap3A_38 = tpu.vector_load %arg13[%swap3A_37] {strides = array<i32>} : memref<128xi32, #tpu.memory_space<vmem>>, vector<16xi32>,
    %swap3A_39 = vector.shape_cast %swap3A_38 : vector<16xi32> to vector<16xi32>
    %swap3A_40 = vector.shape_cast %add3A_36 : vector<16xi32> to vector<16xi32>
    tpu.vector_store %arg13[%swap3A_37], %swap3A_40 {strides = array<i32>} : memref<128xi32, #tpu.memory_space<vmem>>, vector<16xi32>,
    %mul3A_41 = arith.constant 4 : i32
    %mul3A_42 = arith.muli %mul3A_41, %add3A : i32
    %add3A_43 = arith.constant 0 : i32
    %add3A_44 = arith.addi %add3A_43, %mul3A_42 : i32
    %add3A_45 = arith.constant 1 : i32
    %add3A_46 = arith.addi %add3A_44, %add3A_45 : i32
    %add3A_47 = vector.broadcast %add3A_46 : i32 to vector<16xi32>
    %add3A_48 = arith.addi %mul3A_17, %add3A_47 : vector<16xi32>
    %swap3A_49 = arith.constant 32 : index
    %swap3A_50 = tpu.vector_load %arg13[%swap3A_49] {strides = array<i32>} : memref<128xi32, #tpu.memory_space<vmem>>, vector<16xi32>,
    %swap3A_51 = vector.shape_cast %swap3A_50 : vector<16xi32> to vector<16xi32>
    %swap3A_52 = vector.shape_cast %add3A_48 : vector<16xi32> to vector<16xi32>
    tpu.vector_store %arg13[%swap3A_49], %swap3A_52 {strides = array<i32>} : memref<128xi32, #tpu.memory_space<vmem>>, vector<16xi32>,
    %mul3A_53 = arith.constant 4 : i32
    %mul3A_54 = arith.muli %mul3A_53, %add3A : i32
    %add3A_55 = arith.constant 2048 : i32
    %add3A_56 = arith.addi %add3A_55, %mul3A_54 : i32
    %add3A_57 = arith.constant 1 : i32
    %add3A_58 = arith.addi %add3A_56, %add3A_57 : i32
    %add3A_59 = vector.broadcast %add3A_58 : i32 to vector<16xi32>
    %add3A_60 = arith.addi %mul3A_17, %add3A_59 : vector<16xi32>
    %swap3A_61 = arith.constant 48 : index
    %swap3A_62 = tpu.vector_load %arg13[%swap3A_61] {strides = array<i32>} : memref<128xi32, #tpu.memory_space<vmem>>, vector<16xi32>,
    %swap3A_63 = vector.shape_cast %swap3A_62 : vector<16xi32> to vector<16xi32>
    %swap3A_64 = vector.shape_cast %add3A_60 : vector<16xi32> to vector<16xi32>
    tpu.vector_store %arg13[%swap3A_61], %swap3A_64 {strides = array<i32>} : memref<128xi32, #tpu.memory_space<vmem>>, vector<16xi32>,
    %mul3A_65 = arith.constant 4 : i32
    %mul3A_66 = arith.muli %mul3A_65, %add3A : i32
    %add3A_67 = arith.constant 0 : i32
    %add3A_68 = arith.addi %add3A_67, %mul3A_66 : i32
    %add3A_69 = arith.constant 2 : i32
    %add3A_70 = arith.addi %add3A_68, %add3A_69 : i32
    %add3A_71 = vector.broadcast %add3A_70 : i32 to vector<16xi32>
    %add3A_72 = arith.addi %mul3A_17, %add3A_71 : vector<16xi32>
    %swap3A_73 = arith.constant 64 : index
    %swap3A_74 = tpu.vector_load %arg13[%swap3A_73] {strides = array<i32>} : memref<128xi32, #tpu.memory_space<vmem>>, vector<16xi32>,
    %swap3A_75 = vector.shape_cast %swap3A_74 : vector<16xi32> to vector<16xi32>
    %swap3A_76 = vector.shape_cast %add3A_72 : vector<16xi32> to vector<16xi32>
    tpu.vector_store %arg13[%swap3A_73], %swap3A_76 {strides = array<i32>} : memref<128xi32, #tpu.memory_space<vmem>>, vector<16xi32>,
    %mul3A_77 = arith.constant 4 : i32
    %mul3A_78 = arith.muli %mul3A_77, %add3A : i32
    %add3A_79 = arith.constant 2048 : i32
    %add3A_80 = arith.addi %add3A_79, %mul3A_78 : i32
    %add3A_81 = arith.constant 2 : i32
    %add3A_82 = arith.addi %add3A_80, %add3A_81 : i32
    %add3A_83 = vector.broadcast %add3A_82 : i32 to vector<16xi32>
    %add3A_84 = arith.addi %mul3A_17, %add3A_83 : vector<16xi32>
    %swap3A_85 = arith.constant 80 : index
    %swap3A_86 = tpu.vector_load %arg13[%swap3A_85] {strides = array<i32>} : memref<128xi32, #tpu.memory_space<vmem>>, vector<16xi32>,
    %swap3A_87 = vector.shape_cast %swap3A_86 : vector<16xi32> to vector<16xi32>
    %swap3A_88 = vector.shape_cast %add3A_84 : vector<16xi32> to vector<16xi32>
    tpu.vector_store %arg13[%swap3A_85], %swap3A_88 {strides = array<i32>} : memref<128xi32, #tpu.memory_space<vmem>>, vector<16xi32>,
    %mul3A_89 = arith.constant 4 : i32
    %mul3A_90 = arith.muli %mul3A_89, %add3A : i32
    %add3A_91 = arith.constant 0 : i32
    %add3A_92 = arith.addi %add3A_91, %mul3A_90 : i32
    %add3A_93 = arith.constant 3 : i32
    %add3A_94 = arith.addi %add3A_92, %add3A_93 : i32
    %add3A_95 = vector.broadcast %add3A_94 : i32 to vector<16xi32>
    %add3A_96 = arith.addi %mul3A_17, %add3A_95 : vector<16xi32>
    %swap3A_97 = arith.constant 96 : index
    %swap3A_98 = tpu.vector_load %arg13[%swap3A_97] {strides = array<i32>} : memref<128xi32, #tpu.memory_space<vmem>>, vector<16xi32>,
    %swap3A_99 = vector.shape_cast %swap3A_98 : vector<16xi32> to vector<16xi32>
    %swap3A_100 = vector.shape_cast %add3A_96 : vector<16xi32> to vector<16xi32>
    tpu.vector_store %arg13[%swap3A_97], %swap3A_100 {strides = array<i32>} : memref<128xi32, #tpu.memory_space<vmem>>, vector<16xi32>,
    %mul3A_101 = arith.constant 4 : i32
    %mul3A_102 = arith.muli %mul3A_101, %add3A : i32
    %add3A_103 = arith.constant 2048 : i32
    %add3A_104 = arith.addi %add3A_103, %mul3A_102 : i32
    %add3A_105 = arith.constant 3 : i32
    %add3A_106 = arith.addi %add3A_104, %add3A_105 : i32
    %add3A_107 = vector.broadcast %add3A_106 : i32 to vector<16xi32>
    %add3A_108 = arith.addi %mul3A_17, %add3A_107 : vector<16xi32>
    %swap3A_109 = arith.constant 112 : index
    %swap3A_110 = tpu.vector_load %arg13[%swap3A_109] {strides = array<i32>} : memref<128xi32, #tpu.memory_space<vmem>>, vector<16xi32>,
    %swap3A_111 = vector.shape_cast %swap3A_110 : vector<16xi32> to vector<16xi32>
    %swap3A_112 = vector.shape_cast %add3A_108 : vector<16xi32> to vector<16xi32>
    tpu.vector_store %arg13[%swap3A_109], %swap3A_112 {strides = array<i32>} : memref<128xi32, #tpu.memory_space<vmem>>, vector<16xi32>,
    %eq3A = arith.constant 0 : i32
    %eq3A_113 = arith.cmpi eq, %add3A, %eq3A : i32
    %convert_element_type3A = arith.extui %eq3A_113 : i1 to i32
    %cond3A = arith.constant 0 : i32
    %cond3A_114 = arith.cmpi ne, %convert_element_type3A, %cond3A : i32
    scf.if %cond3A_114 {
      "tpu.region"() ({
        %run_scoped3A = tpu.sem_alloc : memref<!tpu.dma_semaphore, #tpu.memory_space<semaphore_mem>>
        tpu.enqueue_dma source(%arg6 : memref<20xi32, #tpu.memory_space<hbm>>) target(%arg12 : memref<20xi32, #tpu.memory_space<vmem>>) target_semaphore(%run_scoped3A : memref<!tpu.dma_semaphore, #tpu.memory_space<semaphore_mem>>)
        tpu.wait_dma2 semaphore(%run_scoped3A : memref<!tpu.dma_semaphore, #tpu.memory_space<semaphore_mem>>) src(%arg6 : memref<20xi32, #tpu.memory_space<hbm>>) dst(%arg12 : memref<20xi32, #tpu.memory_space<vmem>>)
        tpu.yield
      }) : () -> ()
      %dma_start3A_133 = arith.constant 0 : i32
      %dma_start3A_134 = arith.constant 0 : i32
      %dma_start3A_135 = tpu.memref_slice %arg3[%dma_start3A_133, %dma_start3A_134] : memref<100000x128xf32, #tpu.memory_space<hbm>> -> memref<100000x128xf32, #tpu.memory_space<hbm>>
      tpu.enqueue_indirect_dma source(%dma_start3A_135 : memref<100000x128xf32, #tpu.memory_space<hbm>>) target(%arg16 : memref<20x128xf32, #tpu.memory_space<vmem>>) offsets(%arg12 : memref<20xi32, #tpu.memory_space<vmem>>) semaphore(%arg19 : memref<!tpu.dma_semaphore, #tpu.memory_space<semaphore_mem>>)
      %dma_wait3A_136 = arith.constant 0 : i32
      %dma_wait3A_137 = arith.constant 0 : i32
      %dma_wait3A_138 = tpu.memref_slice %arg3[%dma_wait3A_136, %dma_wait3A_137] : memref<100000x128xf32, #tpu.memory_space<hbm>> -> memref<100000x128xf32, #tpu.memory_space<hbm>>
      tpu.wait_indirect_dma semaphore(%arg19 : memref<!tpu.dma_semaphore, #tpu.memory_space<semaphore_mem>>) src(%dma_wait3A_138 : memref<100000x128xf32, #tpu.memory_space<hbm>>) dst(%arg16 : memref<20x128xf32, #tpu.memory_space<vmem>>)
      "tpu.region"() ({
        %run_scoped3A = tpu.sem_alloc : memref<!tpu.dma_semaphore, #tpu.memory_space<semaphore_mem>>
        tpu.enqueue_dma source(%arg16 : memref<20x128xf32, #tpu.memory_space<vmem>>) target(%arg9 : memref<20x128xf32, #tpu.memory_space<hbm>>) target_semaphore(%run_scoped3A : memref<!tpu.dma_semaphore, #tpu.memory_space<semaphore_mem>>)
        tpu.wait_dma2 semaphore(%run_scoped3A : memref<!tpu.dma_semaphore, #tpu.memory_space<semaphore_mem>>) src(%arg16 : memref<20x128xf32, #tpu.memory_space<vmem>>) dst(%arg9 : memref<20x128xf32, #tpu.memory_space<hbm>>)
        tpu.yield
      }) : () -> ()
    } else {
    }
    %dma_wait3A_115 = arith.constant 0 : i32
    %dma_wait3A_116 = arith.constant 0 : i32
    %dma_wait3A_117 = tpu.memref_slice %arg2[%dma_wait3A_115, %dma_wait3A_116] : memref<100000x128xf32, #tpu.memory_space<hbm>> -> memref<100000x128xf32, #tpu.memory_space<hbm>>
    tpu.wait_indirect_dma semaphore(%arg17 : memref<!tpu.dma_semaphore, #tpu.memory_space<semaphore_mem>>) src(%dma_wait3A_117 : memref<100000x128xf32, #tpu.memory_space<hbm>>) dst(%arg14 : memref<128x128xf32, #tpu.memory_space<vmem>>)
    %dma_start3A_118 = arith.constant 0 : i32
    %dma_start3A_119 = arith.constant 0 : i32
    %dma_start3A_120 = tpu.memref_slice %arg7[%dma_start3A_118, %dma_start3A_119] : memref<4096x128xf32, #tpu.memory_space<hbm>> -> memref<4096x128xf32, #tpu.memory_space<hbm>>
    tpu.enqueue_indirect_dma source(%arg14 : memref<128x128xf32, #tpu.memory_space<vmem>>) target(%dma_start3A_120 : memref<4096x128xf32, #tpu.memory_space<hbm>>) offsets(%arg13 : memref<128xi32, #tpu.memory_space<vmem>>) semaphore(%arg20 : memref<!tpu.dma_semaphore, #tpu.memory_space<semaphore_mem>>)
    %dma_wait3A_121 = arith.constant 0 : i32
    %dma_wait3A_122 = arith.constant 0 : i32
    %dma_wait3A_123 = tpu.memref_slice %arg3[%dma_wait3A_121, %dma_wait3A_122] : memref<100000x128xf32, #tpu.memory_space<hbm>> -> memref<100000x128xf32, #tpu.memory_space<hbm>>
    tpu.wait_indirect_dma semaphore(%arg18 : memref<!tpu.dma_semaphore, #tpu.memory_space<semaphore_mem>>) src(%dma_wait3A_123 : memref<100000x128xf32, #tpu.memory_space<hbm>>) dst(%arg15 : memref<128x128xf32, #tpu.memory_space<vmem>>)
    %dma_start3A_124 = arith.constant 0 : i32
    %dma_start3A_125 = arith.constant 0 : i32
    %dma_start3A_126 = tpu.memref_slice %arg8[%dma_start3A_124, %dma_start3A_125] : memref<4096x128xf32, #tpu.memory_space<hbm>> -> memref<4096x128xf32, #tpu.memory_space<hbm>>
    tpu.enqueue_indirect_dma source(%arg15 : memref<128x128xf32, #tpu.memory_space<vmem>>) target(%dma_start3A_126 : memref<4096x128xf32, #tpu.memory_space<hbm>>) offsets(%arg13 : memref<128xi32, #tpu.memory_space<vmem>>) semaphore(%arg20 : memref<!tpu.dma_semaphore, #tpu.memory_space<semaphore_mem>>)
    %dma_wait3A_127 = arith.constant 0 : i32
    %dma_wait3A_128 = arith.constant 0 : i32
    %dma_wait3A_129 = tpu.memref_slice %arg7[%dma_wait3A_127, %dma_wait3A_128] : memref<4096x128xf32, #tpu.memory_space<hbm>> -> memref<4096x128xf32, #tpu.memory_space<hbm>>
    tpu.wait_indirect_dma semaphore(%arg20 : memref<!tpu.dma_semaphore, #tpu.memory_space<semaphore_mem>>) src(%arg14 : memref<128x128xf32, #tpu.memory_space<vmem>>) dst(%dma_wait3A_129 : memref<4096x128xf32, #tpu.memory_space<hbm>>)
    %dma_wait3A_130 = arith.constant 0 : i32
    %dma_wait3A_131 = arith.constant 0 : i32
    %dma_wait3A_132 = tpu.memref_slice %arg8[%dma_wait3A_130, %dma_wait3A_131] : memref<4096x128xf32, #tpu.memory_space<hbm>> -> memref<4096x128xf32, #tpu.memory_space<hbm>>
    tpu.wait_indirect_dma semaphore(%arg20 : memref<!tpu.dma_semaphore, #tpu.memory_space<semaphore_mem>>) src(%arg15 : memref<128x128xf32, #tpu.memory_space<vmem>>) dst(%dma_wait3A_132 : memref<4096x128xf32, #tpu.memory_space<hbm>>)
    return
  }
}

module attributes {stable_mosaic.version = 14 : i64} {
  func.func @_tc_body(%arg0: memref<4096x128xf32, #tpu.memory_space<vmem>>, %arg1: memref<4096x128xf32, #tpu.memory_space<vmem>>, %arg2: memref<20x128xf32, #tpu.memory_space<vmem>>, %arg3: memref<1x1xf32, #tpu.memory_space<smem>>) attributes {dimension_semantics = [], scalar_prefetch = 0 : i64, scratch_operands = 0 : i64, tpu.core_type = #tpu.core_type<tc>} {
    %get3A = arith.constant 0 : index
    %get3A_0 = arith.constant 0 : index
    %get3A_1 = vector.load %arg2[%get3A, %get3A_0] : memref<20x128xf32, #tpu.memory_space<vmem>>, vector<20x128xf32>
    %convert_element_type3A = arith.truncf %get3A_1 : vector<20x128xf32> to vector<20x128xbf16>
    %get3A_2 = arith.constant 0 : index
    %get3A_3 = arith.constant 0 : index
    %get3A_4 = vector.load %arg0[%get3A_2, %get3A_3] : memref<4096x128xf32, #tpu.memory_space<vmem>>, vector<4096x128xf32>
    %reshape3A = vector.shape_cast %get3A_4 : vector<4096x128xf32> to vector<32x16x8x128xf32>
    %iota3A = tpu.iota {dimensions = array<i32: 0>} : vector<256x128xi32>
    %iota3A_5 = tpu.iota {dimensions = array<i32: 1>} : vector<256x128xi32>
    %jit3A = arith.constant 8 : i32
    %eq3A = arith.constant 0 : i32
    %eq3A_6 = arith.cmpi eq, %jit3A, %eq3A : i32
    %jit3A_7 = arith.constant 1 : i32
    %select_n3A = arith.select %eq3A_6, %jit3A_7, %jit3A : i32
    %rem3A = vector.broadcast %select_n3A : i32 to vector<256x128xi32>
    %rem3A_8 = arith.remsi %iota3A, %rem3A : vector<256x128xi32>
    %ne3A = arith.constant 0 : i32
    %ne3A_9 = vector.broadcast %ne3A : i32 to vector<256x128xi32>
    %ne3A_10 = arith.cmpi ne, %rem3A_8, %ne3A_9 : vector<256x128xi32>
    %lt3A = arith.constant 0 : i32
    %lt3A_11 = vector.broadcast %lt3A : i32 to vector<256x128xi32>
    %lt3A_12 = arith.cmpi slt, %rem3A_8, %lt3A_11 : vector<256x128xi32>
    %lt3A_13 = arith.constant 0 : i32
    %lt3A_14 = arith.cmpi slt, %select_n3A, %lt3A_13 : i32
    %ne3A_15 = vector.broadcast %lt3A_14 : i1 to vector<256x128xi1>
    %ne3A_16 = vector.broadcast %ne3A_15 : vector<256x128xi1> to vector<256x128xi1>
    %ne3A_17 = arith.xori %lt3A_12, %ne3A_16 : vector<256x128xi1>
    %and3A = arith.andi %ne3A_17, %ne3A_10 : vector<256x128xi1>
    %add3A = vector.broadcast %select_n3A : i32 to vector<256x128xi32>
    %add3A_18 = arith.addi %rem3A_8, %add3A : vector<256x128xi32>
    %select_n3A_19 = arith.select %and3A, %add3A_18, %rem3A_8 : vector<256x128xi1>, vector<256x128xi32>
    %jit3A_20 = arith.constant 8 : i32
    %div3A = vector.broadcast %jit3A_20 : i32 to vector<256x128xi32>
    %div3A_21 = arith.divsi %iota3A, %div3A : vector<256x128xi32>
    %sign3A = arith.constant 0 : i32
    %sign3A_22 = vector.broadcast %sign3A : i32 to vector<256x128xi32>
    %sign3A_23 = arith.cmpi sgt, %iota3A, %sign3A_22 : vector<256x128xi32>
    %sign3A_24 = arith.extui %sign3A_23 : vector<256x128xi1> to vector<256x128xi32>
    %sign3A_25 = arith.constant 0 : i32
    %sign3A_26 = vector.broadcast %sign3A_25 : i32 to vector<256x128xi32>
    %sign3A_27 = arith.cmpi slt, %iota3A, %sign3A_26 : vector<256x128xi32>
    %sign3A_28 = arith.extui %sign3A_27 : vector<256x128xi1> to vector<256x128xi32>
    %sign3A_29 = arith.subi %sign3A_24, %sign3A_28 : vector<256x128xi32>
    %sign3A_30 = arith.constant 0 : i32
    %sign3A_31 = arith.cmpi sgt, %jit3A_20, %sign3A_30 : i32
    %sign3A_32 = arith.extui %sign3A_31 : i1 to i32
    %sign3A_33 = arith.constant 0 : i32
    %sign3A_34 = arith.cmpi slt, %jit3A_20, %sign3A_33 : i32
    %sign3A_35 = arith.extui %sign3A_34 : i1 to i32
    %sign3A_36 = arith.subi %sign3A_32, %sign3A_35 : i32
    %ne3A_37 = vector.broadcast %sign3A_36 : i32 to vector<256x128xi32>
    %ne3A_38 = arith.cmpi ne, %sign3A_29, %ne3A_37 : vector<256x128xi32>
    %rem3A_39 = vector.broadcast %jit3A_20 : i32 to vector<256x128xi32>
    %rem3A_40 = arith.remsi %iota3A, %rem3A_39 : vector<256x128xi32>
    %ne3A_41 = arith.constant 0 : i32
    %ne3A_42 = vector.broadcast %ne3A_41 : i32 to vector<256x128xi32>
    %ne3A_43 = arith.cmpi ne, %rem3A_40, %ne3A_42 : vector<256x128xi32>
    %and3A_44 = arith.andi %ne3A_38, %ne3A_43 : vector<256x128xi1>
    %sub3A = arith.constant 1 : i32
    %sub3A_45 = vector.broadcast %sub3A : i32 to vector<256x128xi32>
    %sub3A_46 = arith.subi %div3A_21, %sub3A_45 : vector<256x128xi32>
    %select_n3A_47 = arith.select %and3A_44, %sub3A_46, %div3A_21 : vector<256x128xi1>, vector<256x128xi32>
    %lt3A_48 = arith.constant 4 : i32
    %lt3A_49 = vector.broadcast %lt3A_48 : i32 to vector<256x128xi32>
    %lt3A_50 = arith.cmpi slt, %select_n3A_19, %lt3A_49 : vector<256x128xi32>
    %mul3A = arith.constant 32 : i32
    %mul3A_51 = vector.broadcast %mul3A : i32 to vector<256x128xi32>
    %mul3A_52 = arith.muli %mul3A_51, %select_n3A_19 : vector<256x128xi32>
    %add3A_53 = arith.addi %mul3A_52, %select_n3A_47 : vector<256x128xi32>
    %eq3A_54 = arith.cmpi eq, %iota3A_5, %add3A_53 : vector<256x128xi32>
    %and3A_55 = arith.andi %lt3A_50, %eq3A_54 : vector<256x128xi1>
    %ge3A = arith.constant 4 : i32
    %ge3A_56 = vector.broadcast %ge3A : i32 to vector<256x128xi32>
    %ge3A_57 = arith.cmpi sge, %select_n3A_19, %ge3A_56 : vector<256x128xi32>
    %sub3A_58 = arith.constant 4 : i32
    %sub3A_59 = vector.broadcast %sub3A_58 : i32 to vector<256x128xi32>
    %sub3A_60 = arith.subi %select_n3A_19, %sub3A_59 : vector<256x128xi32>
    %mul3A_61 = arith.constant 32 : i32
    %mul3A_62 = vector.broadcast %mul3A_61 : i32 to vector<256x128xi32>
    %mul3A_63 = arith.muli %mul3A_62, %sub3A_60 : vector<256x128xi32>
    %add3A_64 = arith.addi %mul3A_63, %select_n3A_47 : vector<256x128xi32>
    %eq3A_65 = arith.cmpi eq, %iota3A_5, %add3A_64 : vector<256x128xi32>
    %and3A_66 = arith.andi %ge3A_57, %eq3A_65 : vector<256x128xi1>
    %slice3A = vector.extract_strided_slice %reshape3A {offsets = [0, 0, 0, 0], sizes = [32, 1, 8, 128], strides = [1, 1, 1, 1]} : vector<32x16x8x128xf32> to vector<32x1x8x128xf32>
    %squeeze3A = vector.shape_cast %slice3A : vector<32x1x8x128xf32> to vector<32x8x128xf32>
    %reshape3A_67 = vector.shape_cast %squeeze3A : vector<32x8x128xf32> to vector<256x128xf32>
    %convert_element_type3A_68 = arith.truncf %reshape3A_67 : vector<256x128xf32> to vector<256x128xbf16>
    %get3A_69 = arith.constant 0 : index
    %get3A_70 = arith.constant 0 : index
    %get3A_71 = vector.load %arg1[%get3A_69, %get3A_70] : memref<4096x128xf32, #tpu.memory_space<vmem>>, vector<128x128xf32>
    %convert_element_type3A_72 = arith.truncf %get3A_71 : vector<128x128xf32> to vector<128x128xbf16>
    %get3A_73 = arith.constant 128 : index
    %get3A_74 = arith.constant 0 : index
    %get3A_75 = vector.load %arg1[%get3A_73, %get3A_74] : memref<4096x128xf32, #tpu.memory_space<vmem>>, vector<128x128xf32>
    %convert_element_type3A_76 = arith.truncf %get3A_75 : vector<128x128xf32> to vector<128x128xbf16>
    %dot_general3A = arith.constant dense<0.000000e+00> : vector<256x128xf32>
    %dot_general3A_77 = tpu.matmul %convert_element_type3A_68, %convert_element_type3A_72, %dot_general3A {dimension_numbers = #tpu.dot_dimension_numbers<[1], [0], [0], [1], [0, 0, 1, 1], [], []>, transpose_lhs_hint = false} : vector<256x128xbf16>, vector<128x128xbf16>, vector<256x128xf32> -> vector<256x128xf32>
    %dot_general3A_78 = arith.constant dense<0.000000e+00> : vector<256x128xf32>
    %dot_general3A_79 = tpu.matmul %convert_element_type3A_68, %convert_element_type3A_76, %dot_general3A_78 {dimension_numbers = #tpu.dot_dimension_numbers<[1], [0], [0], [1], [0, 0, 1, 1], [], []>, transpose_lhs_hint = false} : vector<256x128xbf16>, vector<128x128xbf16>, vector<256x128xf32> -> vector<256x128xf32>
    %jit3A_80 = arith.constant 0.000000e+00 : f32
    %broadcast_in_dim3A = vector.broadcast %jit3A_80 : f32 to vector<256x128xf32>
    %select_n3A_81 = arith.select %and3A_55, %dot_general3A_77, %broadcast_in_dim3A : vector<256x128xi1>, vector<256x128xf32>
    %reduce_sum3A = arith.constant dense<0.000000e+00> : vector<128xf32>
    %reduce_sum3A_82 = vector.multi_reduction <add>, %select_n3A_81, %reduce_sum3A [0] : vector<256x128xf32> to vector<128xf32>
    %broadcast_in_dim3A_83 = vector.shape_cast %reduce_sum3A_82 : vector<128xf32> to vector<1x128xf32>
    %jit3A_84 = arith.constant 0.000000e+00 : f32
    %broadcast_in_dim3A_85 = vector.broadcast %jit3A_84 : f32 to vector<256x128xf32>
    %select_n3A_86 = arith.select %and3A_66, %dot_general3A_79, %broadcast_in_dim3A_85 : vector<256x128xi1>, vector<256x128xf32>
    %reduce_sum3A_87 = arith.constant dense<0.000000e+00> : vector<128xf32>
    %reduce_sum3A_88 = vector.multi_reduction <add>, %select_n3A_86, %reduce_sum3A_87 [0] : vector<256x128xf32> to vector<128xf32>
    %broadcast_in_dim3A_89 = vector.shape_cast %reduce_sum3A_88 : vector<128xf32> to vector<1x128xf32>
    %slice3A_90 = vector.extract_strided_slice %get3A_4 {offsets = [0, 0], sizes = [128, 128], strides = [1, 1]} : vector<4096x128xf32> to vector<128x128xf32>
    %convert_element_type3A_91 = arith.truncf %slice3A_90 : vector<128x128xf32> to vector<128x128xbf16>
    %dot_general3A_92 = arith.constant dense<0.000000e+00> : vector<20x128xf32>
    %dot_general3A_93 = tpu.matmul %convert_element_type3A, %convert_element_type3A_91, %dot_general3A_92 {dimension_numbers = #tpu.dot_dimension_numbers<[1], [0], [0], [1], [0, 0, 1, 1], [], []>, transpose_lhs_hint = false} : vector<20x128xbf16>, vector<128x128xbf16>, vector<20x128xf32> -> vector<20x128xf32>
    %slice3A_94 = vector.extract_strided_slice %get3A_4 {offsets = [128, 0], sizes = [128, 128], strides = [1, 1]} : vector<4096x128xf32> to vector<128x128xf32>
    %convert_element_type3A_95 = arith.truncf %slice3A_94 : vector<128x128xf32> to vector<128x128xbf16>
    %dot_general3A_96 = arith.constant dense<0.000000e+00> : vector<20x128xf32>
    %dot_general3A_97 = tpu.matmul %convert_element_type3A, %convert_element_type3A_95, %dot_general3A_96 {dimension_numbers = #tpu.dot_dimension_numbers<[1], [0], [0], [1], [0, 0, 1, 1], [], []>, transpose_lhs_hint = false} : vector<20x128xbf16>, vector<128x128xbf16>, vector<20x128xf32> -> vector<20x128xf32>
    %neg3A = arith.constant 0.000000e+00 : f32
    %neg3A_98 = vector.broadcast %neg3A : f32 to vector<1x128xf32>
    %neg3A_99 = arith.subf %neg3A_98, %broadcast_in_dim3A_83 : vector<1x128xf32>
    %max3A = arith.constant 0.000000e+00 : f32
    %max3A_100 = vector.broadcast %max3A : f32 to vector<1x128xf32>
    %max3A_101 = arith.maximumf %neg3A_99, %max3A_100 : vector<1x128xf32>
    %abs3A = math.absf %broadcast_in_dim3A_83 : vector<1x128xf32>
    %neg3A_102 = arith.constant 0.000000e+00 : f32
    %neg3A_103 = vector.broadcast %neg3A_102 : f32 to vector<1x128xf32>
    %neg3A_104 = arith.subf %neg3A_103, %abs3A : vector<1x128xf32>
    %exp3A = math.exp %neg3A_104 : vector<1x128xf32>
    %add3A_105 = arith.constant 1.000000e+00 : f32
    %add3A_106 = vector.broadcast %add3A_105 : f32 to vector<1x128xf32>
    %add3A_107 = arith.addf %add3A_106, %exp3A : vector<1x128xf32>
    %log3A = math.log %add3A_107 : vector<1x128xf32>
    %add3A_108 = arith.addf %max3A_101, %log3A : vector<1x128xf32>
    %reduce_sum3A_109 = vector.shape_cast %add3A_108 : vector<1x128xf32> to vector<1x1x128xf32>
    %reduce_sum3A_110 = arith.constant dense<0.000000e+00> : vector<1xf32>
    %reduce_sum3A_111 = vector.multi_reduction <add>, %reduce_sum3A_109, %reduce_sum3A_110 [1, 2] : vector<1x1x128xf32> to vector<1xf32>
    %reduce_sum3A_112 = vector.shape_cast %reduce_sum3A_111 : vector<1xf32> to vector<1x1x1xf32>
    %reduce_sum3A_113 = vector.extract %reduce_sum3A_112[0, 0, 0] : f32 from vector<1x1x1xf32>
    %neg3A_114 = arith.constant 0.000000e+00 : f32
    %neg3A_115 = vector.broadcast %neg3A_114 : f32 to vector<1x128xf32>
    %neg3A_116 = arith.subf %neg3A_115, %broadcast_in_dim3A_89 : vector<1x128xf32>
    %max3A_117 = arith.constant 0.000000e+00 : f32
    %max3A_118 = vector.broadcast %max3A_117 : f32 to vector<1x128xf32>
    %max3A_119 = arith.maximumf %neg3A_116, %max3A_118 : vector<1x128xf32>
    %abs3A_120 = math.absf %broadcast_in_dim3A_89 : vector<1x128xf32>
    %neg3A_121 = arith.constant 0.000000e+00 : f32
    %neg3A_122 = vector.broadcast %neg3A_121 : f32 to vector<1x128xf32>
    %neg3A_123 = arith.subf %neg3A_122, %abs3A_120 : vector<1x128xf32>
    %exp3A_124 = math.exp %neg3A_123 : vector<1x128xf32>
    %add3A_125 = arith.constant 1.000000e+00 : f32
    %add3A_126 = vector.broadcast %add3A_125 : f32 to vector<1x128xf32>
    %add3A_127 = arith.addf %add3A_126, %exp3A_124 : vector<1x128xf32>
    %log3A_128 = math.log %add3A_127 : vector<1x128xf32>
    %add3A_129 = arith.addf %max3A_119, %log3A_128 : vector<1x128xf32>
    %reduce_sum3A_130 = vector.shape_cast %add3A_129 : vector<1x128xf32> to vector<1x1x128xf32>
    %reduce_sum3A_131 = arith.constant dense<0.000000e+00> : vector<1xf32>
    %reduce_sum3A_132 = vector.multi_reduction <add>, %reduce_sum3A_130, %reduce_sum3A_131 [1, 2] : vector<1x1x128xf32> to vector<1xf32>
    %reduce_sum3A_133 = vector.shape_cast %reduce_sum3A_132 : vector<1xf32> to vector<1x1x1xf32>
    %reduce_sum3A_134 = vector.extract %reduce_sum3A_133[0, 0, 0] : f32 from vector<1x1x1xf32>
    %add3A_135 = arith.addf %reduce_sum3A_113, %reduce_sum3A_134 : f32
    %mul3A_136 = arith.constant 2.44140625E-4 : f32
    %mul3A_137 = arith.mulf %add3A_135, %mul3A_136 : f32
    %neg3A_138 = arith.constant 0.000000e+00 : f32
    %neg3A_139 = vector.broadcast %neg3A_138 : f32 to vector<20x128xf32>
    %neg3A_140 = arith.subf %neg3A_139, %dot_general3A_93 : vector<20x128xf32>
    %neg3A_141 = arith.constant 0.000000e+00 : f32
    %neg3A_142 = vector.broadcast %neg3A_141 : f32 to vector<20x128xf32>
    %neg3A_143 = arith.subf %neg3A_142, %neg3A_140 : vector<20x128xf32>
    %max3A_144 = arith.constant 0.000000e+00 : f32
    %max3A_145 = vector.broadcast %max3A_144 : f32 to vector<20x128xf32>
    %max3A_146 = arith.maximumf %neg3A_143, %max3A_145 : vector<20x128xf32>
    %abs3A_147 = math.absf %neg3A_140 : vector<20x128xf32>
    %neg3A_148 = arith.constant 0.000000e+00 : f32
    %neg3A_149 = vector.broadcast %neg3A_148 : f32 to vector<20x128xf32>
    %neg3A_150 = arith.subf %neg3A_149, %abs3A_147 : vector<20x128xf32>
    %exp3A_151 = math.exp %neg3A_150 : vector<20x128xf32>
    %add3A_152 = arith.constant 1.000000e+00 : f32
    %add3A_153 = vector.broadcast %add3A_152 : f32 to vector<20x128xf32>
    %add3A_154 = arith.addf %add3A_153, %exp3A_151 : vector<20x128xf32>
    %log3A_155 = math.log %add3A_154 : vector<20x128xf32>
    %add3A_156 = arith.addf %max3A_146, %log3A_155 : vector<20x128xf32>
    %reduce_sum3A_157 = vector.shape_cast %add3A_156 : vector<20x128xf32> to vector<1x20x128xf32>
    %reduce_sum3A_158 = arith.constant dense<0.000000e+00> : vector<1xf32>
    %reduce_sum3A_159 = vector.multi_reduction <add>, %reduce_sum3A_157, %reduce_sum3A_158 [1, 2] : vector<1x20x128xf32> to vector<1xf32>
    %reduce_sum3A_160 = vector.shape_cast %reduce_sum3A_159 : vector<1xf32> to vector<1x1x1xf32>
    %reduce_sum3A_161 = vector.extract %reduce_sum3A_160[0, 0, 0] : f32 from vector<1x1x1xf32>
    %add3A_162 = arith.addf %mul3A_137, %reduce_sum3A_161 : f32
    %neg3A_163 = arith.constant 0.000000e+00 : f32
    %neg3A_164 = vector.broadcast %neg3A_163 : f32 to vector<20x128xf32>
    %neg3A_165 = arith.subf %neg3A_164, %dot_general3A_97 : vector<20x128xf32>
    %neg3A_166 = arith.constant 0.000000e+00 : f32
    %neg3A_167 = vector.broadcast %neg3A_166 : f32 to vector<20x128xf32>
    %neg3A_168 = arith.subf %neg3A_167, %neg3A_165 : vector<20x128xf32>
    %max3A_169 = arith.constant 0.000000e+00 : f32
    %max3A_170 = vector.broadcast %max3A_169 : f32 to vector<20x128xf32>
    %max3A_171 = arith.maximumf %neg3A_168, %max3A_170 : vector<20x128xf32>
    %abs3A_172 = math.absf %neg3A_165 : vector<20x128xf32>
    %neg3A_173 = arith.constant 0.000000e+00 : f32
    %neg3A_174 = vector.broadcast %neg3A_173 : f32 to vector<20x128xf32>
    %neg3A_175 = arith.subf %neg3A_174, %abs3A_172 : vector<20x128xf32>
    %exp3A_176 = math.exp %neg3A_175 : vector<20x128xf32>
    %add3A_177 = arith.constant 1.000000e+00 : f32
    %add3A_178 = vector.broadcast %add3A_177 : f32 to vector<20x128xf32>
    %add3A_179 = arith.addf %add3A_178, %exp3A_176 : vector<20x128xf32>
    %log3A_180 = math.log %add3A_179 : vector<20x128xf32>
    %add3A_181 = arith.addf %max3A_171, %log3A_180 : vector<20x128xf32>
    %reduce_sum3A_182 = vector.shape_cast %add3A_181 : vector<20x128xf32> to vector<1x20x128xf32>
    %reduce_sum3A_183 = arith.constant dense<0.000000e+00> : vector<1xf32>
    %reduce_sum3A_184 = vector.multi_reduction <add>, %reduce_sum3A_182, %reduce_sum3A_183 [1, 2] : vector<1x20x128xf32> to vector<1xf32>
    %reduce_sum3A_185 = vector.shape_cast %reduce_sum3A_184 : vector<1xf32> to vector<1x1x1xf32>
    %reduce_sum3A_186 = vector.extract %reduce_sum3A_185[0, 0, 0] : f32 from vector<1x1x1xf32>
    %add3A_187 = arith.addf %add3A_162, %reduce_sum3A_186 : f32
    %add3A_188 = arith.constant 0.000000e+00 : f32
    %add3A_189 = arith.addf %add3A_188, %add3A_187 : f32
    %slice3A_190 = vector.extract_strided_slice %reshape3A {offsets = [0, 1, 0, 0], sizes = [32, 1, 8, 128], strides = [1, 1, 1, 1]} : vector<32x16x8x128xf32> to vector<32x1x8x128xf32>
    %squeeze3A_191 = vector.shape_cast %slice3A_190 : vector<32x1x8x128xf32> to vector<32x8x128xf32>
    %reshape3A_192 = vector.shape_cast %squeeze3A_191 : vector<32x8x128xf32> to vector<256x128xf32>
    %convert_element_type3A_193 = arith.truncf %reshape3A_192 : vector<256x128xf32> to vector<256x128xbf16>
    %get3A_194 = arith.constant 256 : index
    %get3A_195 = arith.constant 0 : index
    %get3A_196 = vector.load %arg1[%get3A_194, %get3A_195] : memref<4096x128xf32, #tpu.memory_space<vmem>>, vector<128x128xf32>
    %convert_element_type3A_197 = arith.truncf %get3A_196 : vector<128x128xf32> to vector<128x128xbf16>
    %get3A_198 = arith.constant 384 : index
    %get3A_199 = arith.constant 0 : index
    %get3A_200 = vector.load %arg1[%get3A_198, %get3A_199] : memref<4096x128xf32, #tpu.memory_space<vmem>>, vector<128x128xf32>
    %convert_element_type3A_201 = arith.truncf %get3A_200 : vector<128x128xf32> to vector<128x128xbf16>
    %dot_general3A_202 = arith.constant dense<0.000000e+00> : vector<256x128xf32>
    %dot_general3A_203 = tpu.matmul %convert_element_type3A_193, %convert_element_type3A_197, %dot_general3A_202 {dimension_numbers = #tpu.dot_dimension_numbers<[1], [0], [0], [1], [0, 0, 1, 1], [], []>, transpose_lhs_hint = false} : vector<256x128xbf16>, vector<128x128xbf16>, vector<256x128xf32> -> vector<256x128xf32>
    %dot_general3A_204 = arith.constant dense<0.000000e+00> : vector<256x128xf32>
    %dot_general3A_205 = tpu.matmul %convert_element_type3A_193, %convert_element_type3A_201, %dot_general3A_204 {dimension_numbers = #tpu.dot_dimension_numbers<[1], [0], [0], [1], [0, 0, 1, 1], [], []>, transpose_lhs_hint = false} : vector<256x128xbf16>, vector<128x128xbf16>, vector<256x128xf32> -> vector<256x128xf32>
    %jit3A_206 = arith.constant 0.000000e+00 : f32
    %broadcast_in_dim3A_207 = vector.broadcast %jit3A_206 : f32 to vector<256x128xf32>
    %select_n3A_208 = arith.select %and3A_55, %dot_general3A_203, %broadcast_in_dim3A_207 : vector<256x128xi1>, vector<256x128xf32>
    %reduce_sum3A_209 = arith.constant dense<0.000000e+00> : vector<128xf32>
    %reduce_sum3A_210 = vector.multi_reduction <add>, %select_n3A_208, %reduce_sum3A_209 [0] : vector<256x128xf32> to vector<128xf32>
    %broadcast_in_dim3A_211 = vector.shape_cast %reduce_sum3A_210 : vector<128xf32> to vector<1x128xf32>
    %jit3A_212 = arith.constant 0.000000e+00 : f32
    %broadcast_in_dim3A_213 = vector.broadcast %jit3A_212 : f32 to vector<256x128xf32>
    %select_n3A_214 = arith.select %and3A_66, %dot_general3A_205, %broadcast_in_dim3A_213 : vector<256x128xi1>, vector<256x128xf32>
    %reduce_sum3A_215 = arith.constant dense<0.000000e+00> : vector<128xf32>
    %reduce_sum3A_216 = vector.multi_reduction <add>, %select_n3A_214, %reduce_sum3A_215 [0] : vector<256x128xf32> to vector<128xf32>
    %broadcast_in_dim3A_217 = vector.shape_cast %reduce_sum3A_216 : vector<128xf32> to vector<1x128xf32>
    %slice3A_218 = vector.extract_strided_slice %get3A_4 {offsets = [256, 0], sizes = [128, 128], strides = [1, 1]} : vector<4096x128xf32> to vector<128x128xf32>
    %convert_element_type3A_219 = arith.truncf %slice3A_218 : vector<128x128xf32> to vector<128x128xbf16>
    %dot_general3A_220 = arith.constant dense<0.000000e+00> : vector<20x128xf32>
    %dot_general3A_221 = tpu.matmul %convert_element_type3A, %convert_element_type3A_219, %dot_general3A_220 {dimension_numbers = #tpu.dot_dimension_numbers<[1], [0], [0], [1], [0, 0, 1, 1], [], []>, transpose_lhs_hint = false} : vector<20x128xbf16>, vector<128x128xbf16>, vector<20x128xf32> -> vector<20x128xf32>
    %slice3A_222 = vector.extract_strided_slice %get3A_4 {offsets = [384, 0], sizes = [128, 128], strides = [1, 1]} : vector<4096x128xf32> to vector<128x128xf32>
    %convert_element_type3A_223 = arith.truncf %slice3A_222 : vector<128x128xf32> to vector<128x128xbf16>
    %dot_general3A_224 = arith.constant dense<0.000000e+00> : vector<20x128xf32>
    %dot_general3A_225 = tpu.matmul %convert_element_type3A, %convert_element_type3A_223, %dot_general3A_224 {dimension_numbers = #tpu.dot_dimension_numbers<[1], [0], [0], [1], [0, 0, 1, 1], [], []>, transpose_lhs_hint = false} : vector<20x128xbf16>, vector<128x128xbf16>, vector<20x128xf32> -> vector<20x128xf32>
    %neg3A_226 = arith.constant 0.000000e+00 : f32
    %neg3A_227 = vector.broadcast %neg3A_226 : f32 to vector<1x128xf32>
    %neg3A_228 = arith.subf %neg3A_227, %broadcast_in_dim3A_211 : vector<1x128xf32>
    %max3A_229 = arith.constant 0.000000e+00 : f32
    %max3A_230 = vector.broadcast %max3A_229 : f32 to vector<1x128xf32>
    %max3A_231 = arith.maximumf %neg3A_228, %max3A_230 : vector<1x128xf32>
    %abs3A_232 = math.absf %broadcast_in_dim3A_211 : vector<1x128xf32>
    %neg3A_233 = arith.constant 0.000000e+00 : f32
    %neg3A_234 = vector.broadcast %neg3A_233 : f32 to vector<1x128xf32>
    %neg3A_235 = arith.subf %neg3A_234, %abs3A_232 : vector<1x128xf32>
    %exp3A_236 = math.exp %neg3A_235 : vector<1x128xf32>
    %add3A_237 = arith.constant 1.000000e+00 : f32
    %add3A_238 = vector.broadcast %add3A_237 : f32 to vector<1x128xf32>
    %add3A_239 = arith.addf %add3A_238, %exp3A_236 : vector<1x128xf32>
    %log3A_240 = math.log %add3A_239 : vector<1x128xf32>
    %add3A_241 = arith.addf %max3A_231, %log3A_240 : vector<1x128xf32>
    %reduce_sum3A_242 = vector.shape_cast %add3A_241 : vector<1x128xf32> to vector<1x1x128xf32>
    %reduce_sum3A_243 = arith.constant dense<0.000000e+00> : vector<1xf32>
    %reduce_sum3A_244 = vector.multi_reduction <add>, %reduce_sum3A_242, %reduce_sum3A_243 [1, 2] : vector<1x1x128xf32> to vector<1xf32>
    %reduce_sum3A_245 = vector.shape_cast %reduce_sum3A_244 : vector<1xf32> to vector<1x1x1xf32>
    %reduce_sum3A_246 = vector.extract %reduce_sum3A_245[0, 0, 0] : f32 from vector<1x1x1xf32>
    %neg3A_247 = arith.constant 0.000000e+00 : f32
    %neg3A_248 = vector.broadcast %neg3A_247 : f32 to vector<1x128xf32>
    %neg3A_249 = arith.subf %neg3A_248, %broadcast_in_dim3A_217 : vector<1x128xf32>
    %max3A_250 = arith.constant 0.000000e+00 : f32
    %max3A_251 = vector.broadcast %max3A_250 : f32 to vector<1x128xf32>
    %max3A_252 = arith.maximumf %neg3A_249, %max3A_251 : vector<1x128xf32>
    %abs3A_253 = math.absf %broadcast_in_dim3A_217 : vector<1x128xf32>
    %neg3A_254 = arith.constant 0.000000e+00 : f32
    %neg3A_255 = vector.broadcast %neg3A_254 : f32 to vector<1x128xf32>
    %neg3A_256 = arith.subf %neg3A_255, %abs3A_253 : vector<1x128xf32>
    %exp3A_257 = math.exp %neg3A_256 : vector<1x128xf32>
    %add3A_258 = arith.constant 1.000000e+00 : f32
    %add3A_259 = vector.broadcast %add3A_258 : f32 to vector<1x128xf32>
    %add3A_260 = arith.addf %add3A_259, %exp3A_257 : vector<1x128xf32>
    %log3A_261 = math.log %add3A_260 : vector<1x128xf32>
    %add3A_262 = arith.addf %max3A_252, %log3A_261 : vector<1x128xf32>
    %reduce_sum3A_263 = vector.shape_cast %add3A_262 : vector<1x128xf32> to vector<1x1x128xf32>
    %reduce_sum3A_264 = arith.constant dense<0.000000e+00> : vector<1xf32>
    %reduce_sum3A_265 = vector.multi_reduction <add>, %reduce_sum3A_263, %reduce_sum3A_264 [1, 2] : vector<1x1x128xf32> to vector<1xf32>
    %reduce_sum3A_266 = vector.shape_cast %reduce_sum3A_265 : vector<1xf32> to vector<1x1x1xf32>
    %reduce_sum3A_267 = vector.extract %reduce_sum3A_266[0, 0, 0] : f32 from vector<1x1x1xf32>
    %add3A_268 = arith.addf %reduce_sum3A_246, %reduce_sum3A_267 : f32
    %mul3A_269 = arith.constant 2.44140625E-4 : f32
    %mul3A_270 = arith.mulf %add3A_268, %mul3A_269 : f32
    %neg3A_271 = arith.constant 0.000000e+00 : f32
    %neg3A_272 = vector.broadcast %neg3A_271 : f32 to vector<20x128xf32>
    %neg3A_273 = arith.subf %neg3A_272, %dot_general3A_221 : vector<20x128xf32>
    %neg3A_274 = arith.constant 0.000000e+00 : f32
    %neg3A_275 = vector.broadcast %neg3A_274 : f32 to vector<20x128xf32>
    %neg3A_276 = arith.subf %neg3A_275, %neg3A_273 : vector<20x128xf32>
    %max3A_277 = arith.constant 0.000000e+00 : f32
    %max3A_278 = vector.broadcast %max3A_277 : f32 to vector<20x128xf32>
    %max3A_279 = arith.maximumf %neg3A_276, %max3A_278 : vector<20x128xf32>
    %abs3A_280 = math.absf %neg3A_273 : vector<20x128xf32>
    %neg3A_281 = arith.constant 0.000000e+00 : f32
    %neg3A_282 = vector.broadcast %neg3A_281 : f32 to vector<20x128xf32>
    %neg3A_283 = arith.subf %neg3A_282, %abs3A_280 : vector<20x128xf32>
    %exp3A_284 = math.exp %neg3A_283 : vector<20x128xf32>
    %add3A_285 = arith.constant 1.000000e+00 : f32
    %add3A_286 = vector.broadcast %add3A_285 : f32 to vector<20x128xf32>
    %add3A_287 = arith.addf %add3A_286, %exp3A_284 : vector<20x128xf32>
    %log3A_288 = math.log %add3A_287 : vector<20x128xf32>
    %add3A_289 = arith.addf %max3A_279, %log3A_288 : vector<20x128xf32>
    %reduce_sum3A_290 = vector.shape_cast %add3A_289 : vector<20x128xf32> to vector<1x20x128xf32>
    %reduce_sum3A_291 = arith.constant dense<0.000000e+00> : vector<1xf32>
    %reduce_sum3A_292 = vector.multi_reduction <add>, %reduce_sum3A_290, %reduce_sum3A_291 [1, 2] : vector<1x20x128xf32> to vector<1xf32>
    %reduce_sum3A_293 = vector.shape_cast %reduce_sum3A_292 : vector<1xf32> to vector<1x1x1xf32>
    %reduce_sum3A_294 = vector.extract %reduce_sum3A_293[0, 0, 0] : f32 from vector<1x1x1xf32>
    %add3A_295 = arith.addf %mul3A_270, %reduce_sum3A_294 : f32
    %neg3A_296 = arith.constant 0.000000e+00 : f32
    %neg3A_297 = vector.broadcast %neg3A_296 : f32 to vector<20x128xf32>
    %neg3A_298 = arith.subf %neg3A_297, %dot_general3A_225 : vector<20x128xf32>
    %neg3A_299 = arith.constant 0.000000e+00 : f32
    %neg3A_300 = vector.broadcast %neg3A_299 : f32 to vector<20x128xf32>
    %neg3A_301 = arith.subf %neg3A_300, %neg3A_298 : vector<20x128xf32>
    %max3A_302 = arith.constant 0.000000e+00 : f32
    %max3A_303 = vector.broadcast %max3A_302 : f32 to vector<20x128xf32>
    %max3A_304 = arith.maximumf %neg3A_301, %max3A_303 : vector<20x128xf32>
    %abs3A_305 = math.absf %neg3A_298 : vector<20x128xf32>
    %neg3A_306 = arith.constant 0.000000e+00 : f32
    %neg3A_307 = vector.broadcast %neg3A_306 : f32 to vector<20x128xf32>
    %neg3A_308 = arith.subf %neg3A_307, %abs3A_305 : vector<20x128xf32>
    %exp3A_309 = math.exp %neg3A_308 : vector<20x128xf32>
    %add3A_310 = arith.constant 1.000000e+00 : f32
    %add3A_311 = vector.broadcast %add3A_310 : f32 to vector<20x128xf32>
    %add3A_312 = arith.addf %add3A_311, %exp3A_309 : vector<20x128xf32>
    %log3A_313 = math.log %add3A_312 : vector<20x128xf32>
    %add3A_314 = arith.addf %max3A_304, %log3A_313 : vector<20x128xf32>
    %reduce_sum3A_315 = vector.shape_cast %add3A_314 : vector<20x128xf32> to vector<1x20x128xf32>
    %reduce_sum3A_316 = arith.constant dense<0.000000e+00> : vector<1xf32>
    %reduce_sum3A_317 = vector.multi_reduction <add>, %reduce_sum3A_315, %reduce_sum3A_316 [1, 2] : vector<1x20x128xf32> to vector<1xf32>
    %reduce_sum3A_318 = vector.shape_cast %reduce_sum3A_317 : vector<1xf32> to vector<1x1x1xf32>
    %reduce_sum3A_319 = vector.extract %reduce_sum3A_318[0, 0, 0] : f32 from vector<1x1x1xf32>
    %add3A_320 = arith.addf %add3A_295, %reduce_sum3A_319 : f32
    %add3A_321 = arith.addf %add3A_189, %add3A_320 : f32
    %slice3A_322 = vector.extract_strided_slice %reshape3A {offsets = [0, 2, 0, 0], sizes = [32, 1, 8, 128], strides = [1, 1, 1, 1]} : vector<32x16x8x128xf32> to vector<32x1x8x128xf32>
    %squeeze3A_323 = vector.shape_cast %slice3A_322 : vector<32x1x8x128xf32> to vector<32x8x128xf32>
    %reshape3A_324 = vector.shape_cast %squeeze3A_323 : vector<32x8x128xf32> to vector<256x128xf32>
    %convert_element_type3A_325 = arith.truncf %reshape3A_324 : vector<256x128xf32> to vector<256x128xbf16>
    %get3A_326 = arith.constant 512 : index
    %get3A_327 = arith.constant 0 : index
    %get3A_328 = vector.load %arg1[%get3A_326, %get3A_327] : memref<4096x128xf32, #tpu.memory_space<vmem>>, vector<128x128xf32>
    %convert_element_type3A_329 = arith.truncf %get3A_328 : vector<128x128xf32> to vector<128x128xbf16>
    %get3A_330 = arith.constant 640 : index
    %get3A_331 = arith.constant 0 : index
    %get3A_332 = vector.load %arg1[%get3A_330, %get3A_331] : memref<4096x128xf32, #tpu.memory_space<vmem>>, vector<128x128xf32>
    %convert_element_type3A_333 = arith.truncf %get3A_332 : vector<128x128xf32> to vector<128x128xbf16>
    %dot_general3A_334 = arith.constant dense<0.000000e+00> : vector<256x128xf32>
    %dot_general3A_335 = tpu.matmul %convert_element_type3A_325, %convert_element_type3A_329, %dot_general3A_334 {dimension_numbers = #tpu.dot_dimension_numbers<[1], [0], [0], [1], [0, 0, 1, 1], [], []>, transpose_lhs_hint = false} : vector<256x128xbf16>, vector<128x128xbf16>, vector<256x128xf32> -> vector<256x128xf32>
    %dot_general3A_336 = arith.constant dense<0.000000e+00> : vector<256x128xf32>
    %dot_general3A_337 = tpu.matmul %convert_element_type3A_325, %convert_element_type3A_333, %dot_general3A_336 {dimension_numbers = #tpu.dot_dimension_numbers<[1], [0], [0], [1], [0, 0, 1, 1], [], []>, transpose_lhs_hint = false} : vector<256x128xbf16>, vector<128x128xbf16>, vector<256x128xf32> -> vector<256x128xf32>
    %jit3A_338 = arith.constant 0.000000e+00 : f32
    %broadcast_in_dim3A_339 = vector.broadcast %jit3A_338 : f32 to vector<256x128xf32>
    %select_n3A_340 = arith.select %and3A_55, %dot_general3A_335, %broadcast_in_dim3A_339 : vector<256x128xi1>, vector<256x128xf32>
    %reduce_sum3A_341 = arith.constant dense<0.000000e+00> : vector<128xf32>
    %reduce_sum3A_342 = vector.multi_reduction <add>, %select_n3A_340, %reduce_sum3A_341 [0] : vector<256x128xf32> to vector<128xf32>
    %broadcast_in_dim3A_343 = vector.shape_cast %reduce_sum3A_342 : vector<128xf32> to vector<1x128xf32>
    %jit3A_344 = arith.constant 0.000000e+00 : f32
    %broadcast_in_dim3A_345 = vector.broadcast %jit3A_344 : f32 to vector<256x128xf32>
    %select_n3A_346 = arith.select %and3A_66, %dot_general3A_337, %broadcast_in_dim3A_345 : vector<256x128xi1>, vector<256x128xf32>
    %reduce_sum3A_347 = arith.constant dense<0.000000e+00> : vector<128xf32>
    %reduce_sum3A_348 = vector.multi_reduction <add>, %select_n3A_346, %reduce_sum3A_347 [0] : vector<256x128xf32> to vector<128xf32>
    %broadcast_in_dim3A_349 = vector.shape_cast %reduce_sum3A_348 : vector<128xf32> to vector<1x128xf32>
    %slice3A_350 = vector.extract_strided_slice %get3A_4 {offsets = [512, 0], sizes = [128, 128], strides = [1, 1]} : vector<4096x128xf32> to vector<128x128xf32>
    %convert_element_type3A_351 = arith.truncf %slice3A_350 : vector<128x128xf32> to vector<128x128xbf16>
    %dot_general3A_352 = arith.constant dense<0.000000e+00> : vector<20x128xf32>
    %dot_general3A_353 = tpu.matmul %convert_element_type3A, %convert_element_type3A_351, %dot_general3A_352 {dimension_numbers = #tpu.dot_dimension_numbers<[1], [0], [0], [1], [0, 0, 1, 1], [], []>, transpose_lhs_hint = false} : vector<20x128xbf16>, vector<128x128xbf16>, vector<20x128xf32> -> vector<20x128xf32>
    %slice3A_354 = vector.extract_strided_slice %get3A_4 {offsets = [640, 0], sizes = [128, 128], strides = [1, 1]} : vector<4096x128xf32> to vector<128x128xf32>
    %convert_element_type3A_355 = arith.truncf %slice3A_354 : vector<128x128xf32> to vector<128x128xbf16>
    %dot_general3A_356 = arith.constant dense<0.000000e+00> : vector<20x128xf32>
    %dot_general3A_357 = tpu.matmul %convert_element_type3A, %convert_element_type3A_355, %dot_general3A_356 {dimension_numbers = #tpu.dot_dimension_numbers<[1], [0], [0], [1], [0, 0, 1, 1], [], []>, transpose_lhs_hint = false} : vector<20x128xbf16>, vector<128x128xbf16>, vector<20x128xf32> -> vector<20x128xf32>
    %neg3A_358 = arith.constant 0.000000e+00 : f32
    %neg3A_359 = vector.broadcast %neg3A_358 : f32 to vector<1x128xf32>
    %neg3A_360 = arith.subf %neg3A_359, %broadcast_in_dim3A_343 : vector<1x128xf32>
    %max3A_361 = arith.constant 0.000000e+00 : f32
    %max3A_362 = vector.broadcast %max3A_361 : f32 to vector<1x128xf32>
    %max3A_363 = arith.maximumf %neg3A_360, %max3A_362 : vector<1x128xf32>
    %abs3A_364 = math.absf %broadcast_in_dim3A_343 : vector<1x128xf32>
    %neg3A_365 = arith.constant 0.000000e+00 : f32
    %neg3A_366 = vector.broadcast %neg3A_365 : f32 to vector<1x128xf32>
    %neg3A_367 = arith.subf %neg3A_366, %abs3A_364 : vector<1x128xf32>
    %exp3A_368 = math.exp %neg3A_367 : vector<1x128xf32>
    %add3A_369 = arith.constant 1.000000e+00 : f32
    %add3A_370 = vector.broadcast %add3A_369 : f32 to vector<1x128xf32>
    %add3A_371 = arith.addf %add3A_370, %exp3A_368 : vector<1x128xf32>
    %log3A_372 = math.log %add3A_371 : vector<1x128xf32>
    %add3A_373 = arith.addf %max3A_363, %log3A_372 : vector<1x128xf32>
    %reduce_sum3A_374 = vector.shape_cast %add3A_373 : vector<1x128xf32> to vector<1x1x128xf32>
    %reduce_sum3A_375 = arith.constant dense<0.000000e+00> : vector<1xf32>
    %reduce_sum3A_376 = vector.multi_reduction <add>, %reduce_sum3A_374, %reduce_sum3A_375 [1, 2] : vector<1x1x128xf32> to vector<1xf32>
    %reduce_sum3A_377 = vector.shape_cast %reduce_sum3A_376 : vector<1xf32> to vector<1x1x1xf32>
    %reduce_sum3A_378 = vector.extract %reduce_sum3A_377[0, 0, 0] : f32 from vector<1x1x1xf32>
    %neg3A_379 = arith.constant 0.000000e+00 : f32
    %neg3A_380 = vector.broadcast %neg3A_379 : f32 to vector<1x128xf32>
    %neg3A_381 = arith.subf %neg3A_380, %broadcast_in_dim3A_349 : vector<1x128xf32>
    %max3A_382 = arith.constant 0.000000e+00 : f32
    %max3A_383 = vector.broadcast %max3A_382 : f32 to vector<1x128xf32>
    %max3A_384 = arith.maximumf %neg3A_381, %max3A_383 : vector<1x128xf32>
    %abs3A_385 = math.absf %broadcast_in_dim3A_349 : vector<1x128xf32>
    %neg3A_386 = arith.constant 0.000000e+00 : f32
    %neg3A_387 = vector.broadcast %neg3A_386 : f32 to vector<1x128xf32>
    %neg3A_388 = arith.subf %neg3A_387, %abs3A_385 : vector<1x128xf32>
    %exp3A_389 = math.exp %neg3A_388 : vector<1x128xf32>
    %add3A_390 = arith.constant 1.000000e+00 : f32
    %add3A_391 = vector.broadcast %add3A_390 : f32 to vector<1x128xf32>
    %add3A_392 = arith.addf %add3A_391, %exp3A_389 : vector<1x128xf32>
    %log3A_393 = math.log %add3A_392 : vector<1x128xf32>
    %add3A_394 = arith.addf %max3A_384, %log3A_393 : vector<1x128xf32>
    %reduce_sum3A_395 = vector.shape_cast %add3A_394 : vector<1x128xf32> to vector<1x1x128xf32>
    %reduce_sum3A_396 = arith.constant dense<0.000000e+00> : vector<1xf32>
    %reduce_sum3A_397 = vector.multi_reduction <add>, %reduce_sum3A_395, %reduce_sum3A_396 [1, 2] : vector<1x1x128xf32> to vector<1xf32>
    %reduce_sum3A_398 = vector.shape_cast %reduce_sum3A_397 : vector<1xf32> to vector<1x1x1xf32>
    %reduce_sum3A_399 = vector.extract %reduce_sum3A_398[0, 0, 0] : f32 from vector<1x1x1xf32>
    %add3A_400 = arith.addf %reduce_sum3A_378, %reduce_sum3A_399 : f32
    %mul3A_401 = arith.constant 2.44140625E-4 : f32
    %mul3A_402 = arith.mulf %add3A_400, %mul3A_401 : f32
    %neg3A_403 = arith.constant 0.000000e+00 : f32
    %neg3A_404 = vector.broadcast %neg3A_403 : f32 to vector<20x128xf32>
    %neg3A_405 = arith.subf %neg3A_404, %dot_general3A_353 : vector<20x128xf32>
    %neg3A_406 = arith.constant 0.000000e+00 : f32
    %neg3A_407 = vector.broadcast %neg3A_406 : f32 to vector<20x128xf32>
    %neg3A_408 = arith.subf %neg3A_407, %neg3A_405 : vector<20x128xf32>
    %max3A_409 = arith.constant 0.000000e+00 : f32
    %max3A_410 = vector.broadcast %max3A_409 : f32 to vector<20x128xf32>
    %max3A_411 = arith.maximumf %neg3A_408, %max3A_410 : vector<20x128xf32>
    %abs3A_412 = math.absf %neg3A_405 : vector<20x128xf32>
    %neg3A_413 = arith.constant 0.000000e+00 : f32
    %neg3A_414 = vector.broadcast %neg3A_413 : f32 to vector<20x128xf32>
    %neg3A_415 = arith.subf %neg3A_414, %abs3A_412 : vector<20x128xf32>
    %exp3A_416 = math.exp %neg3A_415 : vector<20x128xf32>
    %add3A_417 = arith.constant 1.000000e+00 : f32
    %add3A_418 = vector.broadcast %add3A_417 : f32 to vector<20x128xf32>
    %add3A_419 = arith.addf %add3A_418, %exp3A_416 : vector<20x128xf32>
    %log3A_420 = math.log %add3A_419 : vector<20x128xf32>
    %add3A_421 = arith.addf %max3A_411, %log3A_420 : vector<20x128xf32>
    %reduce_sum3A_422 = vector.shape_cast %add3A_421 : vector<20x128xf32> to vector<1x20x128xf32>
    %reduce_sum3A_423 = arith.constant dense<0.000000e+00> : vector<1xf32>
    %reduce_sum3A_424 = vector.multi_reduction <add>, %reduce_sum3A_422, %reduce_sum3A_423 [1, 2] : vector<1x20x128xf32> to vector<1xf32>
    %reduce_sum3A_425 = vector.shape_cast %reduce_sum3A_424 : vector<1xf32> to vector<1x1x1xf32>
    %reduce_sum3A_426 = vector.extract %reduce_sum3A_425[0, 0, 0] : f32 from vector<1x1x1xf32>
    %add3A_427 = arith.addf %mul3A_402, %reduce_sum3A_426 : f32
    %neg3A_428 = arith.constant 0.000000e+00 : f32
    %neg3A_429 = vector.broadcast %neg3A_428 : f32 to vector<20x128xf32>
    %neg3A_430 = arith.subf %neg3A_429, %dot_general3A_357 : vector<20x128xf32>
    %neg3A_431 = arith.constant 0.000000e+00 : f32
    %neg3A_432 = vector.broadcast %neg3A_431 : f32 to vector<20x128xf32>
    %neg3A_433 = arith.subf %neg3A_432, %neg3A_430 : vector<20x128xf32>
    %max3A_434 = arith.constant 0.000000e+00 : f32
    %max3A_435 = vector.broadcast %max3A_434 : f32 to vector<20x128xf32>
    %max3A_436 = arith.maximumf %neg3A_433, %max3A_435 : vector<20x128xf32>
    %abs3A_437 = math.absf %neg3A_430 : vector<20x128xf32>
    %neg3A_438 = arith.constant 0.000000e+00 : f32
    %neg3A_439 = vector.broadcast %neg3A_438 : f32 to vector<20x128xf32>
    %neg3A_440 = arith.subf %neg3A_439, %abs3A_437 : vector<20x128xf32>
    %exp3A_441 = math.exp %neg3A_440 : vector<20x128xf32>
    %add3A_442 = arith.constant 1.000000e+00 : f32
    %add3A_443 = vector.broadcast %add3A_442 : f32 to vector<20x128xf32>
    %add3A_444 = arith.addf %add3A_443, %exp3A_441 : vector<20x128xf32>
    %log3A_445 = math.log %add3A_444 : vector<20x128xf32>
    %add3A_446 = arith.addf %max3A_436, %log3A_445 : vector<20x128xf32>
    %reduce_sum3A_447 = vector.shape_cast %add3A_446 : vector<20x128xf32> to vector<1x20x128xf32>
    %reduce_sum3A_448 = arith.constant dense<0.000000e+00> : vector<1xf32>
    %reduce_sum3A_449 = vector.multi_reduction <add>, %reduce_sum3A_447, %reduce_sum3A_448 [1, 2] : vector<1x20x128xf32> to vector<1xf32>
    %reduce_sum3A_450 = vector.shape_cast %reduce_sum3A_449 : vector<1xf32> to vector<1x1x1xf32>
    %reduce_sum3A_451 = vector.extract %reduce_sum3A_450[0, 0, 0] : f32 from vector<1x1x1xf32>
    %add3A_452 = arith.addf %add3A_427, %reduce_sum3A_451 : f32
    %add3A_453 = arith.addf %add3A_321, %add3A_452 : f32
    %slice3A_454 = vector.extract_strided_slice %reshape3A {offsets = [0, 3, 0, 0], sizes = [32, 1, 8, 128], strides = [1, 1, 1, 1]} : vector<32x16x8x128xf32> to vector<32x1x8x128xf32>
    %squeeze3A_455 = vector.shape_cast %slice3A_454 : vector<32x1x8x128xf32> to vector<32x8x128xf32>
    %reshape3A_456 = vector.shape_cast %squeeze3A_455 : vector<32x8x128xf32> to vector<256x128xf32>
    %convert_element_type3A_457 = arith.truncf %reshape3A_456 : vector<256x128xf32> to vector<256x128xbf16>
    %get3A_458 = arith.constant 768 : index
    %get3A_459 = arith.constant 0 : index
    %get3A_460 = vector.load %arg1[%get3A_458, %get3A_459] : memref<4096x128xf32, #tpu.memory_space<vmem>>, vector<128x128xf32>
    %convert_element_type3A_461 = arith.truncf %get3A_460 : vector<128x128xf32> to vector<128x128xbf16>
    %get3A_462 = arith.constant 896 : index
    %get3A_463 = arith.constant 0 : index
    %get3A_464 = vector.load %arg1[%get3A_462, %get3A_463] : memref<4096x128xf32, #tpu.memory_space<vmem>>, vector<128x128xf32>
    %convert_element_type3A_465 = arith.truncf %get3A_464 : vector<128x128xf32> to vector<128x128xbf16>
    %dot_general3A_466 = arith.constant dense<0.000000e+00> : vector<256x128xf32>
    %dot_general3A_467 = tpu.matmul %convert_element_type3A_457, %convert_element_type3A_461, %dot_general3A_466 {dimension_numbers = #tpu.dot_dimension_numbers<[1], [0], [0], [1], [0, 0, 1, 1], [], []>, transpose_lhs_hint = false} : vector<256x128xbf16>, vector<128x128xbf16>, vector<256x128xf32> -> vector<256x128xf32>
    %dot_general3A_468 = arith.constant dense<0.000000e+00> : vector<256x128xf32>
    %dot_general3A_469 = tpu.matmul %convert_element_type3A_457, %convert_element_type3A_465, %dot_general3A_468 {dimension_numbers = #tpu.dot_dimension_numbers<[1], [0], [0], [1], [0, 0, 1, 1], [], []>, transpose_lhs_hint = false} : vector<256x128xbf16>, vector<128x128xbf16>, vector<256x128xf32> -> vector<256x128xf32>
    %jit3A_470 = arith.constant 0.000000e+00 : f32
    %broadcast_in_dim3A_471 = vector.broadcast %jit3A_470 : f32 to vector<256x128xf32>
    %select_n3A_472 = arith.select %and3A_55, %dot_general3A_467, %broadcast_in_dim3A_471 : vector<256x128xi1>, vector<256x128xf32>
    %reduce_sum3A_473 = arith.constant dense<0.000000e+00> : vector<128xf32>
    %reduce_sum3A_474 = vector.multi_reduction <add>, %select_n3A_472, %reduce_sum3A_473 [0] : vector<256x128xf32> to vector<128xf32>
    %broadcast_in_dim3A_475 = vector.shape_cast %reduce_sum3A_474 : vector<128xf32> to vector<1x128xf32>
    %jit3A_476 = arith.constant 0.000000e+00 : f32
    %broadcast_in_dim3A_477 = vector.broadcast %jit3A_476 : f32 to vector<256x128xf32>
    %select_n3A_478 = arith.select %and3A_66, %dot_general3A_469, %broadcast_in_dim3A_477 : vector<256x128xi1>, vector<256x128xf32>
    %reduce_sum3A_479 = arith.constant dense<0.000000e+00> : vector<128xf32>
    %reduce_sum3A_480 = vector.multi_reduction <add>, %select_n3A_478, %reduce_sum3A_479 [0] : vector<256x128xf32> to vector<128xf32>
    %broadcast_in_dim3A_481 = vector.shape_cast %reduce_sum3A_480 : vector<128xf32> to vector<1x128xf32>
    %slice3A_482 = vector.extract_strided_slice %get3A_4 {offsets = [768, 0], sizes = [128, 128], strides = [1, 1]} : vector<4096x128xf32> to vector<128x128xf32>
    %convert_element_type3A_483 = arith.truncf %slice3A_482 : vector<128x128xf32> to vector<128x128xbf16>
    %dot_general3A_484 = arith.constant dense<0.000000e+00> : vector<20x128xf32>
    %dot_general3A_485 = tpu.matmul %convert_element_type3A, %convert_element_type3A_483, %dot_general3A_484 {dimension_numbers = #tpu.dot_dimension_numbers<[1], [0], [0], [1], [0, 0, 1, 1], [], []>, transpose_lhs_hint = false} : vector<20x128xbf16>, vector<128x128xbf16>, vector<20x128xf32> -> vector<20x128xf32>
    %slice3A_486 = vector.extract_strided_slice %get3A_4 {offsets = [896, 0], sizes = [128, 128], strides = [1, 1]} : vector<4096x128xf32> to vector<128x128xf32>
    %convert_element_type3A_487 = arith.truncf %slice3A_486 : vector<128x128xf32> to vector<128x128xbf16>
    %dot_general3A_488 = arith.constant dense<0.000000e+00> : vector<20x128xf32>
    %dot_general3A_489 = tpu.matmul %convert_element_type3A, %convert_element_type3A_487, %dot_general3A_488 {dimension_numbers = #tpu.dot_dimension_numbers<[1], [0], [0], [1], [0, 0, 1, 1], [], []>, transpose_lhs_hint = false} : vector<20x128xbf16>, vector<128x128xbf16>, vector<20x128xf32> -> vector<20x128xf32>
    %neg3A_490 = arith.constant 0.000000e+00 : f32
    %neg3A_491 = vector.broadcast %neg3A_490 : f32 to vector<1x128xf32>
    %neg3A_492 = arith.subf %neg3A_491, %broadcast_in_dim3A_475 : vector<1x128xf32>
    %max3A_493 = arith.constant 0.000000e+00 : f32
    %max3A_494 = vector.broadcast %max3A_493 : f32 to vector<1x128xf32>
    %max3A_495 = arith.maximumf %neg3A_492, %max3A_494 : vector<1x128xf32>
    %abs3A_496 = math.absf %broadcast_in_dim3A_475 : vector<1x128xf32>
    %neg3A_497 = arith.constant 0.000000e+00 : f32
    %neg3A_498 = vector.broadcast %neg3A_497 : f32 to vector<1x128xf32>
    %neg3A_499 = arith.subf %neg3A_498, %abs3A_496 : vector<1x128xf32>
    %exp3A_500 = math.exp %neg3A_499 : vector<1x128xf32>
    %add3A_501 = arith.constant 1.000000e+00 : f32
    %add3A_502 = vector.broadcast %add3A_501 : f32 to vector<1x128xf32>
    %add3A_503 = arith.addf %add3A_502, %exp3A_500 : vector<1x128xf32>
    %log3A_504 = math.log %add3A_503 : vector<1x128xf32>
    %add3A_505 = arith.addf %max3A_495, %log3A_504 : vector<1x128xf32>
    %reduce_sum3A_506 = vector.shape_cast %add3A_505 : vector<1x128xf32> to vector<1x1x128xf32>
    %reduce_sum3A_507 = arith.constant dense<0.000000e+00> : vector<1xf32>
    %reduce_sum3A_508 = vector.multi_reduction <add>, %reduce_sum3A_506, %reduce_sum3A_507 [1, 2] : vector<1x1x128xf32> to vector<1xf32>
    %reduce_sum3A_509 = vector.shape_cast %reduce_sum3A_508 : vector<1xf32> to vector<1x1x1xf32>
    %reduce_sum3A_510 = vector.extract %reduce_sum3A_509[0, 0, 0] : f32 from vector<1x1x1xf32>
    %neg3A_511 = arith.constant 0.000000e+00 : f32
    %neg3A_512 = vector.broadcast %neg3A_511 : f32 to vector<1x128xf32>
    %neg3A_513 = arith.subf %neg3A_512, %broadcast_in_dim3A_481 : vector<1x128xf32>
    %max3A_514 = arith.constant 0.000000e+00 : f32
    %max3A_515 = vector.broadcast %max3A_514 : f32 to vector<1x128xf32>
    %max3A_516 = arith.maximumf %neg3A_513, %max3A_515 : vector<1x128xf32>
    %abs3A_517 = math.absf %broadcast_in_dim3A_481 : vector<1x128xf32>
    %neg3A_518 = arith.constant 0.000000e+00 : f32
    %neg3A_519 = vector.broadcast %neg3A_518 : f32 to vector<1x128xf32>
    %neg3A_520 = arith.subf %neg3A_519, %abs3A_517 : vector<1x128xf32>
    %exp3A_521 = math.exp %neg3A_520 : vector<1x128xf32>
    %add3A_522 = arith.constant 1.000000e+00 : f32
    %add3A_523 = vector.broadcast %add3A_522 : f32 to vector<1x128xf32>
    %add3A_524 = arith.addf %add3A_523, %exp3A_521 : vector<1x128xf32>
    %log3A_525 = math.log %add3A_524 : vector<1x128xf32>
    %add3A_526 = arith.addf %max3A_516, %log3A_525 : vector<1x128xf32>
    %reduce_sum3A_527 = vector.shape_cast %add3A_526 : vector<1x128xf32> to vector<1x1x128xf32>
    %reduce_sum3A_528 = arith.constant dense<0.000000e+00> : vector<1xf32>
    %reduce_sum3A_529 = vector.multi_reduction <add>, %reduce_sum3A_527, %reduce_sum3A_528 [1, 2] : vector<1x1x128xf32> to vector<1xf32>
    %reduce_sum3A_530 = vector.shape_cast %reduce_sum3A_529 : vector<1xf32> to vector<1x1x1xf32>
    %reduce_sum3A_531 = vector.extract %reduce_sum3A_530[0, 0, 0] : f32 from vector<1x1x1xf32>
    %add3A_532 = arith.addf %reduce_sum3A_510, %reduce_sum3A_531 : f32
    %mul3A_533 = arith.constant 2.44140625E-4 : f32
    %mul3A_534 = arith.mulf %add3A_532, %mul3A_533 : f32
    %neg3A_535 = arith.constant 0.000000e+00 : f32
    %neg3A_536 = vector.broadcast %neg3A_535 : f32 to vector<20x128xf32>
    %neg3A_537 = arith.subf %neg3A_536, %dot_general3A_485 : vector<20x128xf32>
    %neg3A_538 = arith.constant 0.000000e+00 : f32
    %neg3A_539 = vector.broadcast %neg3A_538 : f32 to vector<20x128xf32>
    %neg3A_540 = arith.subf %neg3A_539, %neg3A_537 : vector<20x128xf32>
    %max3A_541 = arith.constant 0.000000e+00 : f32
    %max3A_542 = vector.broadcast %max3A_541 : f32 to vector<20x128xf32>
    %max3A_543 = arith.maximumf %neg3A_540, %max3A_542 : vector<20x128xf32>
    %abs3A_544 = math.absf %neg3A_537 : vector<20x128xf32>
    %neg3A_545 = arith.constant 0.000000e+00 : f32
    %neg3A_546 = vector.broadcast %neg3A_545 : f32 to vector<20x128xf32>
    %neg3A_547 = arith.subf %neg3A_546, %abs3A_544 : vector<20x128xf32>
    %exp3A_548 = math.exp %neg3A_547 : vector<20x128xf32>
    %add3A_549 = arith.constant 1.000000e+00 : f32
    %add3A_550 = vector.broadcast %add3A_549 : f32 to vector<20x128xf32>
    %add3A_551 = arith.addf %add3A_550, %exp3A_548 : vector<20x128xf32>
    %log3A_552 = math.log %add3A_551 : vector<20x128xf32>
    %add3A_553 = arith.addf %max3A_543, %log3A_552 : vector<20x128xf32>
    %reduce_sum3A_554 = vector.shape_cast %add3A_553 : vector<20x128xf32> to vector<1x20x128xf32>
    %reduce_sum3A_555 = arith.constant dense<0.000000e+00> : vector<1xf32>
    %reduce_sum3A_556 = vector.multi_reduction <add>, %reduce_sum3A_554, %reduce_sum3A_555 [1, 2] : vector<1x20x128xf32> to vector<1xf32>
    %reduce_sum3A_557 = vector.shape_cast %reduce_sum3A_556 : vector<1xf32> to vector<1x1x1xf32>
    %reduce_sum3A_558 = vector.extract %reduce_sum3A_557[0, 0, 0] : f32 from vector<1x1x1xf32>
    %add3A_559 = arith.addf %mul3A_534, %reduce_sum3A_558 : f32
    %neg3A_560 = arith.constant 0.000000e+00 : f32
    %neg3A_561 = vector.broadcast %neg3A_560 : f32 to vector<20x128xf32>
    %neg3A_562 = arith.subf %neg3A_561, %dot_general3A_489 : vector<20x128xf32>
    %neg3A_563 = arith.constant 0.000000e+00 : f32
    %neg3A_564 = vector.broadcast %neg3A_563 : f32 to vector<20x128xf32>
    %neg3A_565 = arith.subf %neg3A_564, %neg3A_562 : vector<20x128xf32>
    %max3A_566 = arith.constant 0.000000e+00 : f32
    %max3A_567 = vector.broadcast %max3A_566 : f32 to vector<20x128xf32>
    %max3A_568 = arith.maximumf %neg3A_565, %max3A_567 : vector<20x128xf32>
    %abs3A_569 = math.absf %neg3A_562 : vector<20x128xf32>
    %neg3A_570 = arith.constant 0.000000e+00 : f32
    %neg3A_571 = vector.broadcast %neg3A_570 : f32 to vector<20x128xf32>
    %neg3A_572 = arith.subf %neg3A_571, %abs3A_569 : vector<20x128xf32>
    %exp3A_573 = math.exp %neg3A_572 : vector<20x128xf32>
    %add3A_574 = arith.constant 1.000000e+00 : f32
    %add3A_575 = vector.broadcast %add3A_574 : f32 to vector<20x128xf32>
    %add3A_576 = arith.addf %add3A_575, %exp3A_573 : vector<20x128xf32>
    %log3A_577 = math.log %add3A_576 : vector<20x128xf32>
    %add3A_578 = arith.addf %max3A_568, %log3A_577 : vector<20x128xf32>
    %reduce_sum3A_579 = vector.shape_cast %add3A_578 : vector<20x128xf32> to vector<1x20x128xf32>
    %reduce_sum3A_580 = arith.constant dense<0.000000e+00> : vector<1xf32>
    %reduce_sum3A_581 = vector.multi_reduction <add>, %reduce_sum3A_579, %reduce_sum3A_580 [1, 2] : vector<1x20x128xf32> to vector<1xf32>
    %reduce_sum3A_582 = vector.shape_cast %reduce_sum3A_581 : vector<1xf32> to vector<1x1x1xf32>
    %reduce_sum3A_583 = vector.extract %reduce_sum3A_582[0, 0, 0] : f32 from vector<1x1x1xf32>
    %add3A_584 = arith.addf %add3A_559, %reduce_sum3A_583 : f32
    %add3A_585 = arith.addf %add3A_453, %add3A_584 : f32
    %slice3A_586 = vector.extract_strided_slice %reshape3A {offsets = [0, 4, 0, 0], sizes = [32, 1, 8, 128], strides = [1, 1, 1, 1]} : vector<32x16x8x128xf32> to vector<32x1x8x128xf32>
    %squeeze3A_587 = vector.shape_cast %slice3A_586 : vector<32x1x8x128xf32> to vector<32x8x128xf32>
    %reshape3A_588 = vector.shape_cast %squeeze3A_587 : vector<32x8x128xf32> to vector<256x128xf32>
    %convert_element_type3A_589 = arith.truncf %reshape3A_588 : vector<256x128xf32> to vector<256x128xbf16>
    %get3A_590 = arith.constant 1024 : index
    %get3A_591 = arith.constant 0 : index
    %get3A_592 = vector.load %arg1[%get3A_590, %get3A_591] : memref<4096x128xf32, #tpu.memory_space<vmem>>, vector<128x128xf32>
    %convert_element_type3A_593 = arith.truncf %get3A_592 : vector<128x128xf32> to vector<128x128xbf16>
    %get3A_594 = arith.constant 1152 : index
    %get3A_595 = arith.constant 0 : index
    %get3A_596 = vector.load %arg1[%get3A_594, %get3A_595] : memref<4096x128xf32, #tpu.memory_space<vmem>>, vector<128x128xf32>
    %convert_element_type3A_597 = arith.truncf %get3A_596 : vector<128x128xf32> to vector<128x128xbf16>
    %dot_general3A_598 = arith.constant dense<0.000000e+00> : vector<256x128xf32>
    %dot_general3A_599 = tpu.matmul %convert_element_type3A_589, %convert_element_type3A_593, %dot_general3A_598 {dimension_numbers = #tpu.dot_dimension_numbers<[1], [0], [0], [1], [0, 0, 1, 1], [], []>, transpose_lhs_hint = false} : vector<256x128xbf16>, vector<128x128xbf16>, vector<256x128xf32> -> vector<256x128xf32>
    %dot_general3A_600 = arith.constant dense<0.000000e+00> : vector<256x128xf32>
    %dot_general3A_601 = tpu.matmul %convert_element_type3A_589, %convert_element_type3A_597, %dot_general3A_600 {dimension_numbers = #tpu.dot_dimension_numbers<[1], [0], [0], [1], [0, 0, 1, 1], [], []>, transpose_lhs_hint = false} : vector<256x128xbf16>, vector<128x128xbf16>, vector<256x128xf32> -> vector<256x128xf32>
    %jit3A_602 = arith.constant 0.000000e+00 : f32
    %broadcast_in_dim3A_603 = vector.broadcast %jit3A_602 : f32 to vector<256x128xf32>
    %select_n3A_604 = arith.select %and3A_55, %dot_general3A_599, %broadcast_in_dim3A_603 : vector<256x128xi1>, vector<256x128xf32>
    %reduce_sum3A_605 = arith.constant dense<0.000000e+00> : vector<128xf32>
    %reduce_sum3A_606 = vector.multi_reduction <add>, %select_n3A_604, %reduce_sum3A_605 [0] : vector<256x128xf32> to vector<128xf32>
    %broadcast_in_dim3A_607 = vector.shape_cast %reduce_sum3A_606 : vector<128xf32> to vector<1x128xf32>
    %jit3A_608 = arith.constant 0.000000e+00 : f32
    %broadcast_in_dim3A_609 = vector.broadcast %jit3A_608 : f32 to vector<256x128xf32>
    %select_n3A_610 = arith.select %and3A_66, %dot_general3A_601, %broadcast_in_dim3A_609 : vector<256x128xi1>, vector<256x128xf32>
    %reduce_sum3A_611 = arith.constant dense<0.000000e+00> : vector<128xf32>
    %reduce_sum3A_612 = vector.multi_reduction <add>, %select_n3A_610, %reduce_sum3A_611 [0] : vector<256x128xf32> to vector<128xf32>
    %broadcast_in_dim3A_613 = vector.shape_cast %reduce_sum3A_612 : vector<128xf32> to vector<1x128xf32>
    %slice3A_614 = vector.extract_strided_slice %get3A_4 {offsets = [1024, 0], sizes = [128, 128], strides = [1, 1]} : vector<4096x128xf32> to vector<128x128xf32>
    %convert_element_type3A_615 = arith.truncf %slice3A_614 : vector<128x128xf32> to vector<128x128xbf16>
    %dot_general3A_616 = arith.constant dense<0.000000e+00> : vector<20x128xf32>
    %dot_general3A_617 = tpu.matmul %convert_element_type3A, %convert_element_type3A_615, %dot_general3A_616 {dimension_numbers = #tpu.dot_dimension_numbers<[1], [0], [0], [1], [0, 0, 1, 1], [], []>, transpose_lhs_hint = false} : vector<20x128xbf16>, vector<128x128xbf16>, vector<20x128xf32> -> vector<20x128xf32>
    %slice3A_618 = vector.extract_strided_slice %get3A_4 {offsets = [1152, 0], sizes = [128, 128], strides = [1, 1]} : vector<4096x128xf32> to vector<128x128xf32>
    %convert_element_type3A_619 = arith.truncf %slice3A_618 : vector<128x128xf32> to vector<128x128xbf16>
    %dot_general3A_620 = arith.constant dense<0.000000e+00> : vector<20x128xf32>
    %dot_general3A_621 = tpu.matmul %convert_element_type3A, %convert_element_type3A_619, %dot_general3A_620 {dimension_numbers = #tpu.dot_dimension_numbers<[1], [0], [0], [1], [0, 0, 1, 1], [], []>, transpose_lhs_hint = false} : vector<20x128xbf16>, vector<128x128xbf16>, vector<20x128xf32> -> vector<20x128xf32>
    %neg3A_622 = arith.constant 0.000000e+00 : f32
    %neg3A_623 = vector.broadcast %neg3A_622 : f32 to vector<1x128xf32>
    %neg3A_624 = arith.subf %neg3A_623, %broadcast_in_dim3A_607 : vector<1x128xf32>
    %max3A_625 = arith.constant 0.000000e+00 : f32
    %max3A_626 = vector.broadcast %max3A_625 : f32 to vector<1x128xf32>
    %max3A_627 = arith.maximumf %neg3A_624, %max3A_626 : vector<1x128xf32>
    %abs3A_628 = math.absf %broadcast_in_dim3A_607 : vector<1x128xf32>
    %neg3A_629 = arith.constant 0.000000e+00 : f32
    %neg3A_630 = vector.broadcast %neg3A_629 : f32 to vector<1x128xf32>
    %neg3A_631 = arith.subf %neg3A_630, %abs3A_628 : vector<1x128xf32>
    %exp3A_632 = math.exp %neg3A_631 : vector<1x128xf32>
    %add3A_633 = arith.constant 1.000000e+00 : f32
    %add3A_634 = vector.broadcast %add3A_633 : f32 to vector<1x128xf32>
    %add3A_635 = arith.addf %add3A_634, %exp3A_632 : vector<1x128xf32>
    %log3A_636 = math.log %add3A_635 : vector<1x128xf32>
    %add3A_637 = arith.addf %max3A_627, %log3A_636 : vector<1x128xf32>
    %reduce_sum3A_638 = vector.shape_cast %add3A_637 : vector<1x128xf32> to vector<1x1x128xf32>
    %reduce_sum3A_639 = arith.constant dense<0.000000e+00> : vector<1xf32>
    %reduce_sum3A_640 = vector.multi_reduction <add>, %reduce_sum3A_638, %reduce_sum3A_639 [1, 2] : vector<1x1x128xf32> to vector<1xf32>
    %reduce_sum3A_641 = vector.shape_cast %reduce_sum3A_640 : vector<1xf32> to vector<1x1x1xf32>
    %reduce_sum3A_642 = vector.extract %reduce_sum3A_641[0, 0, 0] : f32 from vector<1x1x1xf32>
    %neg3A_643 = arith.constant 0.000000e+00 : f32
    %neg3A_644 = vector.broadcast %neg3A_643 : f32 to vector<1x128xf32>
    %neg3A_645 = arith.subf %neg3A_644, %broadcast_in_dim3A_613 : vector<1x128xf32>
    %max3A_646 = arith.constant 0.000000e+00 : f32
    %max3A_647 = vector.broadcast %max3A_646 : f32 to vector<1x128xf32>
    %max3A_648 = arith.maximumf %neg3A_645, %max3A_647 : vector<1x128xf32>
    %abs3A_649 = math.absf %broadcast_in_dim3A_613 : vector<1x128xf32>
    %neg3A_650 = arith.constant 0.000000e+00 : f32
    %neg3A_651 = vector.broadcast %neg3A_650 : f32 to vector<1x128xf32>
    %neg3A_652 = arith.subf %neg3A_651, %abs3A_649 : vector<1x128xf32>
    %exp3A_653 = math.exp %neg3A_652 : vector<1x128xf32>
    %add3A_654 = arith.constant 1.000000e+00 : f32
    %add3A_655 = vector.broadcast %add3A_654 : f32 to vector<1x128xf32>
    %add3A_656 = arith.addf %add3A_655, %exp3A_653 : vector<1x128xf32>
    %log3A_657 = math.log %add3A_656 : vector<1x128xf32>
    %add3A_658 = arith.addf %max3A_648, %log3A_657 : vector<1x128xf32>
    %reduce_sum3A_659 = vector.shape_cast %add3A_658 : vector<1x128xf32> to vector<1x1x128xf32>
    %reduce_sum3A_660 = arith.constant dense<0.000000e+00> : vector<1xf32>
    %reduce_sum3A_661 = vector.multi_reduction <add>, %reduce_sum3A_659, %reduce_sum3A_660 [1, 2] : vector<1x1x128xf32> to vector<1xf32>
    %reduce_sum3A_662 = vector.shape_cast %reduce_sum3A_661 : vector<1xf32> to vector<1x1x1xf32>
    %reduce_sum3A_663 = vector.extract %reduce_sum3A_662[0, 0, 0] : f32 from vector<1x1x1xf32>
    %add3A_664 = arith.addf %reduce_sum3A_642, %reduce_sum3A_663 : f32
    %mul3A_665 = arith.constant 2.44140625E-4 : f32
    %mul3A_666 = arith.mulf %add3A_664, %mul3A_665 : f32
    %neg3A_667 = arith.constant 0.000000e+00 : f32
    %neg3A_668 = vector.broadcast %neg3A_667 : f32 to vector<20x128xf32>
    %neg3A_669 = arith.subf %neg3A_668, %dot_general3A_617 : vector<20x128xf32>
    %neg3A_670 = arith.constant 0.000000e+00 : f32
    %neg3A_671 = vector.broadcast %neg3A_670 : f32 to vector<20x128xf32>
    %neg3A_672 = arith.subf %neg3A_671, %neg3A_669 : vector<20x128xf32>
    %max3A_673 = arith.constant 0.000000e+00 : f32
    %max3A_674 = vector.broadcast %max3A_673 : f32 to vector<20x128xf32>
    %max3A_675 = arith.maximumf %neg3A_672, %max3A_674 : vector<20x128xf32>
    %abs3A_676 = math.absf %neg3A_669 : vector<20x128xf32>
    %neg3A_677 = arith.constant 0.000000e+00 : f32
    %neg3A_678 = vector.broadcast %neg3A_677 : f32 to vector<20x128xf32>
    %neg3A_679 = arith.subf %neg3A_678, %abs3A_676 : vector<20x128xf32>
    %exp3A_680 = math.exp %neg3A_679 : vector<20x128xf32>
    %add3A_681 = arith.constant 1.000000e+00 : f32
    %add3A_682 = vector.broadcast %add3A_681 : f32 to vector<20x128xf32>
    %add3A_683 = arith.addf %add3A_682, %exp3A_680 : vector<20x128xf32>
    %log3A_684 = math.log %add3A_683 : vector<20x128xf32>
    %add3A_685 = arith.addf %max3A_675, %log3A_684 : vector<20x128xf32>
    %reduce_sum3A_686 = vector.shape_cast %add3A_685 : vector<20x128xf32> to vector<1x20x128xf32>
    %reduce_sum3A_687 = arith.constant dense<0.000000e+00> : vector<1xf32>
    %reduce_sum3A_688 = vector.multi_reduction <add>, %reduce_sum3A_686, %reduce_sum3A_687 [1, 2] : vector<1x20x128xf32> to vector<1xf32>
    %reduce_sum3A_689 = vector.shape_cast %reduce_sum3A_688 : vector<1xf32> to vector<1x1x1xf32>
    %reduce_sum3A_690 = vector.extract %reduce_sum3A_689[0, 0, 0] : f32 from vector<1x1x1xf32>
    %add3A_691 = arith.addf %mul3A_666, %reduce_sum3A_690 : f32
    %neg3A_692 = arith.constant 0.000000e+00 : f32
    %neg3A_693 = vector.broadcast %neg3A_692 : f32 to vector<20x128xf32>
    %neg3A_694 = arith.subf %neg3A_693, %dot_general3A_621 : vector<20x128xf32>
    %neg3A_695 = arith.constant 0.000000e+00 : f32
    %neg3A_696 = vector.broadcast %neg3A_695 : f32 to vector<20x128xf32>
    %neg3A_697 = arith.subf %neg3A_696, %neg3A_694 : vector<20x128xf32>
    %max3A_698 = arith.constant 0.000000e+00 : f32
    %max3A_699 = vector.broadcast %max3A_698 : f32 to vector<20x128xf32>
    %max3A_700 = arith.maximumf %neg3A_697, %max3A_699 : vector<20x128xf32>
    %abs3A_701 = math.absf %neg3A_694 : vector<20x128xf32>
    %neg3A_702 = arith.constant 0.000000e+00 : f32
    %neg3A_703 = vector.broadcast %neg3A_702 : f32 to vector<20x128xf32>
    %neg3A_704 = arith.subf %neg3A_703, %abs3A_701 : vector<20x128xf32>
    %exp3A_705 = math.exp %neg3A_704 : vector<20x128xf32>
    %add3A_706 = arith.constant 1.000000e+00 : f32
    %add3A_707 = vector.broadcast %add3A_706 : f32 to vector<20x128xf32>
    %add3A_708 = arith.addf %add3A_707, %exp3A_705 : vector<20x128xf32>
    %log3A_709 = math.log %add3A_708 : vector<20x128xf32>
    %add3A_710 = arith.addf %max3A_700, %log3A_709 : vector<20x128xf32>
    %reduce_sum3A_711 = vector.shape_cast %add3A_710 : vector<20x128xf32> to vector<1x20x128xf32>
    %reduce_sum3A_712 = arith.constant dense<0.000000e+00> : vector<1xf32>
    %reduce_sum3A_713 = vector.multi_reduction <add>, %reduce_sum3A_711, %reduce_sum3A_712 [1, 2] : vector<1x20x128xf32> to vector<1xf32>
    %reduce_sum3A_714 = vector.shape_cast %reduce_sum3A_713 : vector<1xf32> to vector<1x1x1xf32>
    %reduce_sum3A_715 = vector.extract %reduce_sum3A_714[0, 0, 0] : f32 from vector<1x1x1xf32>
    %add3A_716 = arith.addf %add3A_691, %reduce_sum3A_715 : f32
    %add3A_717 = arith.addf %add3A_585, %add3A_716 : f32
    %slice3A_718 = vector.extract_strided_slice %reshape3A {offsets = [0, 5, 0, 0], sizes = [32, 1, 8, 128], strides = [1, 1, 1, 1]} : vector<32x16x8x128xf32> to vector<32x1x8x128xf32>
    %squeeze3A_719 = vector.shape_cast %slice3A_718 : vector<32x1x8x128xf32> to vector<32x8x128xf32>
    %reshape3A_720 = vector.shape_cast %squeeze3A_719 : vector<32x8x128xf32> to vector<256x128xf32>
    %convert_element_type3A_721 = arith.truncf %reshape3A_720 : vector<256x128xf32> to vector<256x128xbf16>
    %get3A_722 = arith.constant 1280 : index
    %get3A_723 = arith.constant 0 : index
    %get3A_724 = vector.load %arg1[%get3A_722, %get3A_723] : memref<4096x128xf32, #tpu.memory_space<vmem>>, vector<128x128xf32>
    %convert_element_type3A_725 = arith.truncf %get3A_724 : vector<128x128xf32> to vector<128x128xbf16>
    %get3A_726 = arith.constant 1408 : index
    %get3A_727 = arith.constant 0 : index
    %get3A_728 = vector.load %arg1[%get3A_726, %get3A_727] : memref<4096x128xf32, #tpu.memory_space<vmem>>, vector<128x128xf32>
    %convert_element_type3A_729 = arith.truncf %get3A_728 : vector<128x128xf32> to vector<128x128xbf16>
    %dot_general3A_730 = arith.constant dense<0.000000e+00> : vector<256x128xf32>
    %dot_general3A_731 = tpu.matmul %convert_element_type3A_721, %convert_element_type3A_725, %dot_general3A_730 {dimension_numbers = #tpu.dot_dimension_numbers<[1], [0], [0], [1], [0, 0, 1, 1], [], []>, transpose_lhs_hint = false} : vector<256x128xbf16>, vector<128x128xbf16>, vector<256x128xf32> -> vector<256x128xf32>
    %dot_general3A_732 = arith.constant dense<0.000000e+00> : vector<256x128xf32>
    %dot_general3A_733 = tpu.matmul %convert_element_type3A_721, %convert_element_type3A_729, %dot_general3A_732 {dimension_numbers = #tpu.dot_dimension_numbers<[1], [0], [0], [1], [0, 0, 1, 1], [], []>, transpose_lhs_hint = false} : vector<256x128xbf16>, vector<128x128xbf16>, vector<256x128xf32> -> vector<256x128xf32>
    %jit3A_734 = arith.constant 0.000000e+00 : f32
    %broadcast_in_dim3A_735 = vector.broadcast %jit3A_734 : f32 to vector<256x128xf32>
    %select_n3A_736 = arith.select %and3A_55, %dot_general3A_731, %broadcast_in_dim3A_735 : vector<256x128xi1>, vector<256x128xf32>
    %reduce_sum3A_737 = arith.constant dense<0.000000e+00> : vector<128xf32>
    %reduce_sum3A_738 = vector.multi_reduction <add>, %select_n3A_736, %reduce_sum3A_737 [0] : vector<256x128xf32> to vector<128xf32>
    %broadcast_in_dim3A_739 = vector.shape_cast %reduce_sum3A_738 : vector<128xf32> to vector<1x128xf32>
    %jit3A_740 = arith.constant 0.000000e+00 : f32
    %broadcast_in_dim3A_741 = vector.broadcast %jit3A_740 : f32 to vector<256x128xf32>
    %select_n3A_742 = arith.select %and3A_66, %dot_general3A_733, %broadcast_in_dim3A_741 : vector<256x128xi1>, vector<256x128xf32>
    %reduce_sum3A_743 = arith.constant dense<0.000000e+00> : vector<128xf32>
    %reduce_sum3A_744 = vector.multi_reduction <add>, %select_n3A_742, %reduce_sum3A_743 [0] : vector<256x128xf32> to vector<128xf32>
    %broadcast_in_dim3A_745 = vector.shape_cast %reduce_sum3A_744 : vector<128xf32> to vector<1x128xf32>
    %slice3A_746 = vector.extract_strided_slice %get3A_4 {offsets = [1280, 0], sizes = [128, 128], strides = [1, 1]} : vector<4096x128xf32> to vector<128x128xf32>
    %convert_element_type3A_747 = arith.truncf %slice3A_746 : vector<128x128xf32> to vector<128x128xbf16>
    %dot_general3A_748 = arith.constant dense<0.000000e+00> : vector<20x128xf32>
    %dot_general3A_749 = tpu.matmul %convert_element_type3A, %convert_element_type3A_747, %dot_general3A_748 {dimension_numbers = #tpu.dot_dimension_numbers<[1], [0], [0], [1], [0, 0, 1, 1], [], []>, transpose_lhs_hint = false} : vector<20x128xbf16>, vector<128x128xbf16>, vector<20x128xf32> -> vector<20x128xf32>
    %slice3A_750 = vector.extract_strided_slice %get3A_4 {offsets = [1408, 0], sizes = [128, 128], strides = [1, 1]} : vector<4096x128xf32> to vector<128x128xf32>
    %convert_element_type3A_751 = arith.truncf %slice3A_750 : vector<128x128xf32> to vector<128x128xbf16>
    %dot_general3A_752 = arith.constant dense<0.000000e+00> : vector<20x128xf32>
    %dot_general3A_753 = tpu.matmul %convert_element_type3A, %convert_element_type3A_751, %dot_general3A_752 {dimension_numbers = #tpu.dot_dimension_numbers<[1], [0], [0], [1], [0, 0, 1, 1], [], []>, transpose_lhs_hint = false} : vector<20x128xbf16>, vector<128x128xbf16>, vector<20x128xf32> -> vector<20x128xf32>
    %neg3A_754 = arith.constant 0.000000e+00 : f32
    %neg3A_755 = vector.broadcast %neg3A_754 : f32 to vector<1x128xf32>
    %neg3A_756 = arith.subf %neg3A_755, %broadcast_in_dim3A_739 : vector<1x128xf32>
    %max3A_757 = arith.constant 0.000000e+00 : f32
    %max3A_758 = vector.broadcast %max3A_757 : f32 to vector<1x128xf32>
    %max3A_759 = arith.maximumf %neg3A_756, %max3A_758 : vector<1x128xf32>
    %abs3A_760 = math.absf %broadcast_in_dim3A_739 : vector<1x128xf32>
    %neg3A_761 = arith.constant 0.000000e+00 : f32
    %neg3A_762 = vector.broadcast %neg3A_761 : f32 to vector<1x128xf32>
    %neg3A_763 = arith.subf %neg3A_762, %abs3A_760 : vector<1x128xf32>
    %exp3A_764 = math.exp %neg3A_763 : vector<1x128xf32>
    %add3A_765 = arith.constant 1.000000e+00 : f32
    %add3A_766 = vector.broadcast %add3A_765 : f32 to vector<1x128xf32>
    %add3A_767 = arith.addf %add3A_766, %exp3A_764 : vector<1x128xf32>
    %log3A_768 = math.log %add3A_767 : vector<1x128xf32>
    %add3A_769 = arith.addf %max3A_759, %log3A_768 : vector<1x128xf32>
    %reduce_sum3A_770 = vector.shape_cast %add3A_769 : vector<1x128xf32> to vector<1x1x128xf32>
    %reduce_sum3A_771 = arith.constant dense<0.000000e+00> : vector<1xf32>
    %reduce_sum3A_772 = vector.multi_reduction <add>, %reduce_sum3A_770, %reduce_sum3A_771 [1, 2] : vector<1x1x128xf32> to vector<1xf32>
    %reduce_sum3A_773 = vector.shape_cast %reduce_sum3A_772 : vector<1xf32> to vector<1x1x1xf32>
    %reduce_sum3A_774 = vector.extract %reduce_sum3A_773[0, 0, 0] : f32 from vector<1x1x1xf32>
    %neg3A_775 = arith.constant 0.000000e+00 : f32
    %neg3A_776 = vector.broadcast %neg3A_775 : f32 to vector<1x128xf32>
    %neg3A_777 = arith.subf %neg3A_776, %broadcast_in_dim3A_745 : vector<1x128xf32>
    %max3A_778 = arith.constant 0.000000e+00 : f32
    %max3A_779 = vector.broadcast %max3A_778 : f32 to vector<1x128xf32>
    %max3A_780 = arith.maximumf %neg3A_777, %max3A_779 : vector<1x128xf32>
    %abs3A_781 = math.absf %broadcast_in_dim3A_745 : vector<1x128xf32>
    %neg3A_782 = arith.constant 0.000000e+00 : f32
    %neg3A_783 = vector.broadcast %neg3A_782 : f32 to vector<1x128xf32>
    %neg3A_784 = arith.subf %neg3A_783, %abs3A_781 : vector<1x128xf32>
    %exp3A_785 = math.exp %neg3A_784 : vector<1x128xf32>
    %add3A_786 = arith.constant 1.000000e+00 : f32
    %add3A_787 = vector.broadcast %add3A_786 : f32 to vector<1x128xf32>
    %add3A_788 = arith.addf %add3A_787, %exp3A_785 : vector<1x128xf32>
    %log3A_789 = math.log %add3A_788 : vector<1x128xf32>
    %add3A_790 = arith.addf %max3A_780, %log3A_789 : vector<1x128xf32>
    %reduce_sum3A_791 = vector.shape_cast %add3A_790 : vector<1x128xf32> to vector<1x1x128xf32>
    %reduce_sum3A_792 = arith.constant dense<0.000000e+00> : vector<1xf32>
    %reduce_sum3A_793 = vector.multi_reduction <add>, %reduce_sum3A_791, %reduce_sum3A_792 [1, 2] : vector<1x1x128xf32> to vector<1xf32>
    %reduce_sum3A_794 = vector.shape_cast %reduce_sum3A_793 : vector<1xf32> to vector<1x1x1xf32>
    %reduce_sum3A_795 = vector.extract %reduce_sum3A_794[0, 0, 0] : f32 from vector<1x1x1xf32>
    %add3A_796 = arith.addf %reduce_sum3A_774, %reduce_sum3A_795 : f32
    %mul3A_797 = arith.constant 2.44140625E-4 : f32
    %mul3A_798 = arith.mulf %add3A_796, %mul3A_797 : f32
    %neg3A_799 = arith.constant 0.000000e+00 : f32
    %neg3A_800 = vector.broadcast %neg3A_799 : f32 to vector<20x128xf32>
    %neg3A_801 = arith.subf %neg3A_800, %dot_general3A_749 : vector<20x128xf32>
    %neg3A_802 = arith.constant 0.000000e+00 : f32
    %neg3A_803 = vector.broadcast %neg3A_802 : f32 to vector<20x128xf32>
    %neg3A_804 = arith.subf %neg3A_803, %neg3A_801 : vector<20x128xf32>
    %max3A_805 = arith.constant 0.000000e+00 : f32
    %max3A_806 = vector.broadcast %max3A_805 : f32 to vector<20x128xf32>
    %max3A_807 = arith.maximumf %neg3A_804, %max3A_806 : vector<20x128xf32>
    %abs3A_808 = math.absf %neg3A_801 : vector<20x128xf32>
    %neg3A_809 = arith.constant 0.000000e+00 : f32
    %neg3A_810 = vector.broadcast %neg3A_809 : f32 to vector<20x128xf32>
    %neg3A_811 = arith.subf %neg3A_810, %abs3A_808 : vector<20x128xf32>
    %exp3A_812 = math.exp %neg3A_811 : vector<20x128xf32>
    %add3A_813 = arith.constant 1.000000e+00 : f32
    %add3A_814 = vector.broadcast %add3A_813 : f32 to vector<20x128xf32>
    %add3A_815 = arith.addf %add3A_814, %exp3A_812 : vector<20x128xf32>
    %log3A_816 = math.log %add3A_815 : vector<20x128xf32>
    %add3A_817 = arith.addf %max3A_807, %log3A_816 : vector<20x128xf32>
    %reduce_sum3A_818 = vector.shape_cast %add3A_817 : vector<20x128xf32> to vector<1x20x128xf32>
    %reduce_sum3A_819 = arith.constant dense<0.000000e+00> : vector<1xf32>
    %reduce_sum3A_820 = vector.multi_reduction <add>, %reduce_sum3A_818, %reduce_sum3A_819 [1, 2] : vector<1x20x128xf32> to vector<1xf32>
    %reduce_sum3A_821 = vector.shape_cast %reduce_sum3A_820 : vector<1xf32> to vector<1x1x1xf32>
    %reduce_sum3A_822 = vector.extract %reduce_sum3A_821[0, 0, 0] : f32 from vector<1x1x1xf32>
    %add3A_823 = arith.addf %mul3A_798, %reduce_sum3A_822 : f32
    %neg3A_824 = arith.constant 0.000000e+00 : f32
    %neg3A_825 = vector.broadcast %neg3A_824 : f32 to vector<20x128xf32>
    %neg3A_826 = arith.subf %neg3A_825, %dot_general3A_753 : vector<20x128xf32>
    %neg3A_827 = arith.constant 0.000000e+00 : f32
    %neg3A_828 = vector.broadcast %neg3A_827 : f32 to vector<20x128xf32>
    %neg3A_829 = arith.subf %neg3A_828, %neg3A_826 : vector<20x128xf32>
    %max3A_830 = arith.constant 0.000000e+00 : f32
    %max3A_831 = vector.broadcast %max3A_830 : f32 to vector<20x128xf32>
    %max3A_832 = arith.maximumf %neg3A_829, %max3A_831 : vector<20x128xf32>
    %abs3A_833 = math.absf %neg3A_826 : vector<20x128xf32>
    %neg3A_834 = arith.constant 0.000000e+00 : f32
    %neg3A_835 = vector.broadcast %neg3A_834 : f32 to vector<20x128xf32>
    %neg3A_836 = arith.subf %neg3A_835, %abs3A_833 : vector<20x128xf32>
    %exp3A_837 = math.exp %neg3A_836 : vector<20x128xf32>
    %add3A_838 = arith.constant 1.000000e+00 : f32
    %add3A_839 = vector.broadcast %add3A_838 : f32 to vector<20x128xf32>
    %add3A_840 = arith.addf %add3A_839, %exp3A_837 : vector<20x128xf32>
    %log3A_841 = math.log %add3A_840 : vector<20x128xf32>
    %add3A_842 = arith.addf %max3A_832, %log3A_841 : vector<20x128xf32>
    %reduce_sum3A_843 = vector.shape_cast %add3A_842 : vector<20x128xf32> to vector<1x20x128xf32>
    %reduce_sum3A_844 = arith.constant dense<0.000000e+00> : vector<1xf32>
    %reduce_sum3A_845 = vector.multi_reduction <add>, %reduce_sum3A_843, %reduce_sum3A_844 [1, 2] : vector<1x20x128xf32> to vector<1xf32>
    %reduce_sum3A_846 = vector.shape_cast %reduce_sum3A_845 : vector<1xf32> to vector<1x1x1xf32>
    %reduce_sum3A_847 = vector.extract %reduce_sum3A_846[0, 0, 0] : f32 from vector<1x1x1xf32>
    %add3A_848 = arith.addf %add3A_823, %reduce_sum3A_847 : f32
    %add3A_849 = arith.addf %add3A_717, %add3A_848 : f32
    %slice3A_850 = vector.extract_strided_slice %reshape3A {offsets = [0, 6, 0, 0], sizes = [32, 1, 8, 128], strides = [1, 1, 1, 1]} : vector<32x16x8x128xf32> to vector<32x1x8x128xf32>
    %squeeze3A_851 = vector.shape_cast %slice3A_850 : vector<32x1x8x128xf32> to vector<32x8x128xf32>
    %reshape3A_852 = vector.shape_cast %squeeze3A_851 : vector<32x8x128xf32> to vector<256x128xf32>
    %convert_element_type3A_853 = arith.truncf %reshape3A_852 : vector<256x128xf32> to vector<256x128xbf16>
    %get3A_854 = arith.constant 1536 : index
    %get3A_855 = arith.constant 0 : index
    %get3A_856 = vector.load %arg1[%get3A_854, %get3A_855] : memref<4096x128xf32, #tpu.memory_space<vmem>>, vector<128x128xf32>
    %convert_element_type3A_857 = arith.truncf %get3A_856 : vector<128x128xf32> to vector<128x128xbf16>
    %get3A_858 = arith.constant 1664 : index
    %get3A_859 = arith.constant 0 : index
    %get3A_860 = vector.load %arg1[%get3A_858, %get3A_859] : memref<4096x128xf32, #tpu.memory_space<vmem>>, vector<128x128xf32>
    %convert_element_type3A_861 = arith.truncf %get3A_860 : vector<128x128xf32> to vector<128x128xbf16>
    %dot_general3A_862 = arith.constant dense<0.000000e+00> : vector<256x128xf32>
    %dot_general3A_863 = tpu.matmul %convert_element_type3A_853, %convert_element_type3A_857, %dot_general3A_862 {dimension_numbers = #tpu.dot_dimension_numbers<[1], [0], [0], [1], [0, 0, 1, 1], [], []>, transpose_lhs_hint = false} : vector<256x128xbf16>, vector<128x128xbf16>, vector<256x128xf32> -> vector<256x128xf32>
    %dot_general3A_864 = arith.constant dense<0.000000e+00> : vector<256x128xf32>
    %dot_general3A_865 = tpu.matmul %convert_element_type3A_853, %convert_element_type3A_861, %dot_general3A_864 {dimension_numbers = #tpu.dot_dimension_numbers<[1], [0], [0], [1], [0, 0, 1, 1], [], []>, transpose_lhs_hint = false} : vector<256x128xbf16>, vector<128x128xbf16>, vector<256x128xf32> -> vector<256x128xf32>
    %jit3A_866 = arith.constant 0.000000e+00 : f32
    %broadcast_in_dim3A_867 = vector.broadcast %jit3A_866 : f32 to vector<256x128xf32>
    %select_n3A_868 = arith.select %and3A_55, %dot_general3A_863, %broadcast_in_dim3A_867 : vector<256x128xi1>, vector<256x128xf32>
    %reduce_sum3A_869 = arith.constant dense<0.000000e+00> : vector<128xf32>
    %reduce_sum3A_870 = vector.multi_reduction <add>, %select_n3A_868, %reduce_sum3A_869 [0] : vector<256x128xf32> to vector<128xf32>
    %broadcast_in_dim3A_871 = vector.shape_cast %reduce_sum3A_870 : vector<128xf32> to vector<1x128xf32>
    %jit3A_872 = arith.constant 0.000000e+00 : f32
    %broadcast_in_dim3A_873 = vector.broadcast %jit3A_872 : f32 to vector<256x128xf32>
    %select_n3A_874 = arith.select %and3A_66, %dot_general3A_865, %broadcast_in_dim3A_873 : vector<256x128xi1>, vector<256x128xf32>
    %reduce_sum3A_875 = arith.constant dense<0.000000e+00> : vector<128xf32>
    %reduce_sum3A_876 = vector.multi_reduction <add>, %select_n3A_874, %reduce_sum3A_875 [0] : vector<256x128xf32> to vector<128xf32>
    %broadcast_in_dim3A_877 = vector.shape_cast %reduce_sum3A_876 : vector<128xf32> to vector<1x128xf32>
    %slice3A_878 = vector.extract_strided_slice %get3A_4 {offsets = [1536, 0], sizes = [128, 128], strides = [1, 1]} : vector<4096x128xf32> to vector<128x128xf32>
    %convert_element_type3A_879 = arith.truncf %slice3A_878 : vector<128x128xf32> to vector<128x128xbf16>
    %dot_general3A_880 = arith.constant dense<0.000000e+00> : vector<20x128xf32>
    %dot_general3A_881 = tpu.matmul %convert_element_type3A, %convert_element_type3A_879, %dot_general3A_880 {dimension_numbers = #tpu.dot_dimension_numbers<[1], [0], [0], [1], [0, 0, 1, 1], [], []>, transpose_lhs_hint = false} : vector<20x128xbf16>, vector<128x128xbf16>, vector<20x128xf32> -> vector<20x128xf32>
    %slice3A_882 = vector.extract_strided_slice %get3A_4 {offsets = [1664, 0], sizes = [128, 128], strides = [1, 1]} : vector<4096x128xf32> to vector<128x128xf32>
    %convert_element_type3A_883 = arith.truncf %slice3A_882 : vector<128x128xf32> to vector<128x128xbf16>
    %dot_general3A_884 = arith.constant dense<0.000000e+00> : vector<20x128xf32>
    %dot_general3A_885 = tpu.matmul %convert_element_type3A, %convert_element_type3A_883, %dot_general3A_884 {dimension_numbers = #tpu.dot_dimension_numbers<[1], [0], [0], [1], [0, 0, 1, 1], [], []>, transpose_lhs_hint = false} : vector<20x128xbf16>, vector<128x128xbf16>, vector<20x128xf32> -> vector<20x128xf32>
    %neg3A_886 = arith.constant 0.000000e+00 : f32
    %neg3A_887 = vector.broadcast %neg3A_886 : f32 to vector<1x128xf32>
    %neg3A_888 = arith.subf %neg3A_887, %broadcast_in_dim3A_871 : vector<1x128xf32>
    %max3A_889 = arith.constant 0.000000e+00 : f32
    %max3A_890 = vector.broadcast %max3A_889 : f32 to vector<1x128xf32>
    %max3A_891 = arith.maximumf %neg3A_888, %max3A_890 : vector<1x128xf32>
    %abs3A_892 = math.absf %broadcast_in_dim3A_871 : vector<1x128xf32>
    %neg3A_893 = arith.constant 0.000000e+00 : f32
    %neg3A_894 = vector.broadcast %neg3A_893 : f32 to vector<1x128xf32>
    %neg3A_895 = arith.subf %neg3A_894, %abs3A_892 : vector<1x128xf32>
    %exp3A_896 = math.exp %neg3A_895 : vector<1x128xf32>
    %add3A_897 = arith.constant 1.000000e+00 : f32
    %add3A_898 = vector.broadcast %add3A_897 : f32 to vector<1x128xf32>
    %add3A_899 = arith.addf %add3A_898, %exp3A_896 : vector<1x128xf32>
    %log3A_900 = math.log %add3A_899 : vector<1x128xf32>
    %add3A_901 = arith.addf %max3A_891, %log3A_900 : vector<1x128xf32>
    %reduce_sum3A_902 = vector.shape_cast %add3A_901 : vector<1x128xf32> to vector<1x1x128xf32>
    %reduce_sum3A_903 = arith.constant dense<0.000000e+00> : vector<1xf32>
    %reduce_sum3A_904 = vector.multi_reduction <add>, %reduce_sum3A_902, %reduce_sum3A_903 [1, 2] : vector<1x1x128xf32> to vector<1xf32>
    %reduce_sum3A_905 = vector.shape_cast %reduce_sum3A_904 : vector<1xf32> to vector<1x1x1xf32>
    %reduce_sum3A_906 = vector.extract %reduce_sum3A_905[0, 0, 0] : f32 from vector<1x1x1xf32>
    %neg3A_907 = arith.constant 0.000000e+00 : f32
    %neg3A_908 = vector.broadcast %neg3A_907 : f32 to vector<1x128xf32>
    %neg3A_909 = arith.subf %neg3A_908, %broadcast_in_dim3A_877 : vector<1x128xf32>
    %max3A_910 = arith.constant 0.000000e+00 : f32
    %max3A_911 = vector.broadcast %max3A_910 : f32 to vector<1x128xf32>
    %max3A_912 = arith.maximumf %neg3A_909, %max3A_911 : vector<1x128xf32>
    %abs3A_913 = math.absf %broadcast_in_dim3A_877 : vector<1x128xf32>
    %neg3A_914 = arith.constant 0.000000e+00 : f32
    %neg3A_915 = vector.broadcast %neg3A_914 : f32 to vector<1x128xf32>
    %neg3A_916 = arith.subf %neg3A_915, %abs3A_913 : vector<1x128xf32>
    %exp3A_917 = math.exp %neg3A_916 : vector<1x128xf32>
    %add3A_918 = arith.constant 1.000000e+00 : f32
    %add3A_919 = vector.broadcast %add3A_918 : f32 to vector<1x128xf32>
    %add3A_920 = arith.addf %add3A_919, %exp3A_917 : vector<1x128xf32>
    %log3A_921 = math.log %add3A_920 : vector<1x128xf32>
    %add3A_922 = arith.addf %max3A_912, %log3A_921 : vector<1x128xf32>
    %reduce_sum3A_923 = vector.shape_cast %add3A_922 : vector<1x128xf32> to vector<1x1x128xf32>
    %reduce_sum3A_924 = arith.constant dense<0.000000e+00> : vector<1xf32>
    %reduce_sum3A_925 = vector.multi_reduction <add>, %reduce_sum3A_923, %reduce_sum3A_924 [1, 2] : vector<1x1x128xf32> to vector<1xf32>
    %reduce_sum3A_926 = vector.shape_cast %reduce_sum3A_925 : vector<1xf32> to vector<1x1x1xf32>
    %reduce_sum3A_927 = vector.extract %reduce_sum3A_926[0, 0, 0] : f32 from vector<1x1x1xf32>
    %add3A_928 = arith.addf %reduce_sum3A_906, %reduce_sum3A_927 : f32
    %mul3A_929 = arith.constant 2.44140625E-4 : f32
    %mul3A_930 = arith.mulf %add3A_928, %mul3A_929 : f32
    %neg3A_931 = arith.constant 0.000000e+00 : f32
    %neg3A_932 = vector.broadcast %neg3A_931 : f32 to vector<20x128xf32>
    %neg3A_933 = arith.subf %neg3A_932, %dot_general3A_881 : vector<20x128xf32>
    %neg3A_934 = arith.constant 0.000000e+00 : f32
    %neg3A_935 = vector.broadcast %neg3A_934 : f32 to vector<20x128xf32>
    %neg3A_936 = arith.subf %neg3A_935, %neg3A_933 : vector<20x128xf32>
    %max3A_937 = arith.constant 0.000000e+00 : f32
    %max3A_938 = vector.broadcast %max3A_937 : f32 to vector<20x128xf32>
    %max3A_939 = arith.maximumf %neg3A_936, %max3A_938 : vector<20x128xf32>
    %abs3A_940 = math.absf %neg3A_933 : vector<20x128xf32>
    %neg3A_941 = arith.constant 0.000000e+00 : f32
    %neg3A_942 = vector.broadcast %neg3A_941 : f32 to vector<20x128xf32>
    %neg3A_943 = arith.subf %neg3A_942, %abs3A_940 : vector<20x128xf32>
    %exp3A_944 = math.exp %neg3A_943 : vector<20x128xf32>
    %add3A_945 = arith.constant 1.000000e+00 : f32
    %add3A_946 = vector.broadcast %add3A_945 : f32 to vector<20x128xf32>
    %add3A_947 = arith.addf %add3A_946, %exp3A_944 : vector<20x128xf32>
    %log3A_948 = math.log %add3A_947 : vector<20x128xf32>
    %add3A_949 = arith.addf %max3A_939, %log3A_948 : vector<20x128xf32>
    %reduce_sum3A_950 = vector.shape_cast %add3A_949 : vector<20x128xf32> to vector<1x20x128xf32>
    %reduce_sum3A_951 = arith.constant dense<0.000000e+00> : vector<1xf32>
    %reduce_sum3A_952 = vector.multi_reduction <add>, %reduce_sum3A_950, %reduce_sum3A_951 [1, 2] : vector<1x20x128xf32> to vector<1xf32>
    %reduce_sum3A_953 = vector.shape_cast %reduce_sum3A_952 : vector<1xf32> to vector<1x1x1xf32>
    %reduce_sum3A_954 = vector.extract %reduce_sum3A_953[0, 0, 0] : f32 from vector<1x1x1xf32>
    %add3A_955 = arith.addf %mul3A_930, %reduce_sum3A_954 : f32
    %neg3A_956 = arith.constant 0.000000e+00 : f32
    %neg3A_957 = vector.broadcast %neg3A_956 : f32 to vector<20x128xf32>
    %neg3A_958 = arith.subf %neg3A_957, %dot_general3A_885 : vector<20x128xf32>
    %neg3A_959 = arith.constant 0.000000e+00 : f32
    %neg3A_960 = vector.broadcast %neg3A_959 : f32 to vector<20x128xf32>
    %neg3A_961 = arith.subf %neg3A_960, %neg3A_958 : vector<20x128xf32>
    %max3A_962 = arith.constant 0.000000e+00 : f32
    %max3A_963 = vector.broadcast %max3A_962 : f32 to vector<20x128xf32>
    %max3A_964 = arith.maximumf %neg3A_961, %max3A_963 : vector<20x128xf32>
    %abs3A_965 = math.absf %neg3A_958 : vector<20x128xf32>
    %neg3A_966 = arith.constant 0.000000e+00 : f32
    %neg3A_967 = vector.broadcast %neg3A_966 : f32 to vector<20x128xf32>
    %neg3A_968 = arith.subf %neg3A_967, %abs3A_965 : vector<20x128xf32>
    %exp3A_969 = math.exp %neg3A_968 : vector<20x128xf32>
    %add3A_970 = arith.constant 1.000000e+00 : f32
    %add3A_971 = vector.broadcast %add3A_970 : f32 to vector<20x128xf32>
    %add3A_972 = arith.addf %add3A_971, %exp3A_969 : vector<20x128xf32>
    %log3A_973 = math.log %add3A_972 : vector<20x128xf32>
    %add3A_974 = arith.addf %max3A_964, %log3A_973 : vector<20x128xf32>
    %reduce_sum3A_975 = vector.shape_cast %add3A_974 : vector<20x128xf32> to vector<1x20x128xf32>
    %reduce_sum3A_976 = arith.constant dense<0.000000e+00> : vector<1xf32>
    %reduce_sum3A_977 = vector.multi_reduction <add>, %reduce_sum3A_975, %reduce_sum3A_976 [1, 2] : vector<1x20x128xf32> to vector<1xf32>
    %reduce_sum3A_978 = vector.shape_cast %reduce_sum3A_977 : vector<1xf32> to vector<1x1x1xf32>
    %reduce_sum3A_979 = vector.extract %reduce_sum3A_978[0, 0, 0] : f32 from vector<1x1x1xf32>
    %add3A_980 = arith.addf %add3A_955, %reduce_sum3A_979 : f32
    %add3A_981 = arith.addf %add3A_849, %add3A_980 : f32
    %slice3A_982 = vector.extract_strided_slice %reshape3A {offsets = [0, 7, 0, 0], sizes = [32, 1, 8, 128], strides = [1, 1, 1, 1]} : vector<32x16x8x128xf32> to vector<32x1x8x128xf32>
    %squeeze3A_983 = vector.shape_cast %slice3A_982 : vector<32x1x8x128xf32> to vector<32x8x128xf32>
    %reshape3A_984 = vector.shape_cast %squeeze3A_983 : vector<32x8x128xf32> to vector<256x128xf32>
    %convert_element_type3A_985 = arith.truncf %reshape3A_984 : vector<256x128xf32> to vector<256x128xbf16>
    %get3A_986 = arith.constant 1792 : index
    %get3A_987 = arith.constant 0 : index
    %get3A_988 = vector.load %arg1[%get3A_986, %get3A_987] : memref<4096x128xf32, #tpu.memory_space<vmem>>, vector<128x128xf32>
    %convert_element_type3A_989 = arith.truncf %get3A_988 : vector<128x128xf32> to vector<128x128xbf16>
    %get3A_990 = arith.constant 1920 : index
    %get3A_991 = arith.constant 0 : index
    %get3A_992 = vector.load %arg1[%get3A_990, %get3A_991] : memref<4096x128xf32, #tpu.memory_space<vmem>>, vector<128x128xf32>
    %convert_element_type3A_993 = arith.truncf %get3A_992 : vector<128x128xf32> to vector<128x128xbf16>
    %dot_general3A_994 = arith.constant dense<0.000000e+00> : vector<256x128xf32>
    %dot_general3A_995 = tpu.matmul %convert_element_type3A_985, %convert_element_type3A_989, %dot_general3A_994 {dimension_numbers = #tpu.dot_dimension_numbers<[1], [0], [0], [1], [0, 0, 1, 1], [], []>, transpose_lhs_hint = false} : vector<256x128xbf16>, vector<128x128xbf16>, vector<256x128xf32> -> vector<256x128xf32>
    %dot_general3A_996 = arith.constant dense<0.000000e+00> : vector<256x128xf32>
    %dot_general3A_997 = tpu.matmul %convert_element_type3A_985, %convert_element_type3A_993, %dot_general3A_996 {dimension_numbers = #tpu.dot_dimension_numbers<[1], [0], [0], [1], [0, 0, 1, 1], [], []>, transpose_lhs_hint = false} : vector<256x128xbf16>, vector<128x128xbf16>, vector<256x128xf32> -> vector<256x128xf32>
    %jit3A_998 = arith.constant 0.000000e+00 : f32
    %broadcast_in_dim3A_999 = vector.broadcast %jit3A_998 : f32 to vector<256x128xf32>
    %select_n3A_1000 = arith.select %and3A_55, %dot_general3A_995, %broadcast_in_dim3A_999 : vector<256x128xi1>, vector<256x128xf32>
    %reduce_sum3A_1001 = arith.constant dense<0.000000e+00> : vector<128xf32>
    %reduce_sum3A_1002 = vector.multi_reduction <add>, %select_n3A_1000, %reduce_sum3A_1001 [0] : vector<256x128xf32> to vector<128xf32>
    %broadcast_in_dim3A_1003 = vector.shape_cast %reduce_sum3A_1002 : vector<128xf32> to vector<1x128xf32>
    %jit3A_1004 = arith.constant 0.000000e+00 : f32
    %broadcast_in_dim3A_1005 = vector.broadcast %jit3A_1004 : f32 to vector<256x128xf32>
    %select_n3A_1006 = arith.select %and3A_66, %dot_general3A_997, %broadcast_in_dim3A_1005 : vector<256x128xi1>, vector<256x128xf32>
    %reduce_sum3A_1007 = arith.constant dense<0.000000e+00> : vector<128xf32>
    %reduce_sum3A_1008 = vector.multi_reduction <add>, %select_n3A_1006, %reduce_sum3A_1007 [0] : vector<256x128xf32> to vector<128xf32>
    %broadcast_in_dim3A_1009 = vector.shape_cast %reduce_sum3A_1008 : vector<128xf32> to vector<1x128xf32>
    %slice3A_1010 = vector.extract_strided_slice %get3A_4 {offsets = [1792, 0], sizes = [128, 128], strides = [1, 1]} : vector<4096x128xf32> to vector<128x128xf32>
    %convert_element_type3A_1011 = arith.truncf %slice3A_1010 : vector<128x128xf32> to vector<128x128xbf16>
    %dot_general3A_1012 = arith.constant dense<0.000000e+00> : vector<20x128xf32>
    %dot_general3A_1013 = tpu.matmul %convert_element_type3A, %convert_element_type3A_1011, %dot_general3A_1012 {dimension_numbers = #tpu.dot_dimension_numbers<[1], [0], [0], [1], [0, 0, 1, 1], [], []>, transpose_lhs_hint = false} : vector<20x128xbf16>, vector<128x128xbf16>, vector<20x128xf32> -> vector<20x128xf32>
    %slice3A_1014 = vector.extract_strided_slice %get3A_4 {offsets = [1920, 0], sizes = [128, 128], strides = [1, 1]} : vector<4096x128xf32> to vector<128x128xf32>
    %convert_element_type3A_1015 = arith.truncf %slice3A_1014 : vector<128x128xf32> to vector<128x128xbf16>
    %dot_general3A_1016 = arith.constant dense<0.000000e+00> : vector<20x128xf32>
    %dot_general3A_1017 = tpu.matmul %convert_element_type3A, %convert_element_type3A_1015, %dot_general3A_1016 {dimension_numbers = #tpu.dot_dimension_numbers<[1], [0], [0], [1], [0, 0, 1, 1], [], []>, transpose_lhs_hint = false} : vector<20x128xbf16>, vector<128x128xbf16>, vector<20x128xf32> -> vector<20x128xf32>
    %neg3A_1018 = arith.constant 0.000000e+00 : f32
    %neg3A_1019 = vector.broadcast %neg3A_1018 : f32 to vector<1x128xf32>
    %neg3A_1020 = arith.subf %neg3A_1019, %broadcast_in_dim3A_1003 : vector<1x128xf32>
    %max3A_1021 = arith.constant 0.000000e+00 : f32
    %max3A_1022 = vector.broadcast %max3A_1021 : f32 to vector<1x128xf32>
    %max3A_1023 = arith.maximumf %neg3A_1020, %max3A_1022 : vector<1x128xf32>
    %abs3A_1024 = math.absf %broadcast_in_dim3A_1003 : vector<1x128xf32>
    %neg3A_1025 = arith.constant 0.000000e+00 : f32
    %neg3A_1026 = vector.broadcast %neg3A_1025 : f32 to vector<1x128xf32>
    %neg3A_1027 = arith.subf %neg3A_1026, %abs3A_1024 : vector<1x128xf32>
    %exp3A_1028 = math.exp %neg3A_1027 : vector<1x128xf32>
    %add3A_1029 = arith.constant 1.000000e+00 : f32
    %add3A_1030 = vector.broadcast %add3A_1029 : f32 to vector<1x128xf32>
    %add3A_1031 = arith.addf %add3A_1030, %exp3A_1028 : vector<1x128xf32>
    %log3A_1032 = math.log %add3A_1031 : vector<1x128xf32>
    %add3A_1033 = arith.addf %max3A_1023, %log3A_1032 : vector<1x128xf32>
    %reduce_sum3A_1034 = vector.shape_cast %add3A_1033 : vector<1x128xf32> to vector<1x1x128xf32>
    %reduce_sum3A_1035 = arith.constant dense<0.000000e+00> : vector<1xf32>
    %reduce_sum3A_1036 = vector.multi_reduction <add>, %reduce_sum3A_1034, %reduce_sum3A_1035 [1, 2] : vector<1x1x128xf32> to vector<1xf32>
    %reduce_sum3A_1037 = vector.shape_cast %reduce_sum3A_1036 : vector<1xf32> to vector<1x1x1xf32>
    %reduce_sum3A_1038 = vector.extract %reduce_sum3A_1037[0, 0, 0] : f32 from vector<1x1x1xf32>
    %neg3A_1039 = arith.constant 0.000000e+00 : f32
    %neg3A_1040 = vector.broadcast %neg3A_1039 : f32 to vector<1x128xf32>
    %neg3A_1041 = arith.subf %neg3A_1040, %broadcast_in_dim3A_1009 : vector<1x128xf32>
    %max3A_1042 = arith.constant 0.000000e+00 : f32
    %max3A_1043 = vector.broadcast %max3A_1042 : f32 to vector<1x128xf32>
    %max3A_1044 = arith.maximumf %neg3A_1041, %max3A_1043 : vector<1x128xf32>
    %abs3A_1045 = math.absf %broadcast_in_dim3A_1009 : vector<1x128xf32>
    %neg3A_1046 = arith.constant 0.000000e+00 : f32
    %neg3A_1047 = vector.broadcast %neg3A_1046 : f32 to vector<1x128xf32>
    %neg3A_1048 = arith.subf %neg3A_1047, %abs3A_1045 : vector<1x128xf32>
    %exp3A_1049 = math.exp %neg3A_1048 : vector<1x128xf32>
    %add3A_1050 = arith.constant 1.000000e+00 : f32
    %add3A_1051 = vector.broadcast %add3A_1050 : f32 to vector<1x128xf32>
    %add3A_1052 = arith.addf %add3A_1051, %exp3A_1049 : vector<1x128xf32>
    %log3A_1053 = math.log %add3A_1052 : vector<1x128xf32>
    %add3A_1054 = arith.addf %max3A_1044, %log3A_1053 : vector<1x128xf32>
    %reduce_sum3A_1055 = vector.shape_cast %add3A_1054 : vector<1x128xf32> to vector<1x1x128xf32>
    %reduce_sum3A_1056 = arith.constant dense<0.000000e+00> : vector<1xf32>
    %reduce_sum3A_1057 = vector.multi_reduction <add>, %reduce_sum3A_1055, %reduce_sum3A_1056 [1, 2] : vector<1x1x128xf32> to vector<1xf32>
    %reduce_sum3A_1058 = vector.shape_cast %reduce_sum3A_1057 : vector<1xf32> to vector<1x1x1xf32>
    %reduce_sum3A_1059 = vector.extract %reduce_sum3A_1058[0, 0, 0] : f32 from vector<1x1x1xf32>
    %add3A_1060 = arith.addf %reduce_sum3A_1038, %reduce_sum3A_1059 : f32
    %mul3A_1061 = arith.constant 2.44140625E-4 : f32
    %mul3A_1062 = arith.mulf %add3A_1060, %mul3A_1061 : f32
    %neg3A_1063 = arith.constant 0.000000e+00 : f32
    %neg3A_1064 = vector.broadcast %neg3A_1063 : f32 to vector<20x128xf32>
    %neg3A_1065 = arith.subf %neg3A_1064, %dot_general3A_1013 : vector<20x128xf32>
    %neg3A_1066 = arith.constant 0.000000e+00 : f32
    %neg3A_1067 = vector.broadcast %neg3A_1066 : f32 to vector<20x128xf32>
    %neg3A_1068 = arith.subf %neg3A_1067, %neg3A_1065 : vector<20x128xf32>
    %max3A_1069 = arith.constant 0.000000e+00 : f32
    %max3A_1070 = vector.broadcast %max3A_1069 : f32 to vector<20x128xf32>
    %max3A_1071 = arith.maximumf %neg3A_1068, %max3A_1070 : vector<20x128xf32>
    %abs3A_1072 = math.absf %neg3A_1065 : vector<20x128xf32>
    %neg3A_1073 = arith.constant 0.000000e+00 : f32
    %neg3A_1074 = vector.broadcast %neg3A_1073 : f32 to vector<20x128xf32>
    %neg3A_1075 = arith.subf %neg3A_1074, %abs3A_1072 : vector<20x128xf32>
    %exp3A_1076 = math.exp %neg3A_1075 : vector<20x128xf32>
    %add3A_1077 = arith.constant 1.000000e+00 : f32
    %add3A_1078 = vector.broadcast %add3A_1077 : f32 to vector<20x128xf32>
    %add3A_1079 = arith.addf %add3A_1078, %exp3A_1076 : vector<20x128xf32>
    %log3A_1080 = math.log %add3A_1079 : vector<20x128xf32>
    %add3A_1081 = arith.addf %max3A_1071, %log3A_1080 : vector<20x128xf32>
    %reduce_sum3A_1082 = vector.shape_cast %add3A_1081 : vector<20x128xf32> to vector<1x20x128xf32>
    %reduce_sum3A_1083 = arith.constant dense<0.000000e+00> : vector<1xf32>
    %reduce_sum3A_1084 = vector.multi_reduction <add>, %reduce_sum3A_1082, %reduce_sum3A_1083 [1, 2] : vector<1x20x128xf32> to vector<1xf32>
    %reduce_sum3A_1085 = vector.shape_cast %reduce_sum3A_1084 : vector<1xf32> to vector<1x1x1xf32>
    %reduce_sum3A_1086 = vector.extract %reduce_sum3A_1085[0, 0, 0] : f32 from vector<1x1x1xf32>
    %add3A_1087 = arith.addf %mul3A_1062, %reduce_sum3A_1086 : f32
    %neg3A_1088 = arith.constant 0.000000e+00 : f32
    %neg3A_1089 = vector.broadcast %neg3A_1088 : f32 to vector<20x128xf32>
    %neg3A_1090 = arith.subf %neg3A_1089, %dot_general3A_1017 : vector<20x128xf32>
    %neg3A_1091 = arith.constant 0.000000e+00 : f32
    %neg3A_1092 = vector.broadcast %neg3A_1091 : f32 to vector<20x128xf32>
    %neg3A_1093 = arith.subf %neg3A_1092, %neg3A_1090 : vector<20x128xf32>
    %max3A_1094 = arith.constant 0.000000e+00 : f32
    %max3A_1095 = vector.broadcast %max3A_1094 : f32 to vector<20x128xf32>
    %max3A_1096 = arith.maximumf %neg3A_1093, %max3A_1095 : vector<20x128xf32>
    %abs3A_1097 = math.absf %neg3A_1090 : vector<20x128xf32>
    %neg3A_1098 = arith.constant 0.000000e+00 : f32
    %neg3A_1099 = vector.broadcast %neg3A_1098 : f32 to vector<20x128xf32>
    %neg3A_1100 = arith.subf %neg3A_1099, %abs3A_1097 : vector<20x128xf32>
    %exp3A_1101 = math.exp %neg3A_1100 : vector<20x128xf32>
    %add3A_1102 = arith.constant 1.000000e+00 : f32
    %add3A_1103 = vector.broadcast %add3A_1102 : f32 to vector<20x128xf32>
    %add3A_1104 = arith.addf %add3A_1103, %exp3A_1101 : vector<20x128xf32>
    %log3A_1105 = math.log %add3A_1104 : vector<20x128xf32>
    %add3A_1106 = arith.addf %max3A_1096, %log3A_1105 : vector<20x128xf32>
    %reduce_sum3A_1107 = vector.shape_cast %add3A_1106 : vector<20x128xf32> to vector<1x20x128xf32>
    %reduce_sum3A_1108 = arith.constant dense<0.000000e+00> : vector<1xf32>
    %reduce_sum3A_1109 = vector.multi_reduction <add>, %reduce_sum3A_1107, %reduce_sum3A_1108 [1, 2] : vector<1x20x128xf32> to vector<1xf32>
    %reduce_sum3A_1110 = vector.shape_cast %reduce_sum3A_1109 : vector<1xf32> to vector<1x1x1xf32>
    %reduce_sum3A_1111 = vector.extract %reduce_sum3A_1110[0, 0, 0] : f32 from vector<1x1x1xf32>
    %add3A_1112 = arith.addf %add3A_1087, %reduce_sum3A_1111 : f32
    %add3A_1113 = arith.addf %add3A_981, %add3A_1112 : f32
    %slice3A_1114 = vector.extract_strided_slice %reshape3A {offsets = [0, 8, 0, 0], sizes = [32, 1, 8, 128], strides = [1, 1, 1, 1]} : vector<32x16x8x128xf32> to vector<32x1x8x128xf32>
    %squeeze3A_1115 = vector.shape_cast %slice3A_1114 : vector<32x1x8x128xf32> to vector<32x8x128xf32>
    %reshape3A_1116 = vector.shape_cast %squeeze3A_1115 : vector<32x8x128xf32> to vector<256x128xf32>
    %convert_element_type3A_1117 = arith.truncf %reshape3A_1116 : vector<256x128xf32> to vector<256x128xbf16>
    %get3A_1118 = arith.constant 2048 : index
    %get3A_1119 = arith.constant 0 : index
    %get3A_1120 = vector.load %arg1[%get3A_1118, %get3A_1119] : memref<4096x128xf32, #tpu.memory_space<vmem>>, vector<128x128xf32>
    %convert_element_type3A_1121 = arith.truncf %get3A_1120 : vector<128x128xf32> to vector<128x128xbf16>
    %get3A_1122 = arith.constant 2176 : index
    %get3A_1123 = arith.constant 0 : index
    %get3A_1124 = vector.load %arg1[%get3A_1122, %get3A_1123] : memref<4096x128xf32, #tpu.memory_space<vmem>>, vector<128x128xf32>
    %convert_element_type3A_1125 = arith.truncf %get3A_1124 : vector<128x128xf32> to vector<128x128xbf16>
    %dot_general3A_1126 = arith.constant dense<0.000000e+00> : vector<256x128xf32>
    %dot_general3A_1127 = tpu.matmul %convert_element_type3A_1117, %convert_element_type3A_1121, %dot_general3A_1126 {dimension_numbers = #tpu.dot_dimension_numbers<[1], [0], [0], [1], [0, 0, 1, 1], [], []>, transpose_lhs_hint = false} : vector<256x128xbf16>, vector<128x128xbf16>, vector<256x128xf32> -> vector<256x128xf32>
    %dot_general3A_1128 = arith.constant dense<0.000000e+00> : vector<256x128xf32>
    %dot_general3A_1129 = tpu.matmul %convert_element_type3A_1117, %convert_element_type3A_1125, %dot_general3A_1128 {dimension_numbers = #tpu.dot_dimension_numbers<[1], [0], [0], [1], [0, 0, 1, 1], [], []>, transpose_lhs_hint = false} : vector<256x128xbf16>, vector<128x128xbf16>, vector<256x128xf32> -> vector<256x128xf32>
    %jit3A_1130 = arith.constant 0.000000e+00 : f32
    %broadcast_in_dim3A_1131 = vector.broadcast %jit3A_1130 : f32 to vector<256x128xf32>
    %select_n3A_1132 = arith.select %and3A_55, %dot_general3A_1127, %broadcast_in_dim3A_1131 : vector<256x128xi1>, vector<256x128xf32>
    %reduce_sum3A_1133 = arith.constant dense<0.000000e+00> : vector<128xf32>
    %reduce_sum3A_1134 = vector.multi_reduction <add>, %select_n3A_1132, %reduce_sum3A_1133 [0] : vector<256x128xf32> to vector<128xf32>
    %broadcast_in_dim3A_1135 = vector.shape_cast %reduce_sum3A_1134 : vector<128xf32> to vector<1x128xf32>
    %jit3A_1136 = arith.constant 0.000000e+00 : f32
    %broadcast_in_dim3A_1137 = vector.broadcast %jit3A_1136 : f32 to vector<256x128xf32>
    %select_n3A_1138 = arith.select %and3A_66, %dot_general3A_1129, %broadcast_in_dim3A_1137 : vector<256x128xi1>, vector<256x128xf32>
    %reduce_sum3A_1139 = arith.constant dense<0.000000e+00> : vector<128xf32>
    %reduce_sum3A_1140 = vector.multi_reduction <add>, %select_n3A_1138, %reduce_sum3A_1139 [0] : vector<256x128xf32> to vector<128xf32>
    %broadcast_in_dim3A_1141 = vector.shape_cast %reduce_sum3A_1140 : vector<128xf32> to vector<1x128xf32>
    %slice3A_1142 = vector.extract_strided_slice %get3A_4 {offsets = [2048, 0], sizes = [128, 128], strides = [1, 1]} : vector<4096x128xf32> to vector<128x128xf32>
    %convert_element_type3A_1143 = arith.truncf %slice3A_1142 : vector<128x128xf32> to vector<128x128xbf16>
    %dot_general3A_1144 = arith.constant dense<0.000000e+00> : vector<20x128xf32>
    %dot_general3A_1145 = tpu.matmul %convert_element_type3A, %convert_element_type3A_1143, %dot_general3A_1144 {dimension_numbers = #tpu.dot_dimension_numbers<[1], [0], [0], [1], [0, 0, 1, 1], [], []>, transpose_lhs_hint = false} : vector<20x128xbf16>, vector<128x128xbf16>, vector<20x128xf32> -> vector<20x128xf32>
    %slice3A_1146 = vector.extract_strided_slice %get3A_4 {offsets = [2176, 0], sizes = [128, 128], strides = [1, 1]} : vector<4096x128xf32> to vector<128x128xf32>
    %convert_element_type3A_1147 = arith.truncf %slice3A_1146 : vector<128x128xf32> to vector<128x128xbf16>
    %dot_general3A_1148 = arith.constant dense<0.000000e+00> : vector<20x128xf32>
    %dot_general3A_1149 = tpu.matmul %convert_element_type3A, %convert_element_type3A_1147, %dot_general3A_1148 {dimension_numbers = #tpu.dot_dimension_numbers<[1], [0], [0], [1], [0, 0, 1, 1], [], []>, transpose_lhs_hint = false} : vector<20x128xbf16>, vector<128x128xbf16>, vector<20x128xf32> -> vector<20x128xf32>
    %neg3A_1150 = arith.constant 0.000000e+00 : f32
    %neg3A_1151 = vector.broadcast %neg3A_1150 : f32 to vector<1x128xf32>
    %neg3A_1152 = arith.subf %neg3A_1151, %broadcast_in_dim3A_1135 : vector<1x128xf32>
    %max3A_1153 = arith.constant 0.000000e+00 : f32
    %max3A_1154 = vector.broadcast %max3A_1153 : f32 to vector<1x128xf32>
    %max3A_1155 = arith.maximumf %neg3A_1152, %max3A_1154 : vector<1x128xf32>
    %abs3A_1156 = math.absf %broadcast_in_dim3A_1135 : vector<1x128xf32>
    %neg3A_1157 = arith.constant 0.000000e+00 : f32
    %neg3A_1158 = vector.broadcast %neg3A_1157 : f32 to vector<1x128xf32>
    %neg3A_1159 = arith.subf %neg3A_1158, %abs3A_1156 : vector<1x128xf32>
    %exp3A_1160 = math.exp %neg3A_1159 : vector<1x128xf32>
    %add3A_1161 = arith.constant 1.000000e+00 : f32
    %add3A_1162 = vector.broadcast %add3A_1161 : f32 to vector<1x128xf32>
    %add3A_1163 = arith.addf %add3A_1162, %exp3A_1160 : vector<1x128xf32>
    %log3A_1164 = math.log %add3A_1163 : vector<1x128xf32>
    %add3A_1165 = arith.addf %max3A_1155, %log3A_1164 : vector<1x128xf32>
    %reduce_sum3A_1166 = vector.shape_cast %add3A_1165 : vector<1x128xf32> to vector<1x1x128xf32>
    %reduce_sum3A_1167 = arith.constant dense<0.000000e+00> : vector<1xf32>
    %reduce_sum3A_1168 = vector.multi_reduction <add>, %reduce_sum3A_1166, %reduce_sum3A_1167 [1, 2] : vector<1x1x128xf32> to vector<1xf32>
    %reduce_sum3A_1169 = vector.shape_cast %reduce_sum3A_1168 : vector<1xf32> to vector<1x1x1xf32>
    %reduce_sum3A_1170 = vector.extract %reduce_sum3A_1169[0, 0, 0] : f32 from vector<1x1x1xf32>
    %neg3A_1171 = arith.constant 0.000000e+00 : f32
    %neg3A_1172 = vector.broadcast %neg3A_1171 : f32 to vector<1x128xf32>
    %neg3A_1173 = arith.subf %neg3A_1172, %broadcast_in_dim3A_1141 : vector<1x128xf32>
    %max3A_1174 = arith.constant 0.000000e+00 : f32
    %max3A_1175 = vector.broadcast %max3A_1174 : f32 to vector<1x128xf32>
    %max3A_1176 = arith.maximumf %neg3A_1173, %max3A_1175 : vector<1x128xf32>
    %abs3A_1177 = math.absf %broadcast_in_dim3A_1141 : vector<1x128xf32>
    %neg3A_1178 = arith.constant 0.000000e+00 : f32
    %neg3A_1179 = vector.broadcast %neg3A_1178 : f32 to vector<1x128xf32>
    %neg3A_1180 = arith.subf %neg3A_1179, %abs3A_1177 : vector<1x128xf32>
    %exp3A_1181 = math.exp %neg3A_1180 : vector<1x128xf32>
    %add3A_1182 = arith.constant 1.000000e+00 : f32
    %add3A_1183 = vector.broadcast %add3A_1182 : f32 to vector<1x128xf32>
    %add3A_1184 = arith.addf %add3A_1183, %exp3A_1181 : vector<1x128xf32>
    %log3A_1185 = math.log %add3A_1184 : vector<1x128xf32>
    %add3A_1186 = arith.addf %max3A_1176, %log3A_1185 : vector<1x128xf32>
    %reduce_sum3A_1187 = vector.shape_cast %add3A_1186 : vector<1x128xf32> to vector<1x1x128xf32>
    %reduce_sum3A_1188 = arith.constant dense<0.000000e+00> : vector<1xf32>
    %reduce_sum3A_1189 = vector.multi_reduction <add>, %reduce_sum3A_1187, %reduce_sum3A_1188 [1, 2] : vector<1x1x128xf32> to vector<1xf32>
    %reduce_sum3A_1190 = vector.shape_cast %reduce_sum3A_1189 : vector<1xf32> to vector<1x1x1xf32>
    %reduce_sum3A_1191 = vector.extract %reduce_sum3A_1190[0, 0, 0] : f32 from vector<1x1x1xf32>
    %add3A_1192 = arith.addf %reduce_sum3A_1170, %reduce_sum3A_1191 : f32
    %mul3A_1193 = arith.constant 2.44140625E-4 : f32
    %mul3A_1194 = arith.mulf %add3A_1192, %mul3A_1193 : f32
    %neg3A_1195 = arith.constant 0.000000e+00 : f32
    %neg3A_1196 = vector.broadcast %neg3A_1195 : f32 to vector<20x128xf32>
    %neg3A_1197 = arith.subf %neg3A_1196, %dot_general3A_1145 : vector<20x128xf32>
    %neg3A_1198 = arith.constant 0.000000e+00 : f32
    %neg3A_1199 = vector.broadcast %neg3A_1198 : f32 to vector<20x128xf32>
    %neg3A_1200 = arith.subf %neg3A_1199, %neg3A_1197 : vector<20x128xf32>
    %max3A_1201 = arith.constant 0.000000e+00 : f32
    %max3A_1202 = vector.broadcast %max3A_1201 : f32 to vector<20x128xf32>
    %max3A_1203 = arith.maximumf %neg3A_1200, %max3A_1202 : vector<20x128xf32>
    %abs3A_1204 = math.absf %neg3A_1197 : vector<20x128xf32>
    %neg3A_1205 = arith.constant 0.000000e+00 : f32
    %neg3A_1206 = vector.broadcast %neg3A_1205 : f32 to vector<20x128xf32>
    %neg3A_1207 = arith.subf %neg3A_1206, %abs3A_1204 : vector<20x128xf32>
    %exp3A_1208 = math.exp %neg3A_1207 : vector<20x128xf32>
    %add3A_1209 = arith.constant 1.000000e+00 : f32
    %add3A_1210 = vector.broadcast %add3A_1209 : f32 to vector<20x128xf32>
    %add3A_1211 = arith.addf %add3A_1210, %exp3A_1208 : vector<20x128xf32>
    %log3A_1212 = math.log %add3A_1211 : vector<20x128xf32>
    %add3A_1213 = arith.addf %max3A_1203, %log3A_1212 : vector<20x128xf32>
    %reduce_sum3A_1214 = vector.shape_cast %add3A_1213 : vector<20x128xf32> to vector<1x20x128xf32>
    %reduce_sum3A_1215 = arith.constant dense<0.000000e+00> : vector<1xf32>
    %reduce_sum3A_1216 = vector.multi_reduction <add>, %reduce_sum3A_1214, %reduce_sum3A_1215 [1, 2] : vector<1x20x128xf32> to vector<1xf32>
    %reduce_sum3A_1217 = vector.shape_cast %reduce_sum3A_1216 : vector<1xf32> to vector<1x1x1xf32>
    %reduce_sum3A_1218 = vector.extract %reduce_sum3A_1217[0, 0, 0] : f32 from vector<1x1x1xf32>
    %add3A_1219 = arith.addf %mul3A_1194, %reduce_sum3A_1218 : f32
    %neg3A_1220 = arith.constant 0.000000e+00 : f32
    %neg3A_1221 = vector.broadcast %neg3A_1220 : f32 to vector<20x128xf32>
    %neg3A_1222 = arith.subf %neg3A_1221, %dot_general3A_1149 : vector<20x128xf32>
    %neg3A_1223 = arith.constant 0.000000e+00 : f32
    %neg3A_1224 = vector.broadcast %neg3A_1223 : f32 to vector<20x128xf32>
    %neg3A_1225 = arith.subf %neg3A_1224, %neg3A_1222 : vector<20x128xf32>
    %max3A_1226 = arith.constant 0.000000e+00 : f32
    %max3A_1227 = vector.broadcast %max3A_1226 : f32 to vector<20x128xf32>
    %max3A_1228 = arith.maximumf %neg3A_1225, %max3A_1227 : vector<20x128xf32>
    %abs3A_1229 = math.absf %neg3A_1222 : vector<20x128xf32>
    %neg3A_1230 = arith.constant 0.000000e+00 : f32
    %neg3A_1231 = vector.broadcast %neg3A_1230 : f32 to vector<20x128xf32>
    %neg3A_1232 = arith.subf %neg3A_1231, %abs3A_1229 : vector<20x128xf32>
    %exp3A_1233 = math.exp %neg3A_1232 : vector<20x128xf32>
    %add3A_1234 = arith.constant 1.000000e+00 : f32
    %add3A_1235 = vector.broadcast %add3A_1234 : f32 to vector<20x128xf32>
    %add3A_1236 = arith.addf %add3A_1235, %exp3A_1233 : vector<20x128xf32>
    %log3A_1237 = math.log %add3A_1236 : vector<20x128xf32>
    %add3A_1238 = arith.addf %max3A_1228, %log3A_1237 : vector<20x128xf32>
    %reduce_sum3A_1239 = vector.shape_cast %add3A_1238 : vector<20x128xf32> to vector<1x20x128xf32>
    %reduce_sum3A_1240 = arith.constant dense<0.000000e+00> : vector<1xf32>
    %reduce_sum3A_1241 = vector.multi_reduction <add>, %reduce_sum3A_1239, %reduce_sum3A_1240 [1, 2] : vector<1x20x128xf32> to vector<1xf32>
    %reduce_sum3A_1242 = vector.shape_cast %reduce_sum3A_1241 : vector<1xf32> to vector<1x1x1xf32>
    %reduce_sum3A_1243 = vector.extract %reduce_sum3A_1242[0, 0, 0] : f32 from vector<1x1x1xf32>
    %add3A_1244 = arith.addf %add3A_1219, %reduce_sum3A_1243 : f32
    %add3A_1245 = arith.addf %add3A_1113, %add3A_1244 : f32
    %slice3A_1246 = vector.extract_strided_slice %reshape3A {offsets = [0, 9, 0, 0], sizes = [32, 1, 8, 128], strides = [1, 1, 1, 1]} : vector<32x16x8x128xf32> to vector<32x1x8x128xf32>
    %squeeze3A_1247 = vector.shape_cast %slice3A_1246 : vector<32x1x8x128xf32> to vector<32x8x128xf32>
    %reshape3A_1248 = vector.shape_cast %squeeze3A_1247 : vector<32x8x128xf32> to vector<256x128xf32>
    %convert_element_type3A_1249 = arith.truncf %reshape3A_1248 : vector<256x128xf32> to vector<256x128xbf16>
    %get3A_1250 = arith.constant 2304 : index
    %get3A_1251 = arith.constant 0 : index
    %get3A_1252 = vector.load %arg1[%get3A_1250, %get3A_1251] : memref<4096x128xf32, #tpu.memory_space<vmem>>, vector<128x128xf32>
    %convert_element_type3A_1253 = arith.truncf %get3A_1252 : vector<128x128xf32> to vector<128x128xbf16>
    %get3A_1254 = arith.constant 2432 : index
    %get3A_1255 = arith.constant 0 : index
    %get3A_1256 = vector.load %arg1[%get3A_1254, %get3A_1255] : memref<4096x128xf32, #tpu.memory_space<vmem>>, vector<128x128xf32>
    %convert_element_type3A_1257 = arith.truncf %get3A_1256 : vector<128x128xf32> to vector<128x128xbf16>
    %dot_general3A_1258 = arith.constant dense<0.000000e+00> : vector<256x128xf32>
    %dot_general3A_1259 = tpu.matmul %convert_element_type3A_1249, %convert_element_type3A_1253, %dot_general3A_1258 {dimension_numbers = #tpu.dot_dimension_numbers<[1], [0], [0], [1], [0, 0, 1, 1], [], []>, transpose_lhs_hint = false} : vector<256x128xbf16>, vector<128x128xbf16>, vector<256x128xf32> -> vector<256x128xf32>
    %dot_general3A_1260 = arith.constant dense<0.000000e+00> : vector<256x128xf32>
    %dot_general3A_1261 = tpu.matmul %convert_element_type3A_1249, %convert_element_type3A_1257, %dot_general3A_1260 {dimension_numbers = #tpu.dot_dimension_numbers<[1], [0], [0], [1], [0, 0, 1, 1], [], []>, transpose_lhs_hint = false} : vector<256x128xbf16>, vector<128x128xbf16>, vector<256x128xf32> -> vector<256x128xf32>
    %jit3A_1262 = arith.constant 0.000000e+00 : f32
    %broadcast_in_dim3A_1263 = vector.broadcast %jit3A_1262 : f32 to vector<256x128xf32>
    %select_n3A_1264 = arith.select %and3A_55, %dot_general3A_1259, %broadcast_in_dim3A_1263 : vector<256x128xi1>, vector<256x128xf32>
    %reduce_sum3A_1265 = arith.constant dense<0.000000e+00> : vector<128xf32>
    %reduce_sum3A_1266 = vector.multi_reduction <add>, %select_n3A_1264, %reduce_sum3A_1265 [0] : vector<256x128xf32> to vector<128xf32>
    %broadcast_in_dim3A_1267 = vector.shape_cast %reduce_sum3A_1266 : vector<128xf32> to vector<1x128xf32>
    %jit3A_1268 = arith.constant 0.000000e+00 : f32
    %broadcast_in_dim3A_1269 = vector.broadcast %jit3A_1268 : f32 to vector<256x128xf32>
    %select_n3A_1270 = arith.select %and3A_66, %dot_general3A_1261, %broadcast_in_dim3A_1269 : vector<256x128xi1>, vector<256x128xf32>
    %reduce_sum3A_1271 = arith.constant dense<0.000000e+00> : vector<128xf32>
    %reduce_sum3A_1272 = vector.multi_reduction <add>, %select_n3A_1270, %reduce_sum3A_1271 [0] : vector<256x128xf32> to vector<128xf32>
    %broadcast_in_dim3A_1273 = vector.shape_cast %reduce_sum3A_1272 : vector<128xf32> to vector<1x128xf32>
    %slice3A_1274 = vector.extract_strided_slice %get3A_4 {offsets = [2304, 0], sizes = [128, 128], strides = [1, 1]} : vector<4096x128xf32> to vector<128x128xf32>
    %convert_element_type3A_1275 = arith.truncf %slice3A_1274 : vector<128x128xf32> to vector<128x128xbf16>
    %dot_general3A_1276 = arith.constant dense<0.000000e+00> : vector<20x128xf32>
    %dot_general3A_1277 = tpu.matmul %convert_element_type3A, %convert_element_type3A_1275, %dot_general3A_1276 {dimension_numbers = #tpu.dot_dimension_numbers<[1], [0], [0], [1], [0, 0, 1, 1], [], []>, transpose_lhs_hint = false} : vector<20x128xbf16>, vector<128x128xbf16>, vector<20x128xf32> -> vector<20x128xf32>
    %slice3A_1278 = vector.extract_strided_slice %get3A_4 {offsets = [2432, 0], sizes = [128, 128], strides = [1, 1]} : vector<4096x128xf32> to vector<128x128xf32>
    %convert_element_type3A_1279 = arith.truncf %slice3A_1278 : vector<128x128xf32> to vector<128x128xbf16>
    %dot_general3A_1280 = arith.constant dense<0.000000e+00> : vector<20x128xf32>
    %dot_general3A_1281 = tpu.matmul %convert_element_type3A, %convert_element_type3A_1279, %dot_general3A_1280 {dimension_numbers = #tpu.dot_dimension_numbers<[1], [0], [0], [1], [0, 0, 1, 1], [], []>, transpose_lhs_hint = false} : vector<20x128xbf16>, vector<128x128xbf16>, vector<20x128xf32> -> vector<20x128xf32>
    %neg3A_1282 = arith.constant 0.000000e+00 : f32
    %neg3A_1283 = vector.broadcast %neg3A_1282 : f32 to vector<1x128xf32>
    %neg3A_1284 = arith.subf %neg3A_1283, %broadcast_in_dim3A_1267 : vector<1x128xf32>
    %max3A_1285 = arith.constant 0.000000e+00 : f32
    %max3A_1286 = vector.broadcast %max3A_1285 : f32 to vector<1x128xf32>
    %max3A_1287 = arith.maximumf %neg3A_1284, %max3A_1286 : vector<1x128xf32>
    %abs3A_1288 = math.absf %broadcast_in_dim3A_1267 : vector<1x128xf32>
    %neg3A_1289 = arith.constant 0.000000e+00 : f32
    %neg3A_1290 = vector.broadcast %neg3A_1289 : f32 to vector<1x128xf32>
    %neg3A_1291 = arith.subf %neg3A_1290, %abs3A_1288 : vector<1x128xf32>
    %exp3A_1292 = math.exp %neg3A_1291 : vector<1x128xf32>
    %add3A_1293 = arith.constant 1.000000e+00 : f32
    %add3A_1294 = vector.broadcast %add3A_1293 : f32 to vector<1x128xf32>
    %add3A_1295 = arith.addf %add3A_1294, %exp3A_1292 : vector<1x128xf32>
    %log3A_1296 = math.log %add3A_1295 : vector<1x128xf32>
    %add3A_1297 = arith.addf %max3A_1287, %log3A_1296 : vector<1x128xf32>
    %reduce_sum3A_1298 = vector.shape_cast %add3A_1297 : vector<1x128xf32> to vector<1x1x128xf32>
    %reduce_sum3A_1299 = arith.constant dense<0.000000e+00> : vector<1xf32>
    %reduce_sum3A_1300 = vector.multi_reduction <add>, %reduce_sum3A_1298, %reduce_sum3A_1299 [1, 2] : vector<1x1x128xf32> to vector<1xf32>
    %reduce_sum3A_1301 = vector.shape_cast %reduce_sum3A_1300 : vector<1xf32> to vector<1x1x1xf32>
    %reduce_sum3A_1302 = vector.extract %reduce_sum3A_1301[0, 0, 0] : f32 from vector<1x1x1xf32>
    %neg3A_1303 = arith.constant 0.000000e+00 : f32
    %neg3A_1304 = vector.broadcast %neg3A_1303 : f32 to vector<1x128xf32>
    %neg3A_1305 = arith.subf %neg3A_1304, %broadcast_in_dim3A_1273 : vector<1x128xf32>
    %max3A_1306 = arith.constant 0.000000e+00 : f32
    %max3A_1307 = vector.broadcast %max3A_1306 : f32 to vector<1x128xf32>
    %max3A_1308 = arith.maximumf %neg3A_1305, %max3A_1307 : vector<1x128xf32>
    %abs3A_1309 = math.absf %broadcast_in_dim3A_1273 : vector<1x128xf32>
    %neg3A_1310 = arith.constant 0.000000e+00 : f32
    %neg3A_1311 = vector.broadcast %neg3A_1310 : f32 to vector<1x128xf32>
    %neg3A_1312 = arith.subf %neg3A_1311, %abs3A_1309 : vector<1x128xf32>
    %exp3A_1313 = math.exp %neg3A_1312 : vector<1x128xf32>
    %add3A_1314 = arith.constant 1.000000e+00 : f32
    %add3A_1315 = vector.broadcast %add3A_1314 : f32 to vector<1x128xf32>
    %add3A_1316 = arith.addf %add3A_1315, %exp3A_1313 : vector<1x128xf32>
    %log3A_1317 = math.log %add3A_1316 : vector<1x128xf32>
    %add3A_1318 = arith.addf %max3A_1308, %log3A_1317 : vector<1x128xf32>
    %reduce_sum3A_1319 = vector.shape_cast %add3A_1318 : vector<1x128xf32> to vector<1x1x128xf32>
    %reduce_sum3A_1320 = arith.constant dense<0.000000e+00> : vector<1xf32>
    %reduce_sum3A_1321 = vector.multi_reduction <add>, %reduce_sum3A_1319, %reduce_sum3A_1320 [1, 2] : vector<1x1x128xf32> to vector<1xf32>
    %reduce_sum3A_1322 = vector.shape_cast %reduce_sum3A_1321 : vector<1xf32> to vector<1x1x1xf32>
    %reduce_sum3A_1323 = vector.extract %reduce_sum3A_1322[0, 0, 0] : f32 from vector<1x1x1xf32>
    %add3A_1324 = arith.addf %reduce_sum3A_1302, %reduce_sum3A_1323 : f32
    %mul3A_1325 = arith.constant 2.44140625E-4 : f32
    %mul3A_1326 = arith.mulf %add3A_1324, %mul3A_1325 : f32
    %neg3A_1327 = arith.constant 0.000000e+00 : f32
    %neg3A_1328 = vector.broadcast %neg3A_1327 : f32 to vector<20x128xf32>
    %neg3A_1329 = arith.subf %neg3A_1328, %dot_general3A_1277 : vector<20x128xf32>
    %neg3A_1330 = arith.constant 0.000000e+00 : f32
    %neg3A_1331 = vector.broadcast %neg3A_1330 : f32 to vector<20x128xf32>
    %neg3A_1332 = arith.subf %neg3A_1331, %neg3A_1329 : vector<20x128xf32>
    %max3A_1333 = arith.constant 0.000000e+00 : f32
    %max3A_1334 = vector.broadcast %max3A_1333 : f32 to vector<20x128xf32>
    %max3A_1335 = arith.maximumf %neg3A_1332, %max3A_1334 : vector<20x128xf32>
    %abs3A_1336 = math.absf %neg3A_1329 : vector<20x128xf32>
    %neg3A_1337 = arith.constant 0.000000e+00 : f32
    %neg3A_1338 = vector.broadcast %neg3A_1337 : f32 to vector<20x128xf32>
    %neg3A_1339 = arith.subf %neg3A_1338, %abs3A_1336 : vector<20x128xf32>
    %exp3A_1340 = math.exp %neg3A_1339 : vector<20x128xf32>
    %add3A_1341 = arith.constant 1.000000e+00 : f32
    %add3A_1342 = vector.broadcast %add3A_1341 : f32 to vector<20x128xf32>
    %add3A_1343 = arith.addf %add3A_1342, %exp3A_1340 : vector<20x128xf32>
    %log3A_1344 = math.log %add3A_1343 : vector<20x128xf32>
    %add3A_1345 = arith.addf %max3A_1335, %log3A_1344 : vector<20x128xf32>
    %reduce_sum3A_1346 = vector.shape_cast %add3A_1345 : vector<20x128xf32> to vector<1x20x128xf32>
    %reduce_sum3A_1347 = arith.constant dense<0.000000e+00> : vector<1xf32>
    %reduce_sum3A_1348 = vector.multi_reduction <add>, %reduce_sum3A_1346, %reduce_sum3A_1347 [1, 2] : vector<1x20x128xf32> to vector<1xf32>
    %reduce_sum3A_1349 = vector.shape_cast %reduce_sum3A_1348 : vector<1xf32> to vector<1x1x1xf32>
    %reduce_sum3A_1350 = vector.extract %reduce_sum3A_1349[0, 0, 0] : f32 from vector<1x1x1xf32>
    %add3A_1351 = arith.addf %mul3A_1326, %reduce_sum3A_1350 : f32
    %neg3A_1352 = arith.constant 0.000000e+00 : f32
    %neg3A_1353 = vector.broadcast %neg3A_1352 : f32 to vector<20x128xf32>
    %neg3A_1354 = arith.subf %neg3A_1353, %dot_general3A_1281 : vector<20x128xf32>
    %neg3A_1355 = arith.constant 0.000000e+00 : f32
    %neg3A_1356 = vector.broadcast %neg3A_1355 : f32 to vector<20x128xf32>
    %neg3A_1357 = arith.subf %neg3A_1356, %neg3A_1354 : vector<20x128xf32>
    %max3A_1358 = arith.constant 0.000000e+00 : f32
    %max3A_1359 = vector.broadcast %max3A_1358 : f32 to vector<20x128xf32>
    %max3A_1360 = arith.maximumf %neg3A_1357, %max3A_1359 : vector<20x128xf32>
    %abs3A_1361 = math.absf %neg3A_1354 : vector<20x128xf32>
    %neg3A_1362 = arith.constant 0.000000e+00 : f32
    %neg3A_1363 = vector.broadcast %neg3A_1362 : f32 to vector<20x128xf32>
    %neg3A_1364 = arith.subf %neg3A_1363, %abs3A_1361 : vector<20x128xf32>
    %exp3A_1365 = math.exp %neg3A_1364 : vector<20x128xf32>
    %add3A_1366 = arith.constant 1.000000e+00 : f32
    %add3A_1367 = vector.broadcast %add3A_1366 : f32 to vector<20x128xf32>
    %add3A_1368 = arith.addf %add3A_1367, %exp3A_1365 : vector<20x128xf32>
    %log3A_1369 = math.log %add3A_1368 : vector<20x128xf32>
    %add3A_1370 = arith.addf %max3A_1360, %log3A_1369 : vector<20x128xf32>
    %reduce_sum3A_1371 = vector.shape_cast %add3A_1370 : vector<20x128xf32> to vector<1x20x128xf32>
    %reduce_sum3A_1372 = arith.constant dense<0.000000e+00> : vector<1xf32>
    %reduce_sum3A_1373 = vector.multi_reduction <add>, %reduce_sum3A_1371, %reduce_sum3A_1372 [1, 2] : vector<1x20x128xf32> to vector<1xf32>
    %reduce_sum3A_1374 = vector.shape_cast %reduce_sum3A_1373 : vector<1xf32> to vector<1x1x1xf32>
    %reduce_sum3A_1375 = vector.extract %reduce_sum3A_1374[0, 0, 0] : f32 from vector<1x1x1xf32>
    %add3A_1376 = arith.addf %add3A_1351, %reduce_sum3A_1375 : f32
    %add3A_1377 = arith.addf %add3A_1245, %add3A_1376 : f32
    %slice3A_1378 = vector.extract_strided_slice %reshape3A {offsets = [0, 10, 0, 0], sizes = [32, 1, 8, 128], strides = [1, 1, 1, 1]} : vector<32x16x8x128xf32> to vector<32x1x8x128xf32>
    %squeeze3A_1379 = vector.shape_cast %slice3A_1378 : vector<32x1x8x128xf32> to vector<32x8x128xf32>
    %reshape3A_1380 = vector.shape_cast %squeeze3A_1379 : vector<32x8x128xf32> to vector<256x128xf32>
    %convert_element_type3A_1381 = arith.truncf %reshape3A_1380 : vector<256x128xf32> to vector<256x128xbf16>
    %get3A_1382 = arith.constant 2560 : index
    %get3A_1383 = arith.constant 0 : index
    %get3A_1384 = vector.load %arg1[%get3A_1382, %get3A_1383] : memref<4096x128xf32, #tpu.memory_space<vmem>>, vector<128x128xf32>
    %convert_element_type3A_1385 = arith.truncf %get3A_1384 : vector<128x128xf32> to vector<128x128xbf16>
    %get3A_1386 = arith.constant 2688 : index
    %get3A_1387 = arith.constant 0 : index
    %get3A_1388 = vector.load %arg1[%get3A_1386, %get3A_1387] : memref<4096x128xf32, #tpu.memory_space<vmem>>, vector<128x128xf32>
    %convert_element_type3A_1389 = arith.truncf %get3A_1388 : vector<128x128xf32> to vector<128x128xbf16>
    %dot_general3A_1390 = arith.constant dense<0.000000e+00> : vector<256x128xf32>
    %dot_general3A_1391 = tpu.matmul %convert_element_type3A_1381, %convert_element_type3A_1385, %dot_general3A_1390 {dimension_numbers = #tpu.dot_dimension_numbers<[1], [0], [0], [1], [0, 0, 1, 1], [], []>, transpose_lhs_hint = false} : vector<256x128xbf16>, vector<128x128xbf16>, vector<256x128xf32> -> vector<256x128xf32>
    %dot_general3A_1392 = arith.constant dense<0.000000e+00> : vector<256x128xf32>
    %dot_general3A_1393 = tpu.matmul %convert_element_type3A_1381, %convert_element_type3A_1389, %dot_general3A_1392 {dimension_numbers = #tpu.dot_dimension_numbers<[1], [0], [0], [1], [0, 0, 1, 1], [], []>, transpose_lhs_hint = false} : vector<256x128xbf16>, vector<128x128xbf16>, vector<256x128xf32> -> vector<256x128xf32>
    %jit3A_1394 = arith.constant 0.000000e+00 : f32
    %broadcast_in_dim3A_1395 = vector.broadcast %jit3A_1394 : f32 to vector<256x128xf32>
    %select_n3A_1396 = arith.select %and3A_55, %dot_general3A_1391, %broadcast_in_dim3A_1395 : vector<256x128xi1>, vector<256x128xf32>
    %reduce_sum3A_1397 = arith.constant dense<0.000000e+00> : vector<128xf32>
    %reduce_sum3A_1398 = vector.multi_reduction <add>, %select_n3A_1396, %reduce_sum3A_1397 [0] : vector<256x128xf32> to vector<128xf32>
    %broadcast_in_dim3A_1399 = vector.shape_cast %reduce_sum3A_1398 : vector<128xf32> to vector<1x128xf32>
    %jit3A_1400 = arith.constant 0.000000e+00 : f32
    %broadcast_in_dim3A_1401 = vector.broadcast %jit3A_1400 : f32 to vector<256x128xf32>
    %select_n3A_1402 = arith.select %and3A_66, %dot_general3A_1393, %broadcast_in_dim3A_1401 : vector<256x128xi1>, vector<256x128xf32>
    %reduce_sum3A_1403 = arith.constant dense<0.000000e+00> : vector<128xf32>
    %reduce_sum3A_1404 = vector.multi_reduction <add>, %select_n3A_1402, %reduce_sum3A_1403 [0] : vector<256x128xf32> to vector<128xf32>
    %broadcast_in_dim3A_1405 = vector.shape_cast %reduce_sum3A_1404 : vector<128xf32> to vector<1x128xf32>
    %slice3A_1406 = vector.extract_strided_slice %get3A_4 {offsets = [2560, 0], sizes = [128, 128], strides = [1, 1]} : vector<4096x128xf32> to vector<128x128xf32>
    %convert_element_type3A_1407 = arith.truncf %slice3A_1406 : vector<128x128xf32> to vector<128x128xbf16>
    %dot_general3A_1408 = arith.constant dense<0.000000e+00> : vector<20x128xf32>
    %dot_general3A_1409 = tpu.matmul %convert_element_type3A, %convert_element_type3A_1407, %dot_general3A_1408 {dimension_numbers = #tpu.dot_dimension_numbers<[1], [0], [0], [1], [0, 0, 1, 1], [], []>, transpose_lhs_hint = false} : vector<20x128xbf16>, vector<128x128xbf16>, vector<20x128xf32> -> vector<20x128xf32>
    %slice3A_1410 = vector.extract_strided_slice %get3A_4 {offsets = [2688, 0], sizes = [128, 128], strides = [1, 1]} : vector<4096x128xf32> to vector<128x128xf32>
    %convert_element_type3A_1411 = arith.truncf %slice3A_1410 : vector<128x128xf32> to vector<128x128xbf16>
    %dot_general3A_1412 = arith.constant dense<0.000000e+00> : vector<20x128xf32>
    %dot_general3A_1413 = tpu.matmul %convert_element_type3A, %convert_element_type3A_1411, %dot_general3A_1412 {dimension_numbers = #tpu.dot_dimension_numbers<[1], [0], [0], [1], [0, 0, 1, 1], [], []>, transpose_lhs_hint = false} : vector<20x128xbf16>, vector<128x128xbf16>, vector<20x128xf32> -> vector<20x128xf32>
    %neg3A_1414 = arith.constant 0.000000e+00 : f32
    %neg3A_1415 = vector.broadcast %neg3A_1414 : f32 to vector<1x128xf32>
    %neg3A_1416 = arith.subf %neg3A_1415, %broadcast_in_dim3A_1399 : vector<1x128xf32>
    %max3A_1417 = arith.constant 0.000000e+00 : f32
    %max3A_1418 = vector.broadcast %max3A_1417 : f32 to vector<1x128xf32>
    %max3A_1419 = arith.maximumf %neg3A_1416, %max3A_1418 : vector<1x128xf32>
    %abs3A_1420 = math.absf %broadcast_in_dim3A_1399 : vector<1x128xf32>
    %neg3A_1421 = arith.constant 0.000000e+00 : f32
    %neg3A_1422 = vector.broadcast %neg3A_1421 : f32 to vector<1x128xf32>
    %neg3A_1423 = arith.subf %neg3A_1422, %abs3A_1420 : vector<1x128xf32>
    %exp3A_1424 = math.exp %neg3A_1423 : vector<1x128xf32>
    %add3A_1425 = arith.constant 1.000000e+00 : f32
    %add3A_1426 = vector.broadcast %add3A_1425 : f32 to vector<1x128xf32>
    %add3A_1427 = arith.addf %add3A_1426, %exp3A_1424 : vector<1x128xf32>
    %log3A_1428 = math.log %add3A_1427 : vector<1x128xf32>
    %add3A_1429 = arith.addf %max3A_1419, %log3A_1428 : vector<1x128xf32>
    %reduce_sum3A_1430 = vector.shape_cast %add3A_1429 : vector<1x128xf32> to vector<1x1x128xf32>
    %reduce_sum3A_1431 = arith.constant dense<0.000000e+00> : vector<1xf32>
    %reduce_sum3A_1432 = vector.multi_reduction <add>, %reduce_sum3A_1430, %reduce_sum3A_1431 [1, 2] : vector<1x1x128xf32> to vector<1xf32>
    %reduce_sum3A_1433 = vector.shape_cast %reduce_sum3A_1432 : vector<1xf32> to vector<1x1x1xf32>
    %reduce_sum3A_1434 = vector.extract %reduce_sum3A_1433[0, 0, 0] : f32 from vector<1x1x1xf32>
    %neg3A_1435 = arith.constant 0.000000e+00 : f32
    %neg3A_1436 = vector.broadcast %neg3A_1435 : f32 to vector<1x128xf32>
    %neg3A_1437 = arith.subf %neg3A_1436, %broadcast_in_dim3A_1405 : vector<1x128xf32>
    %max3A_1438 = arith.constant 0.000000e+00 : f32
    %max3A_1439 = vector.broadcast %max3A_1438 : f32 to vector<1x128xf32>
    %max3A_1440 = arith.maximumf %neg3A_1437, %max3A_1439 : vector<1x128xf32>
    %abs3A_1441 = math.absf %broadcast_in_dim3A_1405 : vector<1x128xf32>
    %neg3A_1442 = arith.constant 0.000000e+00 : f32
    %neg3A_1443 = vector.broadcast %neg3A_1442 : f32 to vector<1x128xf32>
    %neg3A_1444 = arith.subf %neg3A_1443, %abs3A_1441 : vector<1x128xf32>
    %exp3A_1445 = math.exp %neg3A_1444 : vector<1x128xf32>
    %add3A_1446 = arith.constant 1.000000e+00 : f32
    %add3A_1447 = vector.broadcast %add3A_1446 : f32 to vector<1x128xf32>
    %add3A_1448 = arith.addf %add3A_1447, %exp3A_1445 : vector<1x128xf32>
    %log3A_1449 = math.log %add3A_1448 : vector<1x128xf32>
    %add3A_1450 = arith.addf %max3A_1440, %log3A_1449 : vector<1x128xf32>
    %reduce_sum3A_1451 = vector.shape_cast %add3A_1450 : vector<1x128xf32> to vector<1x1x128xf32>
    %reduce_sum3A_1452 = arith.constant dense<0.000000e+00> : vector<1xf32>
    %reduce_sum3A_1453 = vector.multi_reduction <add>, %reduce_sum3A_1451, %reduce_sum3A_1452 [1, 2] : vector<1x1x128xf32> to vector<1xf32>
    %reduce_sum3A_1454 = vector.shape_cast %reduce_sum3A_1453 : vector<1xf32> to vector<1x1x1xf32>
    %reduce_sum3A_1455 = vector.extract %reduce_sum3A_1454[0, 0, 0] : f32 from vector<1x1x1xf32>
    %add3A_1456 = arith.addf %reduce_sum3A_1434, %reduce_sum3A_1455 : f32
    %mul3A_1457 = arith.constant 2.44140625E-4 : f32
    %mul3A_1458 = arith.mulf %add3A_1456, %mul3A_1457 : f32
    %neg3A_1459 = arith.constant 0.000000e+00 : f32
    %neg3A_1460 = vector.broadcast %neg3A_1459 : f32 to vector<20x128xf32>
    %neg3A_1461 = arith.subf %neg3A_1460, %dot_general3A_1409 : vector<20x128xf32>
    %neg3A_1462 = arith.constant 0.000000e+00 : f32
    %neg3A_1463 = vector.broadcast %neg3A_1462 : f32 to vector<20x128xf32>
    %neg3A_1464 = arith.subf %neg3A_1463, %neg3A_1461 : vector<20x128xf32>
    %max3A_1465 = arith.constant 0.000000e+00 : f32
    %max3A_1466 = vector.broadcast %max3A_1465 : f32 to vector<20x128xf32>
    %max3A_1467 = arith.maximumf %neg3A_1464, %max3A_1466 : vector<20x128xf32>
    %abs3A_1468 = math.absf %neg3A_1461 : vector<20x128xf32>
    %neg3A_1469 = arith.constant 0.000000e+00 : f32
    %neg3A_1470 = vector.broadcast %neg3A_1469 : f32 to vector<20x128xf32>
    %neg3A_1471 = arith.subf %neg3A_1470, %abs3A_1468 : vector<20x128xf32>
    %exp3A_1472 = math.exp %neg3A_1471 : vector<20x128xf32>
    %add3A_1473 = arith.constant 1.000000e+00 : f32
    %add3A_1474 = vector.broadcast %add3A_1473 : f32 to vector<20x128xf32>
    %add3A_1475 = arith.addf %add3A_1474, %exp3A_1472 : vector<20x128xf32>
    %log3A_1476 = math.log %add3A_1475 : vector<20x128xf32>
    %add3A_1477 = arith.addf %max3A_1467, %log3A_1476 : vector<20x128xf32>
    %reduce_sum3A_1478 = vector.shape_cast %add3A_1477 : vector<20x128xf32> to vector<1x20x128xf32>
    %reduce_sum3A_1479 = arith.constant dense<0.000000e+00> : vector<1xf32>
    %reduce_sum3A_1480 = vector.multi_reduction <add>, %reduce_sum3A_1478, %reduce_sum3A_1479 [1, 2] : vector<1x20x128xf32> to vector<1xf32>
    %reduce_sum3A_1481 = vector.shape_cast %reduce_sum3A_1480 : vector<1xf32> to vector<1x1x1xf32>
    %reduce_sum3A_1482 = vector.extract %reduce_sum3A_1481[0, 0, 0] : f32 from vector<1x1x1xf32>
    %add3A_1483 = arith.addf %mul3A_1458, %reduce_sum3A_1482 : f32
    %neg3A_1484 = arith.constant 0.000000e+00 : f32
    %neg3A_1485 = vector.broadcast %neg3A_1484 : f32 to vector<20x128xf32>
    %neg3A_1486 = arith.subf %neg3A_1485, %dot_general3A_1413 : vector<20x128xf32>
    %neg3A_1487 = arith.constant 0.000000e+00 : f32
    %neg3A_1488 = vector.broadcast %neg3A_1487 : f32 to vector<20x128xf32>
    %neg3A_1489 = arith.subf %neg3A_1488, %neg3A_1486 : vector<20x128xf32>
    %max3A_1490 = arith.constant 0.000000e+00 : f32
    %max3A_1491 = vector.broadcast %max3A_1490 : f32 to vector<20x128xf32>
    %max3A_1492 = arith.maximumf %neg3A_1489, %max3A_1491 : vector<20x128xf32>
    %abs3A_1493 = math.absf %neg3A_1486 : vector<20x128xf32>
    %neg3A_1494 = arith.constant 0.000000e+00 : f32
    %neg3A_1495 = vector.broadcast %neg3A_1494 : f32 to vector<20x128xf32>
    %neg3A_1496 = arith.subf %neg3A_1495, %abs3A_1493 : vector<20x128xf32>
    %exp3A_1497 = math.exp %neg3A_1496 : vector<20x128xf32>
    %add3A_1498 = arith.constant 1.000000e+00 : f32
    %add3A_1499 = vector.broadcast %add3A_1498 : f32 to vector<20x128xf32>
    %add3A_1500 = arith.addf %add3A_1499, %exp3A_1497 : vector<20x128xf32>
    %log3A_1501 = math.log %add3A_1500 : vector<20x128xf32>
    %add3A_1502 = arith.addf %max3A_1492, %log3A_1501 : vector<20x128xf32>
    %reduce_sum3A_1503 = vector.shape_cast %add3A_1502 : vector<20x128xf32> to vector<1x20x128xf32>
    %reduce_sum3A_1504 = arith.constant dense<0.000000e+00> : vector<1xf32>
    %reduce_sum3A_1505 = vector.multi_reduction <add>, %reduce_sum3A_1503, %reduce_sum3A_1504 [1, 2] : vector<1x20x128xf32> to vector<1xf32>
    %reduce_sum3A_1506 = vector.shape_cast %reduce_sum3A_1505 : vector<1xf32> to vector<1x1x1xf32>
    %reduce_sum3A_1507 = vector.extract %reduce_sum3A_1506[0, 0, 0] : f32 from vector<1x1x1xf32>
    %add3A_1508 = arith.addf %add3A_1483, %reduce_sum3A_1507 : f32
    %add3A_1509 = arith.addf %add3A_1377, %add3A_1508 : f32
    %slice3A_1510 = vector.extract_strided_slice %reshape3A {offsets = [0, 11, 0, 0], sizes = [32, 1, 8, 128], strides = [1, 1, 1, 1]} : vector<32x16x8x128xf32> to vector<32x1x8x128xf32>
    %squeeze3A_1511 = vector.shape_cast %slice3A_1510 : vector<32x1x8x128xf32> to vector<32x8x128xf32>
    %reshape3A_1512 = vector.shape_cast %squeeze3A_1511 : vector<32x8x128xf32> to vector<256x128xf32>
    %convert_element_type3A_1513 = arith.truncf %reshape3A_1512 : vector<256x128xf32> to vector<256x128xbf16>
    %get3A_1514 = arith.constant 2816 : index
    %get3A_1515 = arith.constant 0 : index
    %get3A_1516 = vector.load %arg1[%get3A_1514, %get3A_1515] : memref<4096x128xf32, #tpu.memory_space<vmem>>, vector<128x128xf32>
    %convert_element_type3A_1517 = arith.truncf %get3A_1516 : vector<128x128xf32> to vector<128x128xbf16>
    %get3A_1518 = arith.constant 2944 : index
    %get3A_1519 = arith.constant 0 : index
    %get3A_1520 = vector.load %arg1[%get3A_1518, %get3A_1519] : memref<4096x128xf32, #tpu.memory_space<vmem>>, vector<128x128xf32>
    %convert_element_type3A_1521 = arith.truncf %get3A_1520 : vector<128x128xf32> to vector<128x128xbf16>
    %dot_general3A_1522 = arith.constant dense<0.000000e+00> : vector<256x128xf32>
    %dot_general3A_1523 = tpu.matmul %convert_element_type3A_1513, %convert_element_type3A_1517, %dot_general3A_1522 {dimension_numbers = #tpu.dot_dimension_numbers<[1], [0], [0], [1], [0, 0, 1, 1], [], []>, transpose_lhs_hint = false} : vector<256x128xbf16>, vector<128x128xbf16>, vector<256x128xf32> -> vector<256x128xf32>
    %dot_general3A_1524 = arith.constant dense<0.000000e+00> : vector<256x128xf32>
    %dot_general3A_1525 = tpu.matmul %convert_element_type3A_1513, %convert_element_type3A_1521, %dot_general3A_1524 {dimension_numbers = #tpu.dot_dimension_numbers<[1], [0], [0], [1], [0, 0, 1, 1], [], []>, transpose_lhs_hint = false} : vector<256x128xbf16>, vector<128x128xbf16>, vector<256x128xf32> -> vector<256x128xf32>
    %jit3A_1526 = arith.constant 0.000000e+00 : f32
    %broadcast_in_dim3A_1527 = vector.broadcast %jit3A_1526 : f32 to vector<256x128xf32>
    %select_n3A_1528 = arith.select %and3A_55, %dot_general3A_1523, %broadcast_in_dim3A_1527 : vector<256x128xi1>, vector<256x128xf32>
    %reduce_sum3A_1529 = arith.constant dense<0.000000e+00> : vector<128xf32>
    %reduce_sum3A_1530 = vector.multi_reduction <add>, %select_n3A_1528, %reduce_sum3A_1529 [0] : vector<256x128xf32> to vector<128xf32>
    %broadcast_in_dim3A_1531 = vector.shape_cast %reduce_sum3A_1530 : vector<128xf32> to vector<1x128xf32>
    %jit3A_1532 = arith.constant 0.000000e+00 : f32
    %broadcast_in_dim3A_1533 = vector.broadcast %jit3A_1532 : f32 to vector<256x128xf32>
    %select_n3A_1534 = arith.select %and3A_66, %dot_general3A_1525, %broadcast_in_dim3A_1533 : vector<256x128xi1>, vector<256x128xf32>
    %reduce_sum3A_1535 = arith.constant dense<0.000000e+00> : vector<128xf32>
    %reduce_sum3A_1536 = vector.multi_reduction <add>, %select_n3A_1534, %reduce_sum3A_1535 [0] : vector<256x128xf32> to vector<128xf32>
    %broadcast_in_dim3A_1537 = vector.shape_cast %reduce_sum3A_1536 : vector<128xf32> to vector<1x128xf32>
    %slice3A_1538 = vector.extract_strided_slice %get3A_4 {offsets = [2816, 0], sizes = [128, 128], strides = [1, 1]} : vector<4096x128xf32> to vector<128x128xf32>
    %convert_element_type3A_1539 = arith.truncf %slice3A_1538 : vector<128x128xf32> to vector<128x128xbf16>
    %dot_general3A_1540 = arith.constant dense<0.000000e+00> : vector<20x128xf32>
    %dot_general3A_1541 = tpu.matmul %convert_element_type3A, %convert_element_type3A_1539, %dot_general3A_1540 {dimension_numbers = #tpu.dot_dimension_numbers<[1], [0], [0], [1], [0, 0, 1, 1], [], []>, transpose_lhs_hint = false} : vector<20x128xbf16>, vector<128x128xbf16>, vector<20x128xf32> -> vector<20x128xf32>
    %slice3A_1542 = vector.extract_strided_slice %get3A_4 {offsets = [2944, 0], sizes = [128, 128], strides = [1, 1]} : vector<4096x128xf32> to vector<128x128xf32>
    %convert_element_type3A_1543 = arith.truncf %slice3A_1542 : vector<128x128xf32> to vector<128x128xbf16>
    %dot_general3A_1544 = arith.constant dense<0.000000e+00> : vector<20x128xf32>
    %dot_general3A_1545 = tpu.matmul %convert_element_type3A, %convert_element_type3A_1543, %dot_general3A_1544 {dimension_numbers = #tpu.dot_dimension_numbers<[1], [0], [0], [1], [0, 0, 1, 1], [], []>, transpose_lhs_hint = false} : vector<20x128xbf16>, vector<128x128xbf16>, vector<20x128xf32> -> vector<20x128xf32>
    %neg3A_1546 = arith.constant 0.000000e+00 : f32
    %neg3A_1547 = vector.broadcast %neg3A_1546 : f32 to vector<1x128xf32>
    %neg3A_1548 = arith.subf %neg3A_1547, %broadcast_in_dim3A_1531 : vector<1x128xf32>
    %max3A_1549 = arith.constant 0.000000e+00 : f32
    %max3A_1550 = vector.broadcast %max3A_1549 : f32 to vector<1x128xf32>
    %max3A_1551 = arith.maximumf %neg3A_1548, %max3A_1550 : vector<1x128xf32>
    %abs3A_1552 = math.absf %broadcast_in_dim3A_1531 : vector<1x128xf32>
    %neg3A_1553 = arith.constant 0.000000e+00 : f32
    %neg3A_1554 = vector.broadcast %neg3A_1553 : f32 to vector<1x128xf32>
    %neg3A_1555 = arith.subf %neg3A_1554, %abs3A_1552 : vector<1x128xf32>
    %exp3A_1556 = math.exp %neg3A_1555 : vector<1x128xf32>
    %add3A_1557 = arith.constant 1.000000e+00 : f32
    %add3A_1558 = vector.broadcast %add3A_1557 : f32 to vector<1x128xf32>
    %add3A_1559 = arith.addf %add3A_1558, %exp3A_1556 : vector<1x128xf32>
    %log3A_1560 = math.log %add3A_1559 : vector<1x128xf32>
    %add3A_1561 = arith.addf %max3A_1551, %log3A_1560 : vector<1x128xf32>
    %reduce_sum3A_1562 = vector.shape_cast %add3A_1561 : vector<1x128xf32> to vector<1x1x128xf32>
    %reduce_sum3A_1563 = arith.constant dense<0.000000e+00> : vector<1xf32>
    %reduce_sum3A_1564 = vector.multi_reduction <add>, %reduce_sum3A_1562, %reduce_sum3A_1563 [1, 2] : vector<1x1x128xf32> to vector<1xf32>
    %reduce_sum3A_1565 = vector.shape_cast %reduce_sum3A_1564 : vector<1xf32> to vector<1x1x1xf32>
    %reduce_sum3A_1566 = vector.extract %reduce_sum3A_1565[0, 0, 0] : f32 from vector<1x1x1xf32>
    %neg3A_1567 = arith.constant 0.000000e+00 : f32
    %neg3A_1568 = vector.broadcast %neg3A_1567 : f32 to vector<1x128xf32>
    %neg3A_1569 = arith.subf %neg3A_1568, %broadcast_in_dim3A_1537 : vector<1x128xf32>
    %max3A_1570 = arith.constant 0.000000e+00 : f32
    %max3A_1571 = vector.broadcast %max3A_1570 : f32 to vector<1x128xf32>
    %max3A_1572 = arith.maximumf %neg3A_1569, %max3A_1571 : vector<1x128xf32>
    %abs3A_1573 = math.absf %broadcast_in_dim3A_1537 : vector<1x128xf32>
    %neg3A_1574 = arith.constant 0.000000e+00 : f32
    %neg3A_1575 = vector.broadcast %neg3A_1574 : f32 to vector<1x128xf32>
    %neg3A_1576 = arith.subf %neg3A_1575, %abs3A_1573 : vector<1x128xf32>
    %exp3A_1577 = math.exp %neg3A_1576 : vector<1x128xf32>
    %add3A_1578 = arith.constant 1.000000e+00 : f32
    %add3A_1579 = vector.broadcast %add3A_1578 : f32 to vector<1x128xf32>
    %add3A_1580 = arith.addf %add3A_1579, %exp3A_1577 : vector<1x128xf32>
    %log3A_1581 = math.log %add3A_1580 : vector<1x128xf32>
    %add3A_1582 = arith.addf %max3A_1572, %log3A_1581 : vector<1x128xf32>
    %reduce_sum3A_1583 = vector.shape_cast %add3A_1582 : vector<1x128xf32> to vector<1x1x128xf32>
    %reduce_sum3A_1584 = arith.constant dense<0.000000e+00> : vector<1xf32>
    %reduce_sum3A_1585 = vector.multi_reduction <add>, %reduce_sum3A_1583, %reduce_sum3A_1584 [1, 2] : vector<1x1x128xf32> to vector<1xf32>
    %reduce_sum3A_1586 = vector.shape_cast %reduce_sum3A_1585 : vector<1xf32> to vector<1x1x1xf32>
    %reduce_sum3A_1587 = vector.extract %reduce_sum3A_1586[0, 0, 0] : f32 from vector<1x1x1xf32>
    %add3A_1588 = arith.addf %reduce_sum3A_1566, %reduce_sum3A_1587 : f32
    %mul3A_1589 = arith.constant 2.44140625E-4 : f32
    %mul3A_1590 = arith.mulf %add3A_1588, %mul3A_1589 : f32
    %neg3A_1591 = arith.constant 0.000000e+00 : f32
    %neg3A_1592 = vector.broadcast %neg3A_1591 : f32 to vector<20x128xf32>
    %neg3A_1593 = arith.subf %neg3A_1592, %dot_general3A_1541 : vector<20x128xf32>
    %neg3A_1594 = arith.constant 0.000000e+00 : f32
    %neg3A_1595 = vector.broadcast %neg3A_1594 : f32 to vector<20x128xf32>
    %neg3A_1596 = arith.subf %neg3A_1595, %neg3A_1593 : vector<20x128xf32>
    %max3A_1597 = arith.constant 0.000000e+00 : f32
    %max3A_1598 = vector.broadcast %max3A_1597 : f32 to vector<20x128xf32>
    %max3A_1599 = arith.maximumf %neg3A_1596, %max3A_1598 : vector<20x128xf32>
    %abs3A_1600 = math.absf %neg3A_1593 : vector<20x128xf32>
    %neg3A_1601 = arith.constant 0.000000e+00 : f32
    %neg3A_1602 = vector.broadcast %neg3A_1601 : f32 to vector<20x128xf32>
    %neg3A_1603 = arith.subf %neg3A_1602, %abs3A_1600 : vector<20x128xf32>
    %exp3A_1604 = math.exp %neg3A_1603 : vector<20x128xf32>
    %add3A_1605 = arith.constant 1.000000e+00 : f32
    %add3A_1606 = vector.broadcast %add3A_1605 : f32 to vector<20x128xf32>
    %add3A_1607 = arith.addf %add3A_1606, %exp3A_1604 : vector<20x128xf32>
    %log3A_1608 = math.log %add3A_1607 : vector<20x128xf32>
    %add3A_1609 = arith.addf %max3A_1599, %log3A_1608 : vector<20x128xf32>
    %reduce_sum3A_1610 = vector.shape_cast %add3A_1609 : vector<20x128xf32> to vector<1x20x128xf32>
    %reduce_sum3A_1611 = arith.constant dense<0.000000e+00> : vector<1xf32>
    %reduce_sum3A_1612 = vector.multi_reduction <add>, %reduce_sum3A_1610, %reduce_sum3A_1611 [1, 2] : vector<1x20x128xf32> to vector<1xf32>
    %reduce_sum3A_1613 = vector.shape_cast %reduce_sum3A_1612 : vector<1xf32> to vector<1x1x1xf32>
    %reduce_sum3A_1614 = vector.extract %reduce_sum3A_1613[0, 0, 0] : f32 from vector<1x1x1xf32>
    %add3A_1615 = arith.addf %mul3A_1590, %reduce_sum3A_1614 : f32
    %neg3A_1616 = arith.constant 0.000000e+00 : f32
    %neg3A_1617 = vector.broadcast %neg3A_1616 : f32 to vector<20x128xf32>
    %neg3A_1618 = arith.subf %neg3A_1617, %dot_general3A_1545 : vector<20x128xf32>
    %neg3A_1619 = arith.constant 0.000000e+00 : f32
    %neg3A_1620 = vector.broadcast %neg3A_1619 : f32 to vector<20x128xf32>
    %neg3A_1621 = arith.subf %neg3A_1620, %neg3A_1618 : vector<20x128xf32>
    %max3A_1622 = arith.constant 0.000000e+00 : f32
    %max3A_1623 = vector.broadcast %max3A_1622 : f32 to vector<20x128xf32>
    %max3A_1624 = arith.maximumf %neg3A_1621, %max3A_1623 : vector<20x128xf32>
    %abs3A_1625 = math.absf %neg3A_1618 : vector<20x128xf32>
    %neg3A_1626 = arith.constant 0.000000e+00 : f32
    %neg3A_1627 = vector.broadcast %neg3A_1626 : f32 to vector<20x128xf32>
    %neg3A_1628 = arith.subf %neg3A_1627, %abs3A_1625 : vector<20x128xf32>
    %exp3A_1629 = math.exp %neg3A_1628 : vector<20x128xf32>
    %add3A_1630 = arith.constant 1.000000e+00 : f32
    %add3A_1631 = vector.broadcast %add3A_1630 : f32 to vector<20x128xf32>
    %add3A_1632 = arith.addf %add3A_1631, %exp3A_1629 : vector<20x128xf32>
    %log3A_1633 = math.log %add3A_1632 : vector<20x128xf32>
    %add3A_1634 = arith.addf %max3A_1624, %log3A_1633 : vector<20x128xf32>
    %reduce_sum3A_1635 = vector.shape_cast %add3A_1634 : vector<20x128xf32> to vector<1x20x128xf32>
    %reduce_sum3A_1636 = arith.constant dense<0.000000e+00> : vector<1xf32>
    %reduce_sum3A_1637 = vector.multi_reduction <add>, %reduce_sum3A_1635, %reduce_sum3A_1636 [1, 2] : vector<1x20x128xf32> to vector<1xf32>
    %reduce_sum3A_1638 = vector.shape_cast %reduce_sum3A_1637 : vector<1xf32> to vector<1x1x1xf32>
    %reduce_sum3A_1639 = vector.extract %reduce_sum3A_1638[0, 0, 0] : f32 from vector<1x1x1xf32>
    %add3A_1640 = arith.addf %add3A_1615, %reduce_sum3A_1639 : f32
    %add3A_1641 = arith.addf %add3A_1509, %add3A_1640 : f32
    %slice3A_1642 = vector.extract_strided_slice %reshape3A {offsets = [0, 12, 0, 0], sizes = [32, 1, 8, 128], strides = [1, 1, 1, 1]} : vector<32x16x8x128xf32> to vector<32x1x8x128xf32>
    %squeeze3A_1643 = vector.shape_cast %slice3A_1642 : vector<32x1x8x128xf32> to vector<32x8x128xf32>
    %reshape3A_1644 = vector.shape_cast %squeeze3A_1643 : vector<32x8x128xf32> to vector<256x128xf32>
    %convert_element_type3A_1645 = arith.truncf %reshape3A_1644 : vector<256x128xf32> to vector<256x128xbf16>
    %get3A_1646 = arith.constant 3072 : index
    %get3A_1647 = arith.constant 0 : index
    %get3A_1648 = vector.load %arg1[%get3A_1646, %get3A_1647] : memref<4096x128xf32, #tpu.memory_space<vmem>>, vector<128x128xf32>
    %convert_element_type3A_1649 = arith.truncf %get3A_1648 : vector<128x128xf32> to vector<128x128xbf16>
    %get3A_1650 = arith.constant 3200 : index
    %get3A_1651 = arith.constant 0 : index
    %get3A_1652 = vector.load %arg1[%get3A_1650, %get3A_1651] : memref<4096x128xf32, #tpu.memory_space<vmem>>, vector<128x128xf32>
    %convert_element_type3A_1653 = arith.truncf %get3A_1652 : vector<128x128xf32> to vector<128x128xbf16>
    %dot_general3A_1654 = arith.constant dense<0.000000e+00> : vector<256x128xf32>
    %dot_general3A_1655 = tpu.matmul %convert_element_type3A_1645, %convert_element_type3A_1649, %dot_general3A_1654 {dimension_numbers = #tpu.dot_dimension_numbers<[1], [0], [0], [1], [0, 0, 1, 1], [], []>, transpose_lhs_hint = false} : vector<256x128xbf16>, vector<128x128xbf16>, vector<256x128xf32> -> vector<256x128xf32>
    %dot_general3A_1656 = arith.constant dense<0.000000e+00> : vector<256x128xf32>
    %dot_general3A_1657 = tpu.matmul %convert_element_type3A_1645, %convert_element_type3A_1653, %dot_general3A_1656 {dimension_numbers = #tpu.dot_dimension_numbers<[1], [0], [0], [1], [0, 0, 1, 1], [], []>, transpose_lhs_hint = false} : vector<256x128xbf16>, vector<128x128xbf16>, vector<256x128xf32> -> vector<256x128xf32>
    %jit3A_1658 = arith.constant 0.000000e+00 : f32
    %broadcast_in_dim3A_1659 = vector.broadcast %jit3A_1658 : f32 to vector<256x128xf32>
    %select_n3A_1660 = arith.select %and3A_55, %dot_general3A_1655, %broadcast_in_dim3A_1659 : vector<256x128xi1>, vector<256x128xf32>
    %reduce_sum3A_1661 = arith.constant dense<0.000000e+00> : vector<128xf32>
    %reduce_sum3A_1662 = vector.multi_reduction <add>, %select_n3A_1660, %reduce_sum3A_1661 [0] : vector<256x128xf32> to vector<128xf32>
    %broadcast_in_dim3A_1663 = vector.shape_cast %reduce_sum3A_1662 : vector<128xf32> to vector<1x128xf32>
    %jit3A_1664 = arith.constant 0.000000e+00 : f32
    %broadcast_in_dim3A_1665 = vector.broadcast %jit3A_1664 : f32 to vector<256x128xf32>
    %select_n3A_1666 = arith.select %and3A_66, %dot_general3A_1657, %broadcast_in_dim3A_1665 : vector<256x128xi1>, vector<256x128xf32>
    %reduce_sum3A_1667 = arith.constant dense<0.000000e+00> : vector<128xf32>
    %reduce_sum3A_1668 = vector.multi_reduction <add>, %select_n3A_1666, %reduce_sum3A_1667 [0] : vector<256x128xf32> to vector<128xf32>
    %broadcast_in_dim3A_1669 = vector.shape_cast %reduce_sum3A_1668 : vector<128xf32> to vector<1x128xf32>
    %slice3A_1670 = vector.extract_strided_slice %get3A_4 {offsets = [3072, 0], sizes = [128, 128], strides = [1, 1]} : vector<4096x128xf32> to vector<128x128xf32>
    %convert_element_type3A_1671 = arith.truncf %slice3A_1670 : vector<128x128xf32> to vector<128x128xbf16>
    %dot_general3A_1672 = arith.constant dense<0.000000e+00> : vector<20x128xf32>
    %dot_general3A_1673 = tpu.matmul %convert_element_type3A, %convert_element_type3A_1671, %dot_general3A_1672 {dimension_numbers = #tpu.dot_dimension_numbers<[1], [0], [0], [1], [0, 0, 1, 1], [], []>, transpose_lhs_hint = false} : vector<20x128xbf16>, vector<128x128xbf16>, vector<20x128xf32> -> vector<20x128xf32>
    %slice3A_1674 = vector.extract_strided_slice %get3A_4 {offsets = [3200, 0], sizes = [128, 128], strides = [1, 1]} : vector<4096x128xf32> to vector<128x128xf32>
    %convert_element_type3A_1675 = arith.truncf %slice3A_1674 : vector<128x128xf32> to vector<128x128xbf16>
    %dot_general3A_1676 = arith.constant dense<0.000000e+00> : vector<20x128xf32>
    %dot_general3A_1677 = tpu.matmul %convert_element_type3A, %convert_element_type3A_1675, %dot_general3A_1676 {dimension_numbers = #tpu.dot_dimension_numbers<[1], [0], [0], [1], [0, 0, 1, 1], [], []>, transpose_lhs_hint = false} : vector<20x128xbf16>, vector<128x128xbf16>, vector<20x128xf32> -> vector<20x128xf32>
    %neg3A_1678 = arith.constant 0.000000e+00 : f32
    %neg3A_1679 = vector.broadcast %neg3A_1678 : f32 to vector<1x128xf32>
    %neg3A_1680 = arith.subf %neg3A_1679, %broadcast_in_dim3A_1663 : vector<1x128xf32>
    %max3A_1681 = arith.constant 0.000000e+00 : f32
    %max3A_1682 = vector.broadcast %max3A_1681 : f32 to vector<1x128xf32>
    %max3A_1683 = arith.maximumf %neg3A_1680, %max3A_1682 : vector<1x128xf32>
    %abs3A_1684 = math.absf %broadcast_in_dim3A_1663 : vector<1x128xf32>
    %neg3A_1685 = arith.constant 0.000000e+00 : f32
    %neg3A_1686 = vector.broadcast %neg3A_1685 : f32 to vector<1x128xf32>
    %neg3A_1687 = arith.subf %neg3A_1686, %abs3A_1684 : vector<1x128xf32>
    %exp3A_1688 = math.exp %neg3A_1687 : vector<1x128xf32>
    %add3A_1689 = arith.constant 1.000000e+00 : f32
    %add3A_1690 = vector.broadcast %add3A_1689 : f32 to vector<1x128xf32>
    %add3A_1691 = arith.addf %add3A_1690, %exp3A_1688 : vector<1x128xf32>
    %log3A_1692 = math.log %add3A_1691 : vector<1x128xf32>
    %add3A_1693 = arith.addf %max3A_1683, %log3A_1692 : vector<1x128xf32>
    %reduce_sum3A_1694 = vector.shape_cast %add3A_1693 : vector<1x128xf32> to vector<1x1x128xf32>
    %reduce_sum3A_1695 = arith.constant dense<0.000000e+00> : vector<1xf32>
    %reduce_sum3A_1696 = vector.multi_reduction <add>, %reduce_sum3A_1694, %reduce_sum3A_1695 [1, 2] : vector<1x1x128xf32> to vector<1xf32>
    %reduce_sum3A_1697 = vector.shape_cast %reduce_sum3A_1696 : vector<1xf32> to vector<1x1x1xf32>
    %reduce_sum3A_1698 = vector.extract %reduce_sum3A_1697[0, 0, 0] : f32 from vector<1x1x1xf32>
    %neg3A_1699 = arith.constant 0.000000e+00 : f32
    %neg3A_1700 = vector.broadcast %neg3A_1699 : f32 to vector<1x128xf32>
    %neg3A_1701 = arith.subf %neg3A_1700, %broadcast_in_dim3A_1669 : vector<1x128xf32>
    %max3A_1702 = arith.constant 0.000000e+00 : f32
    %max3A_1703 = vector.broadcast %max3A_1702 : f32 to vector<1x128xf32>
    %max3A_1704 = arith.maximumf %neg3A_1701, %max3A_1703 : vector<1x128xf32>
    %abs3A_1705 = math.absf %broadcast_in_dim3A_1669 : vector<1x128xf32>
    %neg3A_1706 = arith.constant 0.000000e+00 : f32
    %neg3A_1707 = vector.broadcast %neg3A_1706 : f32 to vector<1x128xf32>
    %neg3A_1708 = arith.subf %neg3A_1707, %abs3A_1705 : vector<1x128xf32>
    %exp3A_1709 = math.exp %neg3A_1708 : vector<1x128xf32>
    %add3A_1710 = arith.constant 1.000000e+00 : f32
    %add3A_1711 = vector.broadcast %add3A_1710 : f32 to vector<1x128xf32>
    %add3A_1712 = arith.addf %add3A_1711, %exp3A_1709 : vector<1x128xf32>
    %log3A_1713 = math.log %add3A_1712 : vector<1x128xf32>
    %add3A_1714 = arith.addf %max3A_1704, %log3A_1713 : vector<1x128xf32>
    %reduce_sum3A_1715 = vector.shape_cast %add3A_1714 : vector<1x128xf32> to vector<1x1x128xf32>
    %reduce_sum3A_1716 = arith.constant dense<0.000000e+00> : vector<1xf32>
    %reduce_sum3A_1717 = vector.multi_reduction <add>, %reduce_sum3A_1715, %reduce_sum3A_1716 [1, 2] : vector<1x1x128xf32> to vector<1xf32>
    %reduce_sum3A_1718 = vector.shape_cast %reduce_sum3A_1717 : vector<1xf32> to vector<1x1x1xf32>
    %reduce_sum3A_1719 = vector.extract %reduce_sum3A_1718[0, 0, 0] : f32 from vector<1x1x1xf32>
    %add3A_1720 = arith.addf %reduce_sum3A_1698, %reduce_sum3A_1719 : f32
    %mul3A_1721 = arith.constant 2.44140625E-4 : f32
    %mul3A_1722 = arith.mulf %add3A_1720, %mul3A_1721 : f32
    %neg3A_1723 = arith.constant 0.000000e+00 : f32
    %neg3A_1724 = vector.broadcast %neg3A_1723 : f32 to vector<20x128xf32>
    %neg3A_1725 = arith.subf %neg3A_1724, %dot_general3A_1673 : vector<20x128xf32>
    %neg3A_1726 = arith.constant 0.000000e+00 : f32
    %neg3A_1727 = vector.broadcast %neg3A_1726 : f32 to vector<20x128xf32>
    %neg3A_1728 = arith.subf %neg3A_1727, %neg3A_1725 : vector<20x128xf32>
    %max3A_1729 = arith.constant 0.000000e+00 : f32
    %max3A_1730 = vector.broadcast %max3A_1729 : f32 to vector<20x128xf32>
    %max3A_1731 = arith.maximumf %neg3A_1728, %max3A_1730 : vector<20x128xf32>
    %abs3A_1732 = math.absf %neg3A_1725 : vector<20x128xf32>
    %neg3A_1733 = arith.constant 0.000000e+00 : f32
    %neg3A_1734 = vector.broadcast %neg3A_1733 : f32 to vector<20x128xf32>
    %neg3A_1735 = arith.subf %neg3A_1734, %abs3A_1732 : vector<20x128xf32>
    %exp3A_1736 = math.exp %neg3A_1735 : vector<20x128xf32>
    %add3A_1737 = arith.constant 1.000000e+00 : f32
    %add3A_1738 = vector.broadcast %add3A_1737 : f32 to vector<20x128xf32>
    %add3A_1739 = arith.addf %add3A_1738, %exp3A_1736 : vector<20x128xf32>
    %log3A_1740 = math.log %add3A_1739 : vector<20x128xf32>
    %add3A_1741 = arith.addf %max3A_1731, %log3A_1740 : vector<20x128xf32>
    %reduce_sum3A_1742 = vector.shape_cast %add3A_1741 : vector<20x128xf32> to vector<1x20x128xf32>
    %reduce_sum3A_1743 = arith.constant dense<0.000000e+00> : vector<1xf32>
    %reduce_sum3A_1744 = vector.multi_reduction <add>, %reduce_sum3A_1742, %reduce_sum3A_1743 [1, 2] : vector<1x20x128xf32> to vector<1xf32>
    %reduce_sum3A_1745 = vector.shape_cast %reduce_sum3A_1744 : vector<1xf32> to vector<1x1x1xf32>
    %reduce_sum3A_1746 = vector.extract %reduce_sum3A_1745[0, 0, 0] : f32 from vector<1x1x1xf32>
    %add3A_1747 = arith.addf %mul3A_1722, %reduce_sum3A_1746 : f32
    %neg3A_1748 = arith.constant 0.000000e+00 : f32
    %neg3A_1749 = vector.broadcast %neg3A_1748 : f32 to vector<20x128xf32>
    %neg3A_1750 = arith.subf %neg3A_1749, %dot_general3A_1677 : vector<20x128xf32>
    %neg3A_1751 = arith.constant 0.000000e+00 : f32
    %neg3A_1752 = vector.broadcast %neg3A_1751 : f32 to vector<20x128xf32>
    %neg3A_1753 = arith.subf %neg3A_1752, %neg3A_1750 : vector<20x128xf32>
    %max3A_1754 = arith.constant 0.000000e+00 : f32
    %max3A_1755 = vector.broadcast %max3A_1754 : f32 to vector<20x128xf32>
    %max3A_1756 = arith.maximumf %neg3A_1753, %max3A_1755 : vector<20x128xf32>
    %abs3A_1757 = math.absf %neg3A_1750 : vector<20x128xf32>
    %neg3A_1758 = arith.constant 0.000000e+00 : f32
    %neg3A_1759 = vector.broadcast %neg3A_1758 : f32 to vector<20x128xf32>
    %neg3A_1760 = arith.subf %neg3A_1759, %abs3A_1757 : vector<20x128xf32>
    %exp3A_1761 = math.exp %neg3A_1760 : vector<20x128xf32>
    %add3A_1762 = arith.constant 1.000000e+00 : f32
    %add3A_1763 = vector.broadcast %add3A_1762 : f32 to vector<20x128xf32>
    %add3A_1764 = arith.addf %add3A_1763, %exp3A_1761 : vector<20x128xf32>
    %log3A_1765 = math.log %add3A_1764 : vector<20x128xf32>
    %add3A_1766 = arith.addf %max3A_1756, %log3A_1765 : vector<20x128xf32>
    %reduce_sum3A_1767 = vector.shape_cast %add3A_1766 : vector<20x128xf32> to vector<1x20x128xf32>
    %reduce_sum3A_1768 = arith.constant dense<0.000000e+00> : vector<1xf32>
    %reduce_sum3A_1769 = vector.multi_reduction <add>, %reduce_sum3A_1767, %reduce_sum3A_1768 [1, 2] : vector<1x20x128xf32> to vector<1xf32>
    %reduce_sum3A_1770 = vector.shape_cast %reduce_sum3A_1769 : vector<1xf32> to vector<1x1x1xf32>
    %reduce_sum3A_1771 = vector.extract %reduce_sum3A_1770[0, 0, 0] : f32 from vector<1x1x1xf32>
    %add3A_1772 = arith.addf %add3A_1747, %reduce_sum3A_1771 : f32
    %add3A_1773 = arith.addf %add3A_1641, %add3A_1772 : f32
    %slice3A_1774 = vector.extract_strided_slice %reshape3A {offsets = [0, 13, 0, 0], sizes = [32, 1, 8, 128], strides = [1, 1, 1, 1]} : vector<32x16x8x128xf32> to vector<32x1x8x128xf32>
    %squeeze3A_1775 = vector.shape_cast %slice3A_1774 : vector<32x1x8x128xf32> to vector<32x8x128xf32>
    %reshape3A_1776 = vector.shape_cast %squeeze3A_1775 : vector<32x8x128xf32> to vector<256x128xf32>
    %convert_element_type3A_1777 = arith.truncf %reshape3A_1776 : vector<256x128xf32> to vector<256x128xbf16>
    %get3A_1778 = arith.constant 3328 : index
    %get3A_1779 = arith.constant 0 : index
    %get3A_1780 = vector.load %arg1[%get3A_1778, %get3A_1779] : memref<4096x128xf32, #tpu.memory_space<vmem>>, vector<128x128xf32>
    %convert_element_type3A_1781 = arith.truncf %get3A_1780 : vector<128x128xf32> to vector<128x128xbf16>
    %get3A_1782 = arith.constant 3456 : index
    %get3A_1783 = arith.constant 0 : index
    %get3A_1784 = vector.load %arg1[%get3A_1782, %get3A_1783] : memref<4096x128xf32, #tpu.memory_space<vmem>>, vector<128x128xf32>
    %convert_element_type3A_1785 = arith.truncf %get3A_1784 : vector<128x128xf32> to vector<128x128xbf16>
    %dot_general3A_1786 = arith.constant dense<0.000000e+00> : vector<256x128xf32>
    %dot_general3A_1787 = tpu.matmul %convert_element_type3A_1777, %convert_element_type3A_1781, %dot_general3A_1786 {dimension_numbers = #tpu.dot_dimension_numbers<[1], [0], [0], [1], [0, 0, 1, 1], [], []>, transpose_lhs_hint = false} : vector<256x128xbf16>, vector<128x128xbf16>, vector<256x128xf32> -> vector<256x128xf32>
    %dot_general3A_1788 = arith.constant dense<0.000000e+00> : vector<256x128xf32>
    %dot_general3A_1789 = tpu.matmul %convert_element_type3A_1777, %convert_element_type3A_1785, %dot_general3A_1788 {dimension_numbers = #tpu.dot_dimension_numbers<[1], [0], [0], [1], [0, 0, 1, 1], [], []>, transpose_lhs_hint = false} : vector<256x128xbf16>, vector<128x128xbf16>, vector<256x128xf32> -> vector<256x128xf32>
    %jit3A_1790 = arith.constant 0.000000e+00 : f32
    %broadcast_in_dim3A_1791 = vector.broadcast %jit3A_1790 : f32 to vector<256x128xf32>
    %select_n3A_1792 = arith.select %and3A_55, %dot_general3A_1787, %broadcast_in_dim3A_1791 : vector<256x128xi1>, vector<256x128xf32>
    %reduce_sum3A_1793 = arith.constant dense<0.000000e+00> : vector<128xf32>
    %reduce_sum3A_1794 = vector.multi_reduction <add>, %select_n3A_1792, %reduce_sum3A_1793 [0] : vector<256x128xf32> to vector<128xf32>
    %broadcast_in_dim3A_1795 = vector.shape_cast %reduce_sum3A_1794 : vector<128xf32> to vector<1x128xf32>
    %jit3A_1796 = arith.constant 0.000000e+00 : f32
    %broadcast_in_dim3A_1797 = vector.broadcast %jit3A_1796 : f32 to vector<256x128xf32>
    %select_n3A_1798 = arith.select %and3A_66, %dot_general3A_1789, %broadcast_in_dim3A_1797 : vector<256x128xi1>, vector<256x128xf32>
    %reduce_sum3A_1799 = arith.constant dense<0.000000e+00> : vector<128xf32>
    %reduce_sum3A_1800 = vector.multi_reduction <add>, %select_n3A_1798, %reduce_sum3A_1799 [0] : vector<256x128xf32> to vector<128xf32>
    %broadcast_in_dim3A_1801 = vector.shape_cast %reduce_sum3A_1800 : vector<128xf32> to vector<1x128xf32>
    %slice3A_1802 = vector.extract_strided_slice %get3A_4 {offsets = [3328, 0], sizes = [128, 128], strides = [1, 1]} : vector<4096x128xf32> to vector<128x128xf32>
    %convert_element_type3A_1803 = arith.truncf %slice3A_1802 : vector<128x128xf32> to vector<128x128xbf16>
    %dot_general3A_1804 = arith.constant dense<0.000000e+00> : vector<20x128xf32>
    %dot_general3A_1805 = tpu.matmul %convert_element_type3A, %convert_element_type3A_1803, %dot_general3A_1804 {dimension_numbers = #tpu.dot_dimension_numbers<[1], [0], [0], [1], [0, 0, 1, 1], [], []>, transpose_lhs_hint = false} : vector<20x128xbf16>, vector<128x128xbf16>, vector<20x128xf32> -> vector<20x128xf32>
    %slice3A_1806 = vector.extract_strided_slice %get3A_4 {offsets = [3456, 0], sizes = [128, 128], strides = [1, 1]} : vector<4096x128xf32> to vector<128x128xf32>
    %convert_element_type3A_1807 = arith.truncf %slice3A_1806 : vector<128x128xf32> to vector<128x128xbf16>
    %dot_general3A_1808 = arith.constant dense<0.000000e+00> : vector<20x128xf32>
    %dot_general3A_1809 = tpu.matmul %convert_element_type3A, %convert_element_type3A_1807, %dot_general3A_1808 {dimension_numbers = #tpu.dot_dimension_numbers<[1], [0], [0], [1], [0, 0, 1, 1], [], []>, transpose_lhs_hint = false} : vector<20x128xbf16>, vector<128x128xbf16>, vector<20x128xf32> -> vector<20x128xf32>
    %neg3A_1810 = arith.constant 0.000000e+00 : f32
    %neg3A_1811 = vector.broadcast %neg3A_1810 : f32 to vector<1x128xf32>
    %neg3A_1812 = arith.subf %neg3A_1811, %broadcast_in_dim3A_1795 : vector<1x128xf32>
    %max3A_1813 = arith.constant 0.000000e+00 : f32
    %max3A_1814 = vector.broadcast %max3A_1813 : f32 to vector<1x128xf32>
    %max3A_1815 = arith.maximumf %neg3A_1812, %max3A_1814 : vector<1x128xf32>
    %abs3A_1816 = math.absf %broadcast_in_dim3A_1795 : vector<1x128xf32>
    %neg3A_1817 = arith.constant 0.000000e+00 : f32
    %neg3A_1818 = vector.broadcast %neg3A_1817 : f32 to vector<1x128xf32>
    %neg3A_1819 = arith.subf %neg3A_1818, %abs3A_1816 : vector<1x128xf32>
    %exp3A_1820 = math.exp %neg3A_1819 : vector<1x128xf32>
    %add3A_1821 = arith.constant 1.000000e+00 : f32
    %add3A_1822 = vector.broadcast %add3A_1821 : f32 to vector<1x128xf32>
    %add3A_1823 = arith.addf %add3A_1822, %exp3A_1820 : vector<1x128xf32>
    %log3A_1824 = math.log %add3A_1823 : vector<1x128xf32>
    %add3A_1825 = arith.addf %max3A_1815, %log3A_1824 : vector<1x128xf32>
    %reduce_sum3A_1826 = vector.shape_cast %add3A_1825 : vector<1x128xf32> to vector<1x1x128xf32>
    %reduce_sum3A_1827 = arith.constant dense<0.000000e+00> : vector<1xf32>
    %reduce_sum3A_1828 = vector.multi_reduction <add>, %reduce_sum3A_1826, %reduce_sum3A_1827 [1, 2] : vector<1x1x128xf32> to vector<1xf32>
    %reduce_sum3A_1829 = vector.shape_cast %reduce_sum3A_1828 : vector<1xf32> to vector<1x1x1xf32>
    %reduce_sum3A_1830 = vector.extract %reduce_sum3A_1829[0, 0, 0] : f32 from vector<1x1x1xf32>
    %neg3A_1831 = arith.constant 0.000000e+00 : f32
    %neg3A_1832 = vector.broadcast %neg3A_1831 : f32 to vector<1x128xf32>
    %neg3A_1833 = arith.subf %neg3A_1832, %broadcast_in_dim3A_1801 : vector<1x128xf32>
    %max3A_1834 = arith.constant 0.000000e+00 : f32
    %max3A_1835 = vector.broadcast %max3A_1834 : f32 to vector<1x128xf32>
    %max3A_1836 = arith.maximumf %neg3A_1833, %max3A_1835 : vector<1x128xf32>
    %abs3A_1837 = math.absf %broadcast_in_dim3A_1801 : vector<1x128xf32>
    %neg3A_1838 = arith.constant 0.000000e+00 : f32
    %neg3A_1839 = vector.broadcast %neg3A_1838 : f32 to vector<1x128xf32>
    %neg3A_1840 = arith.subf %neg3A_1839, %abs3A_1837 : vector<1x128xf32>
    %exp3A_1841 = math.exp %neg3A_1840 : vector<1x128xf32>
    %add3A_1842 = arith.constant 1.000000e+00 : f32
    %add3A_1843 = vector.broadcast %add3A_1842 : f32 to vector<1x128xf32>
    %add3A_1844 = arith.addf %add3A_1843, %exp3A_1841 : vector<1x128xf32>
    %log3A_1845 = math.log %add3A_1844 : vector<1x128xf32>
    %add3A_1846 = arith.addf %max3A_1836, %log3A_1845 : vector<1x128xf32>
    %reduce_sum3A_1847 = vector.shape_cast %add3A_1846 : vector<1x128xf32> to vector<1x1x128xf32>
    %reduce_sum3A_1848 = arith.constant dense<0.000000e+00> : vector<1xf32>
    %reduce_sum3A_1849 = vector.multi_reduction <add>, %reduce_sum3A_1847, %reduce_sum3A_1848 [1, 2] : vector<1x1x128xf32> to vector<1xf32>
    %reduce_sum3A_1850 = vector.shape_cast %reduce_sum3A_1849 : vector<1xf32> to vector<1x1x1xf32>
    %reduce_sum3A_1851 = vector.extract %reduce_sum3A_1850[0, 0, 0] : f32 from vector<1x1x1xf32>
    %add3A_1852 = arith.addf %reduce_sum3A_1830, %reduce_sum3A_1851 : f32
    %mul3A_1853 = arith.constant 2.44140625E-4 : f32
    %mul3A_1854 = arith.mulf %add3A_1852, %mul3A_1853 : f32
    %neg3A_1855 = arith.constant 0.000000e+00 : f32
    %neg3A_1856 = vector.broadcast %neg3A_1855 : f32 to vector<20x128xf32>
    %neg3A_1857 = arith.subf %neg3A_1856, %dot_general3A_1805 : vector<20x128xf32>
    %neg3A_1858 = arith.constant 0.000000e+00 : f32
    %neg3A_1859 = vector.broadcast %neg3A_1858 : f32 to vector<20x128xf32>
    %neg3A_1860 = arith.subf %neg3A_1859, %neg3A_1857 : vector<20x128xf32>
    %max3A_1861 = arith.constant 0.000000e+00 : f32
    %max3A_1862 = vector.broadcast %max3A_1861 : f32 to vector<20x128xf32>
    %max3A_1863 = arith.maximumf %neg3A_1860, %max3A_1862 : vector<20x128xf32>
    %abs3A_1864 = math.absf %neg3A_1857 : vector<20x128xf32>
    %neg3A_1865 = arith.constant 0.000000e+00 : f32
    %neg3A_1866 = vector.broadcast %neg3A_1865 : f32 to vector<20x128xf32>
    %neg3A_1867 = arith.subf %neg3A_1866, %abs3A_1864 : vector<20x128xf32>
    %exp3A_1868 = math.exp %neg3A_1867 : vector<20x128xf32>
    %add3A_1869 = arith.constant 1.000000e+00 : f32
    %add3A_1870 = vector.broadcast %add3A_1869 : f32 to vector<20x128xf32>
    %add3A_1871 = arith.addf %add3A_1870, %exp3A_1868 : vector<20x128xf32>
    %log3A_1872 = math.log %add3A_1871 : vector<20x128xf32>
    %add3A_1873 = arith.addf %max3A_1863, %log3A_1872 : vector<20x128xf32>
    %reduce_sum3A_1874 = vector.shape_cast %add3A_1873 : vector<20x128xf32> to vector<1x20x128xf32>
    %reduce_sum3A_1875 = arith.constant dense<0.000000e+00> : vector<1xf32>
    %reduce_sum3A_1876 = vector.multi_reduction <add>, %reduce_sum3A_1874, %reduce_sum3A_1875 [1, 2] : vector<1x20x128xf32> to vector<1xf32>
    %reduce_sum3A_1877 = vector.shape_cast %reduce_sum3A_1876 : vector<1xf32> to vector<1x1x1xf32>
    %reduce_sum3A_1878 = vector.extract %reduce_sum3A_1877[0, 0, 0] : f32 from vector<1x1x1xf32>
    %add3A_1879 = arith.addf %mul3A_1854, %reduce_sum3A_1878 : f32
    %neg3A_1880 = arith.constant 0.000000e+00 : f32
    %neg3A_1881 = vector.broadcast %neg3A_1880 : f32 to vector<20x128xf32>
    %neg3A_1882 = arith.subf %neg3A_1881, %dot_general3A_1809 : vector<20x128xf32>
    %neg3A_1883 = arith.constant 0.000000e+00 : f32
    %neg3A_1884 = vector.broadcast %neg3A_1883 : f32 to vector<20x128xf32>
    %neg3A_1885 = arith.subf %neg3A_1884, %neg3A_1882 : vector<20x128xf32>
    %max3A_1886 = arith.constant 0.000000e+00 : f32
    %max3A_1887 = vector.broadcast %max3A_1886 : f32 to vector<20x128xf32>
    %max3A_1888 = arith.maximumf %neg3A_1885, %max3A_1887 : vector<20x128xf32>
    %abs3A_1889 = math.absf %neg3A_1882 : vector<20x128xf32>
    %neg3A_1890 = arith.constant 0.000000e+00 : f32
    %neg3A_1891 = vector.broadcast %neg3A_1890 : f32 to vector<20x128xf32>
    %neg3A_1892 = arith.subf %neg3A_1891, %abs3A_1889 : vector<20x128xf32>
    %exp3A_1893 = math.exp %neg3A_1892 : vector<20x128xf32>
    %add3A_1894 = arith.constant 1.000000e+00 : f32
    %add3A_1895 = vector.broadcast %add3A_1894 : f32 to vector<20x128xf32>
    %add3A_1896 = arith.addf %add3A_1895, %exp3A_1893 : vector<20x128xf32>
    %log3A_1897 = math.log %add3A_1896 : vector<20x128xf32>
    %add3A_1898 = arith.addf %max3A_1888, %log3A_1897 : vector<20x128xf32>
    %reduce_sum3A_1899 = vector.shape_cast %add3A_1898 : vector<20x128xf32> to vector<1x20x128xf32>
    %reduce_sum3A_1900 = arith.constant dense<0.000000e+00> : vector<1xf32>
    %reduce_sum3A_1901 = vector.multi_reduction <add>, %reduce_sum3A_1899, %reduce_sum3A_1900 [1, 2] : vector<1x20x128xf32> to vector<1xf32>
    %reduce_sum3A_1902 = vector.shape_cast %reduce_sum3A_1901 : vector<1xf32> to vector<1x1x1xf32>
    %reduce_sum3A_1903 = vector.extract %reduce_sum3A_1902[0, 0, 0] : f32 from vector<1x1x1xf32>
    %add3A_1904 = arith.addf %add3A_1879, %reduce_sum3A_1903 : f32
    %add3A_1905 = arith.addf %add3A_1773, %add3A_1904 : f32
    %slice3A_1906 = vector.extract_strided_slice %reshape3A {offsets = [0, 14, 0, 0], sizes = [32, 1, 8, 128], strides = [1, 1, 1, 1]} : vector<32x16x8x128xf32> to vector<32x1x8x128xf32>
    %squeeze3A_1907 = vector.shape_cast %slice3A_1906 : vector<32x1x8x128xf32> to vector<32x8x128xf32>
    %reshape3A_1908 = vector.shape_cast %squeeze3A_1907 : vector<32x8x128xf32> to vector<256x128xf32>
    %convert_element_type3A_1909 = arith.truncf %reshape3A_1908 : vector<256x128xf32> to vector<256x128xbf16>
    %get3A_1910 = arith.constant 3584 : index
    %get3A_1911 = arith.constant 0 : index
    %get3A_1912 = vector.load %arg1[%get3A_1910, %get3A_1911] : memref<4096x128xf32, #tpu.memory_space<vmem>>, vector<128x128xf32>
    %convert_element_type3A_1913 = arith.truncf %get3A_1912 : vector<128x128xf32> to vector<128x128xbf16>
    %get3A_1914 = arith.constant 3712 : index
    %get3A_1915 = arith.constant 0 : index
    %get3A_1916 = vector.load %arg1[%get3A_1914, %get3A_1915] : memref<4096x128xf32, #tpu.memory_space<vmem>>, vector<128x128xf32>
    %convert_element_type3A_1917 = arith.truncf %get3A_1916 : vector<128x128xf32> to vector<128x128xbf16>
    %dot_general3A_1918 = arith.constant dense<0.000000e+00> : vector<256x128xf32>
    %dot_general3A_1919 = tpu.matmul %convert_element_type3A_1909, %convert_element_type3A_1913, %dot_general3A_1918 {dimension_numbers = #tpu.dot_dimension_numbers<[1], [0], [0], [1], [0, 0, 1, 1], [], []>, transpose_lhs_hint = false} : vector<256x128xbf16>, vector<128x128xbf16>, vector<256x128xf32> -> vector<256x128xf32>
    %dot_general3A_1920 = arith.constant dense<0.000000e+00> : vector<256x128xf32>
    %dot_general3A_1921 = tpu.matmul %convert_element_type3A_1909, %convert_element_type3A_1917, %dot_general3A_1920 {dimension_numbers = #tpu.dot_dimension_numbers<[1], [0], [0], [1], [0, 0, 1, 1], [], []>, transpose_lhs_hint = false} : vector<256x128xbf16>, vector<128x128xbf16>, vector<256x128xf32> -> vector<256x128xf32>
    %jit3A_1922 = arith.constant 0.000000e+00 : f32
    %broadcast_in_dim3A_1923 = vector.broadcast %jit3A_1922 : f32 to vector<256x128xf32>
    %select_n3A_1924 = arith.select %and3A_55, %dot_general3A_1919, %broadcast_in_dim3A_1923 : vector<256x128xi1>, vector<256x128xf32>
    %reduce_sum3A_1925 = arith.constant dense<0.000000e+00> : vector<128xf32>
    %reduce_sum3A_1926 = vector.multi_reduction <add>, %select_n3A_1924, %reduce_sum3A_1925 [0] : vector<256x128xf32> to vector<128xf32>
    %broadcast_in_dim3A_1927 = vector.shape_cast %reduce_sum3A_1926 : vector<128xf32> to vector<1x128xf32>
    %jit3A_1928 = arith.constant 0.000000e+00 : f32
    %broadcast_in_dim3A_1929 = vector.broadcast %jit3A_1928 : f32 to vector<256x128xf32>
    %select_n3A_1930 = arith.select %and3A_66, %dot_general3A_1921, %broadcast_in_dim3A_1929 : vector<256x128xi1>, vector<256x128xf32>
    %reduce_sum3A_1931 = arith.constant dense<0.000000e+00> : vector<128xf32>
    %reduce_sum3A_1932 = vector.multi_reduction <add>, %select_n3A_1930, %reduce_sum3A_1931 [0] : vector<256x128xf32> to vector<128xf32>
    %broadcast_in_dim3A_1933 = vector.shape_cast %reduce_sum3A_1932 : vector<128xf32> to vector<1x128xf32>
    %slice3A_1934 = vector.extract_strided_slice %get3A_4 {offsets = [3584, 0], sizes = [128, 128], strides = [1, 1]} : vector<4096x128xf32> to vector<128x128xf32>
    %convert_element_type3A_1935 = arith.truncf %slice3A_1934 : vector<128x128xf32> to vector<128x128xbf16>
    %dot_general3A_1936 = arith.constant dense<0.000000e+00> : vector<20x128xf32>
    %dot_general3A_1937 = tpu.matmul %convert_element_type3A, %convert_element_type3A_1935, %dot_general3A_1936 {dimension_numbers = #tpu.dot_dimension_numbers<[1], [0], [0], [1], [0, 0, 1, 1], [], []>, transpose_lhs_hint = false} : vector<20x128xbf16>, vector<128x128xbf16>, vector<20x128xf32> -> vector<20x128xf32>
    %slice3A_1938 = vector.extract_strided_slice %get3A_4 {offsets = [3712, 0], sizes = [128, 128], strides = [1, 1]} : vector<4096x128xf32> to vector<128x128xf32>
    %convert_element_type3A_1939 = arith.truncf %slice3A_1938 : vector<128x128xf32> to vector<128x128xbf16>
    %dot_general3A_1940 = arith.constant dense<0.000000e+00> : vector<20x128xf32>
    %dot_general3A_1941 = tpu.matmul %convert_element_type3A, %convert_element_type3A_1939, %dot_general3A_1940 {dimension_numbers = #tpu.dot_dimension_numbers<[1], [0], [0], [1], [0, 0, 1, 1], [], []>, transpose_lhs_hint = false} : vector<20x128xbf16>, vector<128x128xbf16>, vector<20x128xf32> -> vector<20x128xf32>
    %neg3A_1942 = arith.constant 0.000000e+00 : f32
    %neg3A_1943 = vector.broadcast %neg3A_1942 : f32 to vector<1x128xf32>
    %neg3A_1944 = arith.subf %neg3A_1943, %broadcast_in_dim3A_1927 : vector<1x128xf32>
    %max3A_1945 = arith.constant 0.000000e+00 : f32
    %max3A_1946 = vector.broadcast %max3A_1945 : f32 to vector<1x128xf32>
    %max3A_1947 = arith.maximumf %neg3A_1944, %max3A_1946 : vector<1x128xf32>
    %abs3A_1948 = math.absf %broadcast_in_dim3A_1927 : vector<1x128xf32>
    %neg3A_1949 = arith.constant 0.000000e+00 : f32
    %neg3A_1950 = vector.broadcast %neg3A_1949 : f32 to vector<1x128xf32>
    %neg3A_1951 = arith.subf %neg3A_1950, %abs3A_1948 : vector<1x128xf32>
    %exp3A_1952 = math.exp %neg3A_1951 : vector<1x128xf32>
    %add3A_1953 = arith.constant 1.000000e+00 : f32
    %add3A_1954 = vector.broadcast %add3A_1953 : f32 to vector<1x128xf32>
    %add3A_1955 = arith.addf %add3A_1954, %exp3A_1952 : vector<1x128xf32>
    %log3A_1956 = math.log %add3A_1955 : vector<1x128xf32>
    %add3A_1957 = arith.addf %max3A_1947, %log3A_1956 : vector<1x128xf32>
    %reduce_sum3A_1958 = vector.shape_cast %add3A_1957 : vector<1x128xf32> to vector<1x1x128xf32>
    %reduce_sum3A_1959 = arith.constant dense<0.000000e+00> : vector<1xf32>
    %reduce_sum3A_1960 = vector.multi_reduction <add>, %reduce_sum3A_1958, %reduce_sum3A_1959 [1, 2] : vector<1x1x128xf32> to vector<1xf32>
    %reduce_sum3A_1961 = vector.shape_cast %reduce_sum3A_1960 : vector<1xf32> to vector<1x1x1xf32>
    %reduce_sum3A_1962 = vector.extract %reduce_sum3A_1961[0, 0, 0] : f32 from vector<1x1x1xf32>
    %neg3A_1963 = arith.constant 0.000000e+00 : f32
    %neg3A_1964 = vector.broadcast %neg3A_1963 : f32 to vector<1x128xf32>
    %neg3A_1965 = arith.subf %neg3A_1964, %broadcast_in_dim3A_1933 : vector<1x128xf32>
    %max3A_1966 = arith.constant 0.000000e+00 : f32
    %max3A_1967 = vector.broadcast %max3A_1966 : f32 to vector<1x128xf32>
    %max3A_1968 = arith.maximumf %neg3A_1965, %max3A_1967 : vector<1x128xf32>
    %abs3A_1969 = math.absf %broadcast_in_dim3A_1933 : vector<1x128xf32>
    %neg3A_1970 = arith.constant 0.000000e+00 : f32
    %neg3A_1971 = vector.broadcast %neg3A_1970 : f32 to vector<1x128xf32>
    %neg3A_1972 = arith.subf %neg3A_1971, %abs3A_1969 : vector<1x128xf32>
    %exp3A_1973 = math.exp %neg3A_1972 : vector<1x128xf32>
    %add3A_1974 = arith.constant 1.000000e+00 : f32
    %add3A_1975 = vector.broadcast %add3A_1974 : f32 to vector<1x128xf32>
    %add3A_1976 = arith.addf %add3A_1975, %exp3A_1973 : vector<1x128xf32>
    %log3A_1977 = math.log %add3A_1976 : vector<1x128xf32>
    %add3A_1978 = arith.addf %max3A_1968, %log3A_1977 : vector<1x128xf32>
    %reduce_sum3A_1979 = vector.shape_cast %add3A_1978 : vector<1x128xf32> to vector<1x1x128xf32>
    %reduce_sum3A_1980 = arith.constant dense<0.000000e+00> : vector<1xf32>
    %reduce_sum3A_1981 = vector.multi_reduction <add>, %reduce_sum3A_1979, %reduce_sum3A_1980 [1, 2] : vector<1x1x128xf32> to vector<1xf32>
    %reduce_sum3A_1982 = vector.shape_cast %reduce_sum3A_1981 : vector<1xf32> to vector<1x1x1xf32>
    %reduce_sum3A_1983 = vector.extract %reduce_sum3A_1982[0, 0, 0] : f32 from vector<1x1x1xf32>
    %add3A_1984 = arith.addf %reduce_sum3A_1962, %reduce_sum3A_1983 : f32
    %mul3A_1985 = arith.constant 2.44140625E-4 : f32
    %mul3A_1986 = arith.mulf %add3A_1984, %mul3A_1985 : f32
    %neg3A_1987 = arith.constant 0.000000e+00 : f32
    %neg3A_1988 = vector.broadcast %neg3A_1987 : f32 to vector<20x128xf32>
    %neg3A_1989 = arith.subf %neg3A_1988, %dot_general3A_1937 : vector<20x128xf32>
    %neg3A_1990 = arith.constant 0.000000e+00 : f32
    %neg3A_1991 = vector.broadcast %neg3A_1990 : f32 to vector<20x128xf32>
    %neg3A_1992 = arith.subf %neg3A_1991, %neg3A_1989 : vector<20x128xf32>
    %max3A_1993 = arith.constant 0.000000e+00 : f32
    %max3A_1994 = vector.broadcast %max3A_1993 : f32 to vector<20x128xf32>
    %max3A_1995 = arith.maximumf %neg3A_1992, %max3A_1994 : vector<20x128xf32>
    %abs3A_1996 = math.absf %neg3A_1989 : vector<20x128xf32>
    %neg3A_1997 = arith.constant 0.000000e+00 : f32
    %neg3A_1998 = vector.broadcast %neg3A_1997 : f32 to vector<20x128xf32>
    %neg3A_1999 = arith.subf %neg3A_1998, %abs3A_1996 : vector<20x128xf32>
    %exp3A_2000 = math.exp %neg3A_1999 : vector<20x128xf32>
    %add3A_2001 = arith.constant 1.000000e+00 : f32
    %add3A_2002 = vector.broadcast %add3A_2001 : f32 to vector<20x128xf32>
    %add3A_2003 = arith.addf %add3A_2002, %exp3A_2000 : vector<20x128xf32>
    %log3A_2004 = math.log %add3A_2003 : vector<20x128xf32>
    %add3A_2005 = arith.addf %max3A_1995, %log3A_2004 : vector<20x128xf32>
    %reduce_sum3A_2006 = vector.shape_cast %add3A_2005 : vector<20x128xf32> to vector<1x20x128xf32>
    %reduce_sum3A_2007 = arith.constant dense<0.000000e+00> : vector<1xf32>
    %reduce_sum3A_2008 = vector.multi_reduction <add>, %reduce_sum3A_2006, %reduce_sum3A_2007 [1, 2] : vector<1x20x128xf32> to vector<1xf32>
    %reduce_sum3A_2009 = vector.shape_cast %reduce_sum3A_2008 : vector<1xf32> to vector<1x1x1xf32>
    %reduce_sum3A_2010 = vector.extract %reduce_sum3A_2009[0, 0, 0] : f32 from vector<1x1x1xf32>
    %add3A_2011 = arith.addf %mul3A_1986, %reduce_sum3A_2010 : f32
    %neg3A_2012 = arith.constant 0.000000e+00 : f32
    %neg3A_2013 = vector.broadcast %neg3A_2012 : f32 to vector<20x128xf32>
    %neg3A_2014 = arith.subf %neg3A_2013, %dot_general3A_1941 : vector<20x128xf32>
    %neg3A_2015 = arith.constant 0.000000e+00 : f32
    %neg3A_2016 = vector.broadcast %neg3A_2015 : f32 to vector<20x128xf32>
    %neg3A_2017 = arith.subf %neg3A_2016, %neg3A_2014 : vector<20x128xf32>
    %max3A_2018 = arith.constant 0.000000e+00 : f32
    %max3A_2019 = vector.broadcast %max3A_2018 : f32 to vector<20x128xf32>
    %max3A_2020 = arith.maximumf %neg3A_2017, %max3A_2019 : vector<20x128xf32>
    %abs3A_2021 = math.absf %neg3A_2014 : vector<20x128xf32>
    %neg3A_2022 = arith.constant 0.000000e+00 : f32
    %neg3A_2023 = vector.broadcast %neg3A_2022 : f32 to vector<20x128xf32>
    %neg3A_2024 = arith.subf %neg3A_2023, %abs3A_2021 : vector<20x128xf32>
    %exp3A_2025 = math.exp %neg3A_2024 : vector<20x128xf32>
    %add3A_2026 = arith.constant 1.000000e+00 : f32
    %add3A_2027 = vector.broadcast %add3A_2026 : f32 to vector<20x128xf32>
    %add3A_2028 = arith.addf %add3A_2027, %exp3A_2025 : vector<20x128xf32>
    %log3A_2029 = math.log %add3A_2028 : vector<20x128xf32>
    %add3A_2030 = arith.addf %max3A_2020, %log3A_2029 : vector<20x128xf32>
    %reduce_sum3A_2031 = vector.shape_cast %add3A_2030 : vector<20x128xf32> to vector<1x20x128xf32>
    %reduce_sum3A_2032 = arith.constant dense<0.000000e+00> : vector<1xf32>
    %reduce_sum3A_2033 = vector.multi_reduction <add>, %reduce_sum3A_2031, %reduce_sum3A_2032 [1, 2] : vector<1x20x128xf32> to vector<1xf32>
    %reduce_sum3A_2034 = vector.shape_cast %reduce_sum3A_2033 : vector<1xf32> to vector<1x1x1xf32>
    %reduce_sum3A_2035 = vector.extract %reduce_sum3A_2034[0, 0, 0] : f32 from vector<1x1x1xf32>
    %add3A_2036 = arith.addf %add3A_2011, %reduce_sum3A_2035 : f32
    %add3A_2037 = arith.addf %add3A_1905, %add3A_2036 : f32
    %slice3A_2038 = vector.extract_strided_slice %reshape3A {offsets = [0, 15, 0, 0], sizes = [32, 1, 8, 128], strides = [1, 1, 1, 1]} : vector<32x16x8x128xf32> to vector<32x1x8x128xf32>
    %squeeze3A_2039 = vector.shape_cast %slice3A_2038 : vector<32x1x8x128xf32> to vector<32x8x128xf32>
    %reshape3A_2040 = vector.shape_cast %squeeze3A_2039 : vector<32x8x128xf32> to vector<256x128xf32>
    %convert_element_type3A_2041 = arith.truncf %reshape3A_2040 : vector<256x128xf32> to vector<256x128xbf16>
    %get3A_2042 = arith.constant 3840 : index
    %get3A_2043 = arith.constant 0 : index
    %get3A_2044 = vector.load %arg1[%get3A_2042, %get3A_2043] : memref<4096x128xf32, #tpu.memory_space<vmem>>, vector<128x128xf32>
    %convert_element_type3A_2045 = arith.truncf %get3A_2044 : vector<128x128xf32> to vector<128x128xbf16>
    %get3A_2046 = arith.constant 3968 : index
    %get3A_2047 = arith.constant 0 : index
    %get3A_2048 = vector.load %arg1[%get3A_2046, %get3A_2047] : memref<4096x128xf32, #tpu.memory_space<vmem>>, vector<128x128xf32>
    %convert_element_type3A_2049 = arith.truncf %get3A_2048 : vector<128x128xf32> to vector<128x128xbf16>
    %dot_general3A_2050 = arith.constant dense<0.000000e+00> : vector<256x128xf32>
    %dot_general3A_2051 = tpu.matmul %convert_element_type3A_2041, %convert_element_type3A_2045, %dot_general3A_2050 {dimension_numbers = #tpu.dot_dimension_numbers<[1], [0], [0], [1], [0, 0, 1, 1], [], []>, transpose_lhs_hint = false} : vector<256x128xbf16>, vector<128x128xbf16>, vector<256x128xf32> -> vector<256x128xf32>
    %dot_general3A_2052 = arith.constant dense<0.000000e+00> : vector<256x128xf32>
    %dot_general3A_2053 = tpu.matmul %convert_element_type3A_2041, %convert_element_type3A_2049, %dot_general3A_2052 {dimension_numbers = #tpu.dot_dimension_numbers<[1], [0], [0], [1], [0, 0, 1, 1], [], []>, transpose_lhs_hint = false} : vector<256x128xbf16>, vector<128x128xbf16>, vector<256x128xf32> -> vector<256x128xf32>
    %jit3A_2054 = arith.constant 0.000000e+00 : f32
    %broadcast_in_dim3A_2055 = vector.broadcast %jit3A_2054 : f32 to vector<256x128xf32>
    %select_n3A_2056 = arith.select %and3A_55, %dot_general3A_2051, %broadcast_in_dim3A_2055 : vector<256x128xi1>, vector<256x128xf32>
    %reduce_sum3A_2057 = arith.constant dense<0.000000e+00> : vector<128xf32>
    %reduce_sum3A_2058 = vector.multi_reduction <add>, %select_n3A_2056, %reduce_sum3A_2057 [0] : vector<256x128xf32> to vector<128xf32>
    %broadcast_in_dim3A_2059 = vector.shape_cast %reduce_sum3A_2058 : vector<128xf32> to vector<1x128xf32>
    %jit3A_2060 = arith.constant 0.000000e+00 : f32
    %broadcast_in_dim3A_2061 = vector.broadcast %jit3A_2060 : f32 to vector<256x128xf32>
    %select_n3A_2062 = arith.select %and3A_66, %dot_general3A_2053, %broadcast_in_dim3A_2061 : vector<256x128xi1>, vector<256x128xf32>
    %reduce_sum3A_2063 = arith.constant dense<0.000000e+00> : vector<128xf32>
    %reduce_sum3A_2064 = vector.multi_reduction <add>, %select_n3A_2062, %reduce_sum3A_2063 [0] : vector<256x128xf32> to vector<128xf32>
    %broadcast_in_dim3A_2065 = vector.shape_cast %reduce_sum3A_2064 : vector<128xf32> to vector<1x128xf32>
    %slice3A_2066 = vector.extract_strided_slice %get3A_4 {offsets = [3840, 0], sizes = [128, 128], strides = [1, 1]} : vector<4096x128xf32> to vector<128x128xf32>
    %convert_element_type3A_2067 = arith.truncf %slice3A_2066 : vector<128x128xf32> to vector<128x128xbf16>
    %dot_general3A_2068 = arith.constant dense<0.000000e+00> : vector<20x128xf32>
    %dot_general3A_2069 = tpu.matmul %convert_element_type3A, %convert_element_type3A_2067, %dot_general3A_2068 {dimension_numbers = #tpu.dot_dimension_numbers<[1], [0], [0], [1], [0, 0, 1, 1], [], []>, transpose_lhs_hint = false} : vector<20x128xbf16>, vector<128x128xbf16>, vector<20x128xf32> -> vector<20x128xf32>
    %slice3A_2070 = vector.extract_strided_slice %get3A_4 {offsets = [3968, 0], sizes = [128, 128], strides = [1, 1]} : vector<4096x128xf32> to vector<128x128xf32>
    %convert_element_type3A_2071 = arith.truncf %slice3A_2070 : vector<128x128xf32> to vector<128x128xbf16>
    %dot_general3A_2072 = arith.constant dense<0.000000e+00> : vector<20x128xf32>
    %dot_general3A_2073 = tpu.matmul %convert_element_type3A, %convert_element_type3A_2071, %dot_general3A_2072 {dimension_numbers = #tpu.dot_dimension_numbers<[1], [0], [0], [1], [0, 0, 1, 1], [], []>, transpose_lhs_hint = false} : vector<20x128xbf16>, vector<128x128xbf16>, vector<20x128xf32> -> vector<20x128xf32>
    %neg3A_2074 = arith.constant 0.000000e+00 : f32
    %neg3A_2075 = vector.broadcast %neg3A_2074 : f32 to vector<1x128xf32>
    %neg3A_2076 = arith.subf %neg3A_2075, %broadcast_in_dim3A_2059 : vector<1x128xf32>
    %max3A_2077 = arith.constant 0.000000e+00 : f32
    %max3A_2078 = vector.broadcast %max3A_2077 : f32 to vector<1x128xf32>
    %max3A_2079 = arith.maximumf %neg3A_2076, %max3A_2078 : vector<1x128xf32>
    %abs3A_2080 = math.absf %broadcast_in_dim3A_2059 : vector<1x128xf32>
    %neg3A_2081 = arith.constant 0.000000e+00 : f32
    %neg3A_2082 = vector.broadcast %neg3A_2081 : f32 to vector<1x128xf32>
    %neg3A_2083 = arith.subf %neg3A_2082, %abs3A_2080 : vector<1x128xf32>
    %exp3A_2084 = math.exp %neg3A_2083 : vector<1x128xf32>
    %add3A_2085 = arith.constant 1.000000e+00 : f32
    %add3A_2086 = vector.broadcast %add3A_2085 : f32 to vector<1x128xf32>
    %add3A_2087 = arith.addf %add3A_2086, %exp3A_2084 : vector<1x128xf32>
    %log3A_2088 = math.log %add3A_2087 : vector<1x128xf32>
    %add3A_2089 = arith.addf %max3A_2079, %log3A_2088 : vector<1x128xf32>
    %reduce_sum3A_2090 = vector.shape_cast %add3A_2089 : vector<1x128xf32> to vector<1x1x128xf32>
    %reduce_sum3A_2091 = arith.constant dense<0.000000e+00> : vector<1xf32>
    %reduce_sum3A_2092 = vector.multi_reduction <add>, %reduce_sum3A_2090, %reduce_sum3A_2091 [1, 2] : vector<1x1x128xf32> to vector<1xf32>
    %reduce_sum3A_2093 = vector.shape_cast %reduce_sum3A_2092 : vector<1xf32> to vector<1x1x1xf32>
    %reduce_sum3A_2094 = vector.extract %reduce_sum3A_2093[0, 0, 0] : f32 from vector<1x1x1xf32>
    %neg3A_2095 = arith.constant 0.000000e+00 : f32
    %neg3A_2096 = vector.broadcast %neg3A_2095 : f32 to vector<1x128xf32>
    %neg3A_2097 = arith.subf %neg3A_2096, %broadcast_in_dim3A_2065 : vector<1x128xf32>
    %max3A_2098 = arith.constant 0.000000e+00 : f32
    %max3A_2099 = vector.broadcast %max3A_2098 : f32 to vector<1x128xf32>
    %max3A_2100 = arith.maximumf %neg3A_2097, %max3A_2099 : vector<1x128xf32>
    %abs3A_2101 = math.absf %broadcast_in_dim3A_2065 : vector<1x128xf32>
    %neg3A_2102 = arith.constant 0.000000e+00 : f32
    %neg3A_2103 = vector.broadcast %neg3A_2102 : f32 to vector<1x128xf32>
    %neg3A_2104 = arith.subf %neg3A_2103, %abs3A_2101 : vector<1x128xf32>
    %exp3A_2105 = math.exp %neg3A_2104 : vector<1x128xf32>
    %add3A_2106 = arith.constant 1.000000e+00 : f32
    %add3A_2107 = vector.broadcast %add3A_2106 : f32 to vector<1x128xf32>
    %add3A_2108 = arith.addf %add3A_2107, %exp3A_2105 : vector<1x128xf32>
    %log3A_2109 = math.log %add3A_2108 : vector<1x128xf32>
    %add3A_2110 = arith.addf %max3A_2100, %log3A_2109 : vector<1x128xf32>
    %reduce_sum3A_2111 = vector.shape_cast %add3A_2110 : vector<1x128xf32> to vector<1x1x128xf32>
    %reduce_sum3A_2112 = arith.constant dense<0.000000e+00> : vector<1xf32>
    %reduce_sum3A_2113 = vector.multi_reduction <add>, %reduce_sum3A_2111, %reduce_sum3A_2112 [1, 2] : vector<1x1x128xf32> to vector<1xf32>
    %reduce_sum3A_2114 = vector.shape_cast %reduce_sum3A_2113 : vector<1xf32> to vector<1x1x1xf32>
    %reduce_sum3A_2115 = vector.extract %reduce_sum3A_2114[0, 0, 0] : f32 from vector<1x1x1xf32>
    %add3A_2116 = arith.addf %reduce_sum3A_2094, %reduce_sum3A_2115 : f32
    %mul3A_2117 = arith.constant 2.44140625E-4 : f32
    %mul3A_2118 = arith.mulf %add3A_2116, %mul3A_2117 : f32
    %neg3A_2119 = arith.constant 0.000000e+00 : f32
    %neg3A_2120 = vector.broadcast %neg3A_2119 : f32 to vector<20x128xf32>
    %neg3A_2121 = arith.subf %neg3A_2120, %dot_general3A_2069 : vector<20x128xf32>
    %neg3A_2122 = arith.constant 0.000000e+00 : f32
    %neg3A_2123 = vector.broadcast %neg3A_2122 : f32 to vector<20x128xf32>
    %neg3A_2124 = arith.subf %neg3A_2123, %neg3A_2121 : vector<20x128xf32>
    %max3A_2125 = arith.constant 0.000000e+00 : f32
    %max3A_2126 = vector.broadcast %max3A_2125 : f32 to vector<20x128xf32>
    %max3A_2127 = arith.maximumf %neg3A_2124, %max3A_2126 : vector<20x128xf32>
    %abs3A_2128 = math.absf %neg3A_2121 : vector<20x128xf32>
    %neg3A_2129 = arith.constant 0.000000e+00 : f32
    %neg3A_2130 = vector.broadcast %neg3A_2129 : f32 to vector<20x128xf32>
    %neg3A_2131 = arith.subf %neg3A_2130, %abs3A_2128 : vector<20x128xf32>
    %exp3A_2132 = math.exp %neg3A_2131 : vector<20x128xf32>
    %add3A_2133 = arith.constant 1.000000e+00 : f32
    %add3A_2134 = vector.broadcast %add3A_2133 : f32 to vector<20x128xf32>
    %add3A_2135 = arith.addf %add3A_2134, %exp3A_2132 : vector<20x128xf32>
    %log3A_2136 = math.log %add3A_2135 : vector<20x128xf32>
    %add3A_2137 = arith.addf %max3A_2127, %log3A_2136 : vector<20x128xf32>
    %reduce_sum3A_2138 = vector.shape_cast %add3A_2137 : vector<20x128xf32> to vector<1x20x128xf32>
    %reduce_sum3A_2139 = arith.constant dense<0.000000e+00> : vector<1xf32>
    %reduce_sum3A_2140 = vector.multi_reduction <add>, %reduce_sum3A_2138, %reduce_sum3A_2139 [1, 2] : vector<1x20x128xf32> to vector<1xf32>
    %reduce_sum3A_2141 = vector.shape_cast %reduce_sum3A_2140 : vector<1xf32> to vector<1x1x1xf32>
    %reduce_sum3A_2142 = vector.extract %reduce_sum3A_2141[0, 0, 0] : f32 from vector<1x1x1xf32>
    %add3A_2143 = arith.addf %mul3A_2118, %reduce_sum3A_2142 : f32
    %neg3A_2144 = arith.constant 0.000000e+00 : f32
    %neg3A_2145 = vector.broadcast %neg3A_2144 : f32 to vector<20x128xf32>
    %neg3A_2146 = arith.subf %neg3A_2145, %dot_general3A_2073 : vector<20x128xf32>
    %neg3A_2147 = arith.constant 0.000000e+00 : f32
    %neg3A_2148 = vector.broadcast %neg3A_2147 : f32 to vector<20x128xf32>
    %neg3A_2149 = arith.subf %neg3A_2148, %neg3A_2146 : vector<20x128xf32>
    %max3A_2150 = arith.constant 0.000000e+00 : f32
    %max3A_2151 = vector.broadcast %max3A_2150 : f32 to vector<20x128xf32>
    %max3A_2152 = arith.maximumf %neg3A_2149, %max3A_2151 : vector<20x128xf32>
    %abs3A_2153 = math.absf %neg3A_2146 : vector<20x128xf32>
    %neg3A_2154 = arith.constant 0.000000e+00 : f32
    %neg3A_2155 = vector.broadcast %neg3A_2154 : f32 to vector<20x128xf32>
    %neg3A_2156 = arith.subf %neg3A_2155, %abs3A_2153 : vector<20x128xf32>
    %exp3A_2157 = math.exp %neg3A_2156 : vector<20x128xf32>
    %add3A_2158 = arith.constant 1.000000e+00 : f32
    %add3A_2159 = vector.broadcast %add3A_2158 : f32 to vector<20x128xf32>
    %add3A_2160 = arith.addf %add3A_2159, %exp3A_2157 : vector<20x128xf32>
    %log3A_2161 = math.log %add3A_2160 : vector<20x128xf32>
    %add3A_2162 = arith.addf %max3A_2152, %log3A_2161 : vector<20x128xf32>
    %reduce_sum3A_2163 = vector.shape_cast %add3A_2162 : vector<20x128xf32> to vector<1x20x128xf32>
    %reduce_sum3A_2164 = arith.constant dense<0.000000e+00> : vector<1xf32>
    %reduce_sum3A_2165 = vector.multi_reduction <add>, %reduce_sum3A_2163, %reduce_sum3A_2164 [1, 2] : vector<1x20x128xf32> to vector<1xf32>
    %reduce_sum3A_2166 = vector.shape_cast %reduce_sum3A_2165 : vector<1xf32> to vector<1x1x1xf32>
    %reduce_sum3A_2167 = vector.extract %reduce_sum3A_2166[0, 0, 0] : f32 from vector<1x1x1xf32>
    %add3A_2168 = arith.addf %add3A_2143, %reduce_sum3A_2167 : f32
    %add3A_2169 = arith.addf %add3A_2037, %add3A_2168 : f32
    %swap3A = arith.constant 0 : index
    %swap3A_2170 = arith.constant 0 : index
    %swap3A_2171 = memref.load %arg3[%swap3A, %swap3A_2170] : memref<1x1xf32, #tpu.memory_space<smem>>
    memref.store %add3A_2169, %arg3[%swap3A, %swap3A_2170] : memref<1x1xf32, #tpu.memory_space<smem>>
    return
  }
}

</mosaic_0001>

<sc_bundles>
// kernel: kernel.4.cloned.1.call-start
scs
__scs_entry_jumppad:
0x0: {  	(pc) =	sbr.rel $0x88, $3  }
0x1: {  	(tag) =	ssettag $0x0;
	lr =	simm.s32 $0x1  }
0x2: {  	[smem:$0x3F9C] =	sst lr;
	_ =	strace $0xD0000000  }
0x3: {  	_ = 	snop  }
0x4: {  	_ = 	snop  }
0x5: {  	_ = 	snop  }
0x6: {  	_ = 	snop  }
0x7: {  	_ = 	snop  }
__scs_overlays_trampoline_lowered:
0x8: {  	[smem:$0x3FAB] =	sst s0  }
0x9: {  	[smem:$0x3FAC] =	sst s1  }
0xa: {  	[smem:$0x3FAD] =	sst s2  }
0xb: {  	[smem:$0x3FAE] =	sst s3  }
0xc: {  	[smem:$0x3FAF] =	sst s4  }
0xd: {  	[smem:$0x3FB0] =	sst s5  }
0xe: {  	[smem:$0x3FB1] =	sst s6  }
0xf: {  	[smem:$0x3FB2] =	sst s7  }
0x10: {  	[smem:$0x3FB3] =	sst s8  }
0x11: {  	[smem:$0x3FB4] =	sst s9;
	s0 =	simm.s32 @!p0 $0x0  }
0x12: {  	s1 =	sld [smem:$0x3F9A];
	s0 =	simm.s32 @p0 $0x1  }
0x13: {  	[smem:$0x3FB5] =	sst s0;
	s0 =	simm.s32 @!p1 $0x0  }
0x14: {  	s2 =	sld [smem:$0x3F99];
	s0 =	simm.s32 @p1 $0x1  }
0x15: {  	[smem:$0x3FB6] =	sst s0;
	s0 =	simm.s32 @!p2 $0x0  }
0x16: {  	s3 =	sld [smem:$0x3FDB];
	s0 =	simm.s32 @p2 $0x1  }
0x17: {  	s4 =	simm.s32 $0x1BF5;
	[smem:$0x3FB8] =	sst s0  }
0x18: {  	s0 =	sld [smem:$0x3F9B];
	_ =	swait.ge [sflag:s4], $0x0  }
0x19: {  	s7 =	sld [smem:$0x3F9C]  }
0x1a: {  	s8 =	sadd.s32 $0xFFFFE003, lr  }
0x1b: {  	s9 =	sadd.s32 $0xFFFFFEF7, lr;
	s5 =	simm.s32 $0xFFFFFFFF;
	p2 =	slt.u32 s8, $0xFFFFF086  }
0x1c: {  	p1 =	slt.u32 s9, $0xF7A;
	s5 =	simm.s32 @!p2 $0x0  }
0x1d: {  	s5 =	simm.s32 @p1 $0x1;
	p0 =	seq.s32 s7, s2  }
0x1e: {  	s7 =	smul.u32 @!p0 $0xF7A, s2;
	p2 =	seq.s32 @!p0 s5, $0x0  }
0x1f: {  	s9 =	smul.u32 $0xF7A, s1;
	s8 =	simm.s32 @!p0 $0x1BF5;
	p2 =	por !p2, p0  }
0x20: {  	[sflag:s8] =	ssyncset.s32 @!p0 $0xFFFFF086;
	s6 =	sadd.s32 @!p0 s3, s7;
	s7 =	simm.s32 @!p0 $0x108  }
0x21: {  	s3 =	sadd.s32 s3, s9;
	s6 =	sadd.s32 @!p0 $0x88, s6;
	s7 =	simm.s32 @p2 $0x1082  }
0x22: {  	[simem:s7], [sflag:s8] =	dma.local @!p0 [hbm:s6], $0xF7A  }
0x23: {  	s9 =	sor.u32 $0xD0000000, s2;
	s6 =	simm.s32 $0x108;
	_ =	swait.ge @!p0 [sflag:s8], $0x0  }
0x24: {  	s3 =	sadd.s32 $0x88, s3;
	s6 =	simm.s32 @!p1 $0x1082;
	[sflag:s4] =	ssyncset.s32 $0xFFFFF086  }
0x25: {  	[simem:s6], [sflag:s4] =	dma.local [hbm:s3], $0xF7A  }
0x26: {  	[smem:$0x3F9C] =	sst s1;
	(tag) =	ssettag s2;
	_ =	strace s9  }
0x27: {  	s1 =	sld [smem:$0x3FAC]  }
0x28: {  	s2 =	sld [smem:$0x3FAD]  }
0x29: {  	s4 =	sld [smem:$0x3FAF]  }
0x2a: {  	p0 =	seq.s32 s5, $0x0;
	s5 =	sld [smem:$0x3FB0]  }
0x2b: {  	s6 =	sld [smem:$0x3FB1]  }
0x2c: {  	s7 =	sld [smem:$0x3FB2]  }
0x2d: {  	s3 =	simm.s32 $0x108;
	s8 =	sld [smem:$0x3FB3]  }
0x2e: {  	s3 =	simm.s32 @!p0 $0x1082;
	s9 =	sld [smem:$0x3FB4]  }
0x2f: {  	lr =	sadd.s32 s0, s3;
	s0 =	sld [smem:$0x3FAB]  }
0x30: {  	s3 =	sld [smem:$0x3FAE]  }
0x31: {  	[smem:$0x3FB7] =	sst s10  }
0x32: {  	s10 =	sld [smem:$0x3FB5];
	_ =	sdelay $0x3  }
0x33: {  	p0 =	seq.s32 s10, $0x1;
	s10 =	sld [smem:$0x3FB7];
	_ =	sdelay $0x3  }
0x34: {  	[smem:$0x3FB7] =	sst s10  }
0x35: {  	s10 =	sld [smem:$0x3FB6];
	_ =	sdelay $0x3  }
0x36: {  	p1 =	seq.s32 s10, $0x1;
	s10 =	sld [smem:$0x3FB7];
	_ =	sdelay $0x3  }
0x37: {  	[smem:$0x3FB7] =	sst s10  }
0x38: {  	s10 =	sld [smem:$0x3FB8]  }
0x39: {  	_ = 	snop;
	(pc) =	sbr.ind lr, $3  }
0x3a: {  	_ = 	snop  }
0x3b: {  	_ = 	snop  }
0x3c: {  	p2 =	seq.s32 s10, $0x1;
	s10 =	sld [smem:$0x3FB7]  }
0x3d: {  	_ =	shalt  }
0x3e: {  	_ =	shalt  }
0x3f: {  	_ =	shalt  }
0x40: {  	_ =	shalt  }
0x41: {  	_ =	shalt  }
0x42: {  	_ =	shalt  }
0x43: {  	_ =	shalt  }
0x44: {  	_ =	shalt  }
0x45: {  	_ =	shalt  }
0x46: {  	_ =	shalt  }
0x47: {  	_ =	shalt  }
0x48: {  	_ =	shalt  }
0x49: {  	_ =	shalt  }
0x4a: {  	_ =	shalt  }
0x4b: {  	_ =	shalt  }
0x4c: {  	_ =	shalt  }
0x4d: {  	_ =	shalt  }
0x4e: {  	_ =	shalt  }
0x4f: {  	_ =	shalt  }
0x50: {  	_ =	shalt  }
0x51: {  	_ =	shalt  }
0x52: {  	_ =	shalt  }
0x53: {  	_ =	shalt  }
0x54: {  	_ =	shalt  }
0x55: {  	_ =	shalt  }
0x56: {  	_ =	shalt  }
0x57: {  	_ =	shalt  }
0x58: {  	_ =	shalt  }
0x59: {  	_ =	shalt  }
0x5a: {  	_ =	shalt  }
0x5b: {  	_ =	shalt  }
0x5c: {  	_ =	shalt  }
0x5d: {  	_ =	shalt  }
0x5e: {  	_ =	shalt  }
0x5f: {  	_ =	shalt  }
0x60: {  	_ =	shalt  }
0x61: {  	_ =	shalt  }
0x62: {  	_ =	shalt  }
0x63: {  	_ =	shalt  }
0x64: {  	_ =	shalt  }
0x65: {  	_ =	shalt  }
0x66: {  	_ =	shalt  }
0x67: {  	_ =	shalt  }
0x68: {  	_ =	shalt  }
0x69: {  	_ =	shalt  }
0x6a: {  	_ =	shalt  }
0x6b: {  	_ =	shalt  }
0x6c: {  	_ =	shalt  }
0x6d: {  	_ =	shalt  }
0x6e: {  	_ =	shalt  }
0x6f: {  	_ =	shalt  }
0x70: {  	_ =	shalt  }
0x71: {  	_ =	shalt  }
0x72: {  	_ =	shalt  }
0x73: {  	_ =	shalt  }
0x74: {  	_ =	shalt  }
0x75: {  	_ =	shalt  }
0x76: {  	_ =	shalt  }
0x77: {  	_ =	shalt  }
0x78: {  	_ =	shalt  }
0x79: {  	_ =	shalt  }
0x7a: {  	_ =	shalt  }
0x7b: {  	_ =	shalt  }
0x7c: {  	_ =	shalt  }
0x7d: {  	_ =	shalt  }
0x7e: {  	_ =	shalt  }
0x7f: {  	_ =	shalt  }
0x80: {  	_ =	shalt  }
0x81: {  	_ =	shalt  }
0x82: {  	_ =	shalt  }
0x83: {  	_ =	shalt  }
0x84: {  	_ =	shalt  }
0x85: {  	_ =	shalt  }
0x86: {  	_ =	shalt  }
0x87: {  	_ =	shalt  }
.Lfunc_end0:
.L_simem_size_0:
called_computation_lowered:
.L_overlay_start_0:
0x88: {  	s2 =	sld [smem:$0x3FD9]  }
0x89: {  	s3 =	sld [smem:$0x3FFE];
	_ =	sdelay $0x1  }
0x8a: {  	s1 =	srdreg.scid  }
0x8b: {  	s0 =	sand.u32 $0x1, s1  }
0x8c: {  	s17 =	sshll.u32 s0, $0xA;
	s2 =	sadd.s32 s3, s2  }
0x8d: {  	s2 =	sadd.s32 s2, s17  }
0x8e: {  	[smem:$0x3FC3] =	sst s2  }
0x8f: {  	_ = 	snop  }
0x90: {  	s2 =	sld [smem:$0x3FC9]  }
0x91: {  	s18 =	sld [smem:$0x3FC8]  }
0x92: {  	s4 =	sld [smem:$0x3FC7]  }
0x93: {  	s5 =	sld [smem:$0x3FC6]  }
0x94: {  	s6 =	sld [smem:$0x3FC5];
	(tm) =	ssettm $0x1  }
0x95: {  	s7 =	sld [smem:$0x3FFB];
	_ =	sdelay $0x3  }
0x96: {  	_ =	strace s7  }
0x97: {  	s7 =	sld [smem:$0x3FFC];
	_ =	sdelay $0x3  }
0x98: {  	_ =	strace s7  }
0x99: {  	s7 =	sld [smem:$0x3FFD];
	_ =	sdelay $0x3  }
0x9a: {  	_ =	strace s7  }
0x9b: {  	_ =	strace $0x8FFFFFFF  }
0x9c: {  	s19 =	sld [smem:$0x3FDB];
	_ =	sdelay $0x1  }
0x9d: {  	s8 =	simm.s32 $_scs_section_size  }
0x9e: {  	s9 =	simm.s32 $_size__tile_overlayer_lowered;
	s10 =	simm.s32 $_tile_overlayer_lowered  }
0x9f: {  	s22 =	simm.s32 $0x1BFF;
	s21 =	sshll.u32 s10, $0x1;
	s7 =	sadd.s32 s8, s19  }
0xa0: {  	s11 =	simm.s32 $0x0;
	s20 =	sshll.u32 s9, $0x1;
	s9 =	sadd.s32 s21, s7  }
0xa1: {  	[timem:s11], [sflag:s22] =	dma.local [hbm:s9], s20  }
0xa2: {  	_ =	swait.ge [sflag:s22], s20  }
0xa3: {  	s8 =	ssub.s32 $0x0, s20;
	[sflag:s22] =	ssyncset.done $0x0  }
0xa4: {  	[sflag:s22] =	ssyncadd.s32 s8;
	_ =	sdelay $0x1  }
0xa5: {  	s23 =	simm.s32 $0x1B8B  }
0xa6: {  	_ =	swait.ge [sflag:s23], $0x1  }
0xa7: {  	[sflag:s23] =	ssyncset.done $0x0  }
0xa8: {  	s25 =	simm.s32 $0x1B8E;
	s24 =	sld [smem:$0x3FFE];
	[sflag:s23] =	ssyncadd.s32 $0xFFFFFFFF  }
0xa9: {  	s26 =	simm.s32 $execute0_lowered;
	[smem:$0x3FD2] =	sst s25  }
0xaa: {  	s9 =	sshll.u32 s26, $0x1;
	_ =	strace $0x80000046;
	[dreg:$0x1] =	wrdreg $0xFFFFFFFF  }
0xab: {  	s28 =	simm.s32 $_size_execute0_lowered;
	s7 =	sadd.s32 s7, s9;
	[dreg:$0x0] =	wrdreg $0x0  }
0xac: {  	s9 =	sshll.u32 s28, $0x1;
	[dreg:$0x2] =	wrdreg s7  }
0xad: {  	[dreg:$0x3] =	wrdreg s9  }
0xae: {  	[dreg:$0x4] =	wrdreg $0xC0  }
0xaf: {  	_ =	task [dreg:s11], $0x5FFFF  }
0xb0: {  	[dreg:$0x1] =	wrdreg $0xFFFFFFFF  }
0xb1: {  	[dreg:$0x0] =	wrdreg $0x60  }
0xb2: {  	[dreg:$0x2] =	wrdreg s5  }
0xb3: {  	[dreg:$0x3] =	wrdreg s6  }
0xb4: {  	[dreg:$0x4] =	wrdreg s2  }
0xb5: {  	[dreg:$0x5] =	wrdreg s18  }
0xb6: {  	[dreg:$0x6] =	wrdreg s4  }
0xb7: {  	[dreg:$0x7] =	wrdreg s24  }
0xb8: {  	[dreg:$0x8] =	wrdreg $0x9  }
0xb9: {  	_ =	task.clear_ibuf [dreg:s11], $0x9FFFF;
	_ =	strace $0x90000046  }
0xba: {  	s29 =	simm.s32 $0x9;
	_ =	strace $0x80000048  }
0xbb: {  	_ =	swait.ge [sflag:s29], $0x1  }
0xbc: {  	[sflag:s29] =	ssyncadd.s32 $0xFFFFFFFF  }
0xbd: {  	_ =	strace $0x90000048  }
0xbe: {  	_ =	sfence  }
0xbf: {  	s30 =	sld [smem:$0x0];
	_ =	sdelay $0x2  }
0xc0: {  	s31 =	sshll.u32 s1, $0xD;
	s1 =	sshrl.u32 s1, $0x2  }
0xc1: {  	s3 =	sand.u32 $0x4000, s31;
	s1 =	sadd.s32 s1, s30  }
0xc2: {  	s0 =	sor.u32 s3, s0;
	s1 =	sshll.u32 s1, $0x11  }
0xc3: {  	s0 =	sor.u32 s1, s0  }
0xc4: {  	s0 =	sadd.s32 $0x8F2B, s0  }
0xc5: {  	[sflag:s0] =	ssyncadd.remote.s32 $0x1  }
0xc6: {  	_ =	sfence.sel $0xFFFF  }
0xc7: {  	[dreg:$0x0] =	wrdreg $0xFFFFFFFF;
	(pc) =	sbr.abs _section_cstart, $3  }
0xc8: {  	[dreg:$0x1] =	wrdreg $0xFFFFFFFF  }
0xc9: {  	_ =	task.clear_ibuf [dreg:s11], $0x2FFFF;
	_ =	strace $0x9FFFFFFF  }
0xca: {  	(tm) =	ssettm $0x7FFFFFFF  }
0xcb: {  	_ =	shalt  }
tec
execute0_lowered:
.L_overlay_start_1:
0x0: {  	(tag) =	ssettag $0x1  }
0x1: {  	s2 =	rddreg [dreg:$0x0]  }
0x2: {  	s3 =	rddreg [dreg:$0x1]  }
0x3: {  	s6 =	rddreg [dreg:$0x2]  }
0x4: {  	s7 =	rddreg [dreg:$0x3]  }
0x5: {  	s1 =	srdreg.scid;
	s0 =	stileid.u32  }
0x6: {  	s4 =	rddreg [dreg:$0x4];
	s20 =	sand.u32 $0x1, s1;
	s8 =	sshll.u32 s0, $0x1  }
0x7: {  	s22 =	rddreg [dreg:$0x5];
	s5 =	simm.s32 $0x0;
	s13 =	sor.u32 s20, s8  }
0x8: {  	[smem:$0x7FF] =	sst s5;
	s8 =	sshll.u32 s13, $0x4  }
0x9: {  	s1 =	rddreg [dreg:$0x6];
	_ =	strace $0x80000047;
	s6 =	sadd.s32 s6, s8  }
0xa: {  	[tilespmem:s5], [sflag:$0x1] =	stream.linear.gather [hbm4b:s6+s5], $0x80, $0x38;
	[tilespmem:$0x8E00] =	vst v63  }
0xb: {  	s9 =	simm.s32 $0x1;
	s8 =	sadd.s32 s7, s8;
	s7 =	simm.s32 $0x80  }
0xc: {  	[tilespmem:s7], [sflag:$0x2] =	stream.linear.gather [hbm4b:s8+s5], $0x80, $0x38;
	[tilespmem:$0x8E00] =	vst v63  }
0xd: {  	_ =	swait.ge [sflag:s9], $0x80  }
0xe: {  	[sflag:s9] =	ssyncset.done $0x0  }
0xf: {  	s11 =	simm.s32 $0x200;
	s10 =	simm.s32 $0x2;
	[sflag:s9] =	ssyncadd.s32 $0xFFFFFF80  }
0x10: {  	[tilespmem:s11], [sflag:$0x1] =	stream.indirect.gather [hbm4b:s2+s7], $0x80, s5, s7, $0xb8;
	[tilespmem:$0x8E00] =	vst v63  }
0x11: {  	v0 =	vlaneseq.u32;
	_ =	swait.ge [sflag:s10], $0x80  }
0x12: {  	s12 =	simm.s32 $0x4200;
	v7 =	vmul.u32 $0x80, v0;
	s14 =	sshll.u32 s13, $0x2;
	[sflag:s10] =	ssyncset.done $0x0  }
0x13: {  	s15 =	sshllo.u32 s13, $0x2;
	s16 =	sor.u32 $0x803, s14;
	[sflag:s10] =	ssyncadd.s32 $0xFFFFFF80  }
0x14: {  	v0 =	vor.u32 s16, v7;
	[tilespmem:s12], [sflag:$0x2] =	stream.indirect.gather [hbm4b:s3+s7], $0x80, s7, s7, $0xb8;
	[tilespmem:$0x8E00] =	vst v63  }
0x15: {  	s28 =	sor.u32 $0x802, s14;
	v1 =	vor.u32 s15, v7;
	[tilespmem:$0x1F0] =	vst v0  }
0x16: {  	s29 =	sor.u32 $0x2, s14;
	v2 =	vor.u32 s28, v7;
	[tilespmem:$0x1E0] =	vst v1  }
0x17: {  	s30 =	sor.u32 $0x801, s14;
	v3 =	vor.u32 s29, v7;
	[tilespmem:$0x1D0] =	vst v2  }
0x18: {  	s31 =	sor.u32 $0x1, s14;
	v4 =	vor.u32 s30, v7;
	[tilespmem:$0x1C0] =	vst v3  }
0x19: {  	v5 =	vor.u32 s31, v7;
	[tilespmem:$0x1B0] =	vst v4  }
0x1a: {  	v6 =	vor.u32 s14, v7;
	s14 =	sor.u32 $0x800, s14;
	[tilespmem:$0x1A0] =	vst v5  }
0x1b: {  	p0 =	sne.s32 s13, $0x0;
	v7 =	vor.u32 s14, v7;
	[tilespmem:$0x180] =	vst v6  }
0x1c: {  	s13 =	simm.s32 @!p0 $0x0;
	s15 =	simm.s32 @!p0 $0x5;
	s14 =	simm.s32 @!p0 $0x100;
	[tilespmem:$0x190] =	vst v7  }
0x1d: {  	[tilespmem:s14], [sflag:$0x5] =	stream.linear.gather @!p0 [hbm4b:s4+s13], $0x80, $0x38;
	[tilespmem:$0x8E00] =	vst v63  }
0x1e: {  	_ =	swait.ge @!p0 [sflag:s15], $0x80  }
0x1f: {  	s17 =	simm.s32 @!p0 $0x8200;
	[sflag:s15] =	ssyncset.done @!p0 $0x0  }
0x20: {  	s18 =	simm.s32 @!p0 $0x3;
	s16 =	simm.s32 @!p0 $0x14;
	[sflag:s15] =	ssyncadd.s32 @!p0 $0xFFFFFF80  }
0x21: {  	[tilespmem:s17], [sflag:$0x3] =	stream.indirect.gather @!p0 [hbm4b:s3+s16], $0x80, s14, s16, $0xb8;
	[tilespmem:$0x8E00] =	vst v63  }
0x22: {  	_ =	swait.ge @!p0 [sflag:s18], $0xA00  }
0x23: {  	s20 =	ssub.s32 $0x2, s20;
	[sflag:s18] =	ssyncset.done @!p0 $0x0  }
0x24: {  	s19 =	sadd.s32 $0x20E00, s22;
	s21 =	sshrl.u32 s20, $0x1;
	[sflag:s18] =	ssyncadd.s32 @!p0 $0xFFFFF600  }
0x25: {  	[hbm4b:s19+s13] =	stream.linear.scatter @!p0 [tilespmem:s17], [sflag:$0x5], $0xA00, $0x38;
	[tilespmem:$0x8E00] =	vst v63  }
0x26: {  	s21 =	ssub.s32 s20, s21;
	_ =	swait.ge @!p0 [sflag:s15], $0xA00  }
0x27: {  	s23 =	smax.u32 s21, $0x1;
	[sflag:s15] =	ssyncset.done @!p0 $0x0  }
0x28: {  	s23 =	sadd.s32 $0xFFFFFFFF, s23;
	[sflag:s15] =	ssyncadd.s32 @!p0 $0xFFFFF600  }
0x29: {  	p1 =	sne.s32 s23, $0x0;
	_ =	swait.ge [sflag:s9], $0x4000  }
.Ltmp0:
0x2a: {  	[sflag:s9] =	ssyncset.done $0x0;
	(pc) =	sbr.rel @!p1 .LBB2_2-.Ltmp0, $4  }
0x2b: {  	s20 =	sadd.s32 $0xE00, s22;
	s21 =	simm.s32 $0x180;
	[sflag:s9] =	ssyncadd.s32 $0xFFFFC000  }
0x2c: {  	[hbm4b:s20+s7] =	stream.indirect.scatter [tilespmem:s11], [sflag:$0x4], $0x80, s21, s7, $0xb8;
	[tilespmem:$0x8E00] =	vst v63  }
0x2d: {  	_ =	swait.ge [sflag:s10], $0x4000  }
0x2e: {  	s24 =	sadd.s32 $0x10E00, s22;
	s22 =	simm.s32 $0x4;
	[sflag:s10] =	ssyncset.done $0x0  }
.LBB2_1:
0x2f: {  	s23 =	sadd.s32 $0xFFFFFFFF, s23;
	[sflag:s10] =	ssyncadd.s32 $0xFFFFC000  }
0x30: {  	[hbm4b:s24+s7] =	stream.indirect.scatter [tilespmem:s12], [sflag:$0x4], $0x80, s21, s7, $0xb8;
	[tilespmem:$0x8E00] =	vst v63  }
0x31: {  	p1 =	sne.s32 s23, $0x0;
	_ =	swait.ge [sflag:s22], $0x4000  }
0x32: {  	[sflag:s22] =	ssyncset.done $0x0  }
0x33: {  	[sflag:s22] =	ssyncadd.s32 $0xFFFFC000  }
0x34: {  	_ =	swait.ge [sflag:s22], $0x4000  }
0x35: {  	[sflag:s22] =	ssyncset.done $0x0  }
0x36: {  	[sflag:s22] =	ssyncadd.s32 $0xFFFFC000  }
0x37: {  	[tilespmem:s5], [sflag:$0x1] =	stream.linear.gather [hbm4b:s6+s5], $0x80, $0x38;
	[tilespmem:$0x8E00] =	vst v63  }
0x38: {  	_ = 	snop  }
0x39: {  	[tilespmem:s7], [sflag:$0x2] =	stream.linear.gather [hbm4b:s8+s5], $0x80, $0x38;
	[tilespmem:$0x8E00] =	vst v63  }
0x3a: {  	_ =	swait.ge [sflag:s9], $0x80  }
0x3b: {  	[sflag:s9] =	ssyncset.done $0x0  }
0x3c: {  	[sflag:s9] =	ssyncadd.s32 $0xFFFFFF80  }
0x3d: {  	[tilespmem:s11], [sflag:$0x1] =	stream.indirect.gather [hbm4b:s2+s7], $0x80, s5, s7, $0xb8;
	[tilespmem:$0x8E00] =	vst v63  }
0x3e: {  	_ =	swait.ge [sflag:s10], $0x80  }
0x3f: {  	[sflag:s10] =	ssyncset.done $0x0  }
0x40: {  	[sflag:s10] =	ssyncadd.s32 $0xFFFFFF80  }
0x41: {  	[tilespmem:s12], [sflag:$0x2] =	stream.indirect.gather [hbm4b:s3+s7], $0x80, s7, s7, $0xb8;
	[tilespmem:$0x8E00] =	vst v63  }
0x42: {  	[tilespmem:$0x1F0] =	vst v0  }
0x43: {  	[tilespmem:$0x1E0] =	vst v1  }
0x44: {  	[tilespmem:$0x1D0] =	vst v2  }
0x45: {  	[tilespmem:$0x1C0] =	vst v3  }
0x46: {  	[tilespmem:$0x1B0] =	vst v4  }
0x47: {  	[tilespmem:$0x1A0] =	vst v5  }
0x48: {  	[tilespmem:$0x180] =	vst v6  }
0x49: {  	[tilespmem:$0x190] =	vst v7  }
0x4a: {  	[tilespmem:s14], [sflag:$0x5] =	stream.linear.gather @!p0 [hbm4b:s4+s13], $0x80, $0x38;
	[tilespmem:$0x8E00] =	vst v63  }
0x4b: {  	_ =	swait.ge @!p0 [sflag:s15], $0x80  }
0x4c: {  	[sflag:s15] =	ssyncset.done @!p0 $0x0  }
0x4d: {  	[sflag:s15] =	ssyncadd.s32 @!p0 $0xFFFFFF80  }
0x4e: {  	[tilespmem:s17], [sflag:$0x3] =	stream.indirect.gather @!p0 [hbm4b:s3+s16], $0x80, s14, s16, $0xb8;
	[tilespmem:$0x8E00] =	vst v63  }
0x4f: {  	_ =	swait.ge @!p0 [sflag:s18], $0xA00  }
0x50: {  	[sflag:s18] =	ssyncset.done @!p0 $0x0  }
0x51: {  	[sflag:s18] =	ssyncadd.s32 @!p0 $0xFFFFF600  }
0x52: {  	[hbm4b:s19+s13] =	stream.linear.scatter @!p0 [tilespmem:s17], [sflag:$0x5], $0xA00, $0x38;
	[tilespmem:$0x8E00] =	vst v63  }
0x53: {  	_ =	swait.ge @!p0 [sflag:s15], $0xA00  }
0x54: {  	[sflag:s15] =	ssyncset.done @!p0 $0x0  }
0x55: {  	[sflag:s15] =	ssyncadd.s32 @!p0 $0xFFFFF600  }
0x56: {  	_ =	swait.ge [sflag:s9], $0x4000  }
.Ltmp1:
0x57: {  	[sflag:s9] =	ssyncset.done $0x0;
	(pc) =	sbr.rel @p1 .LBB2_1-.Ltmp1, $4  }
0x58: {  	[sflag:s9] =	ssyncadd.s32 $0xFFFFC000  }
0x59: {  	[hbm4b:s20+s7] =	stream.indirect.scatter [tilespmem:s11], [sflag:$0x4], $0x80, s21, s7, $0xb8;
	[tilespmem:$0x8E00] =	vst v63  }
0x5a: {  	_ =	swait.ge [sflag:s10], $0x4000  }
0x5b: {  	[sflag:s10] =	ssyncset.done $0x0  }
.LBB2_2:
0x5c: {  	[sflag:s10] =	ssyncadd.s32 $0xFFFFC000  }
0x5d: {  	[hbm4b:s24+s7] =	stream.indirect.scatter [tilespmem:s12], [sflag:$0x4], $0x80, s21, s7, $0xb8;
	[tilespmem:$0x8E00] =	vst v63  }
0x5e: {  	_ =	swait.ge [sflag:s22], $0x4000  }
0x5f: {  	[sflag:s22] =	ssyncset.done $0x0  }
0x60: {  	[sflag:s22] =	ssyncadd.s32 $0xFFFFC000  }
0x61: {  	_ =	swait.ge [sflag:s22], $0x4000  }
0x62: {  	[sflag:s22] =	ssyncset.done $0x0  }
0x63: {  	[sflag:s22] =	ssyncadd.s32 $0xFFFFC000  }
0x64: {  	_ =	sfence.sel $0x180000  }
0x65: {  	[bflag:$0x0] =	sbarrier.arrive $0xFFFF  }
0x66: {  	p0 =	sne.s32 s0, $0x0;
	_ =	strace $0x90000047  }
0x67: {  	s0 =	sadd.s32 @!p0 $0x100000, s1;
	[bflag:$0x2] =	sbarrier.arrive $0xFFFF  }
0x68: {  	[sflag:s0] =	ssyncadd.tile.s32 @!p0 $0x1;
	_ =	shalt  }
.Lfunc_end2:
_tile_overlayer_lowered:
.L_overlay_start_2:
0x69: {  	(tag) =	ssettag $0x2  }
0x6a: {  	s0 =	rddreg [dreg:$0x0];
	s2 =	stileid.u32  }
0x6b: {  	s1 =	rddreg [dreg:$0x1];
	p0 =	sne.s32 s2, $0x0  }
0x6c: {  	s3 =	rddreg [dreg:$0x2];
	[bflag:$0x3] =	sbarrier.arrive $0xFFFF;
	s2 =	simm.s32 @!p0 $0x1C05  }
0x6d: {  	[timem:s3], [sflag:s2] =	dma.local @!p0 [hbm:s0], s1  }
0x6e: {  	s0 =	simm.s32 @!p0 $0x5  }
0x6f: {  	_ =	swait.ge @!p0 [sflag:s0], s1  }
0x70: {  	s1 =	ssub.s32 @!p0 $0x0, s1;
	[sflag:s0] =	ssyncset.done @!p0 $0x0  }
0x71: {  	[sflag:s0] =	ssyncadd.s32 @!p0 s1  }
0x72: {  	[bflag:$0x3] =	sbarrier.arrive $0xFFFF  }
0x73: {  	_ =	shalt  }

</sc_bundles>
